<compile_context>
chip_gen: v7x
topology: tpu7x:2x2x1
jax: 0.10.2.dev20260603
libtpu: 0.0.44.dev20260713+nightly
codegen_flags: <defaults>
</compile_context>

<pallas_src>
import jax
import jax.numpy as jnp
from jax import lax
from jax.experimental import pallas as pl
from jax.experimental.pallas import tpu as pltpu
from jax.experimental.pallas import tpu_sc as plsc

NUM_TABLE_ROWS = 100000
DIM = 128
BATCH = 4096 * 50
NUM_WORKERS = 32
PER_WORKER = BATCH // NUM_WORKERS
CHUNK = 128
G_PER = 2
SUPER = CHUNK * G_PER
N_SUP = PER_WORKER // SUPER
NBUF = 3


def _emb_kernel(ids_hbm, table_hbm, out_hbm, idx_v, *bufs):
    rows = list(bufs[:NBUF])
    gsem = list(bufs[NBUF:NBUF + NBUF * G_PER])
    ssem = list(bufs[NBUF + NBUF * G_PER:])
    wid = lax.axis_index("s") * 2 + lax.axis_index("c")
    base = wid * PER_WORKER
    pltpu.sync_copy(ids_hbm.at[pl.ds(base, PER_WORKER)], idx_v)

    def g_copy(s, h, b):
        idx = idx_v.at[pl.ds((s * G_PER + h) * CHUNK, CHUNK)]
        return pltpu.make_async_copy(
            table_hbm.at[idx], rows[b].at[pl.ds(h * CHUNK, CHUNK)],
            gsem[b * G_PER + h])

    def s_copy(s, b):
        dst = out_hbm.at[pl.ds(base + s * SUPER, SUPER)]
        return pltpu.make_async_copy(rows[b], dst, ssem[b])

    for s in range(min(NBUF - 1, N_SUP)):
        for h in range(G_PER):
            g_copy(s, h, s).start()

    for s in range(N_SUP):
        b = s % NBUF
        ps = s + NBUF - 1
        if ps < N_SUP:
            pb = ps % NBUF
            if ps - NBUF >= 0:
                s_copy(ps - NBUF, pb).wait()
            for h in range(G_PER):
                g_copy(ps, h, pb).start()
        for h in range(G_PER):
            g_copy(s, h, b).wait()
        s_copy(s, b).start()

    for s in range(max(0, N_SUP - NBUF), N_SUP):
        s_copy(s, s % NBUF).wait()


@jax.jit
def _lookup(ids_flat, embeddings):
    mesh = plsc.VectorSubcoreMesh(core_axis_name="c", subcore_axis_name="s")
    return pl.kernel(
        _emb_kernel,
        out_type=jax.ShapeDtypeStruct((BATCH, DIM), jnp.float32),
        mesh=mesh,
        scratch_types=(
            [pltpu.VMEM((PER_WORKER,), jnp.int32)]
            + [pltpu.VMEM((SUPER, DIM), jnp.float32)] * NBUF
            + [pltpu.SemaphoreType.DMA] * (NBUF * G_PER + NBUF)
        ),
    )(ids_flat, embeddings)


def kernel(token_ids, embeddings):
    b, t = token_ids.shape
    out = _lookup(token_ids.reshape(-1), embeddings)
    return out.reshape(b, t, DIM)

# --- scband reference (transcript-rebuilt; emitter-appended) ---
"""Pipeline reference for scband-embedding-11166914970359 (READ-ONLY COPY).

The authoritative reference and input builder live on the scoring server;
editing this copy changes nothing except your own understanding.
"""

import jax, jax.numpy as jnp
import numpy as np

NUM_EMBEDDINGS = 100000
EMBEDDING_DIM = 128

def setup_inputs(seed: int = 0) -> dict:
    key = jax.random.key(seed)
    k1, k2 = jax.random.split(key)
    token_ids = jax.random.randint(k1, (4096, 50), 0, NUM_EMBEDDINGS, dtype=jnp.int64 if jax.config.read('jax_enable_x64') else jnp.int32)
    # truncated normal init, std=1.0, truncated at [-3, 3]
    embeddings = jax.random.truncated_normal(k2, -3.0, 3.0, (NUM_EMBEDDINGS, EMBEDDING_DIM), dtype=jnp.float32)
    return {"token_ids": token_ids, "embeddings": embeddings}

def reference(token_ids, embeddings):
    # embedding lookup: table[token_ids]
    return jnp.take(embeddings, token_ids, axis=0)

if __name__ == "__main__":
    import jax
    _d = setup_inputs()
    print(jax.jit(kernel)(*tuple(_d.values())))

</pallas_src>

<mosaic_0001>
#map = affine_map<(d0, d1) -> (0)>
#map1 = affine_map<(d0, d1) -> (0, 0)>
module attributes {stable_mosaic.version = 14 : i64} {
  func.func @_emb_kernel(%arg0: i32, %arg1: i32, %arg2: memref<204800xi32, #tpu.memory_space<hbm>>, %arg3: memref<100000x128xf32, #tpu.memory_space<hbm>>, %arg4: memref<204800x128xf32, #tpu.memory_space<hbm>>, %arg5: memref<6400xi32, #tpu.memory_space<vmem>>, %arg6: memref<256x128xf32, #tpu.memory_space<vmem>>, %arg7: memref<256x128xf32, #tpu.memory_space<vmem>>, %arg8: memref<256x128xf32, #tpu.memory_space<vmem>>, %arg9: memref<!tpu.dma_semaphore, #tpu.memory_space<semaphore_mem>>, %arg10: memref<!tpu.dma_semaphore, #tpu.memory_space<semaphore_mem>>, %arg11: memref<!tpu.dma_semaphore, #tpu.memory_space<semaphore_mem>>, %arg12: memref<!tpu.dma_semaphore, #tpu.memory_space<semaphore_mem>>, %arg13: memref<!tpu.dma_semaphore, #tpu.memory_space<semaphore_mem>>, %arg14: memref<!tpu.dma_semaphore, #tpu.memory_space<semaphore_mem>>, %arg15: memref<!tpu.dma_semaphore, #tpu.memory_space<semaphore_mem>>, %arg16: memref<!tpu.dma_semaphore, #tpu.memory_space<semaphore_mem>>, %arg17: memref<!tpu.dma_semaphore, #tpu.memory_space<semaphore_mem>>) attributes {dimension_semantics = [#tpu.dimension_semantics<core_parallel>, #tpu.dimension_semantics<subcore_parallel>], iteration_bounds = array<i64: 2, 16>, scalar_prefetch = 0 : i64, scratch_operands = 13 : i64, tpu.core_type = #tpu.core_type<sc_vector_subcore>, window_params = [{transform_indices = #map}, {transform_indices = #map1}, {transform_indices = #map1}]} {
    %mul3A = arith.constant 2 : i32
    %mul3A_0 = arith.muli %arg1, %mul3A : i32
    %add3A = arith.addi %mul3A_0, %arg0 : i32
    %mul3A_1 = arith.constant 6400 : i32
    %mul3A_2 = arith.muli %add3A, %mul3A_1 : i32
    "tpu.region"() ({
      %run_scoped3A = tpu.sem_alloc : memref<!tpu.dma_semaphore, #tpu.memory_space<semaphore_mem>>
      %dma_start3A_1101 = tpu.memref_slice %arg2[%mul3A_2] : memref<204800xi32, #tpu.memory_space<hbm>> -> memref<6400xi32, #tpu.memory_space<hbm>>
      %dma_start3A_1102 = tpu.memref_slice %arg2[%mul3A_2] : memref<204800xi32, #tpu.memory_space<hbm>> -> memref<6400xi32, #tpu.memory_space<hbm>>
      tpu.enqueue_dma source(%dma_start3A_1102 : memref<6400xi32, #tpu.memory_space<hbm>>) target(%arg5 : memref<6400xi32, #tpu.memory_space<vmem>>) target_semaphore(%run_scoped3A : memref<!tpu.dma_semaphore, #tpu.memory_space<semaphore_mem>>)
      %dma_wait3A_1103 = tpu.memref_slice %arg2[%mul3A_2] : memref<204800xi32, #tpu.memory_space<hbm>> -> memref<6400xi32, #tpu.memory_space<hbm>>
      %dma_wait3A_1104 = tpu.memref_slice %arg2[%mul3A_2] : memref<204800xi32, #tpu.memory_space<hbm>> -> memref<6400xi32, #tpu.memory_space<hbm>>
      tpu.wait_dma2 semaphore(%run_scoped3A : memref<!tpu.dma_semaphore, #tpu.memory_space<semaphore_mem>>) src(%dma_wait3A_1104 : memref<6400xi32, #tpu.memory_space<hbm>>) dst(%arg5 : memref<6400xi32, #tpu.memory_space<vmem>>)
      tpu.yield
    }) : () -> ()
    %dma_start3A = arith.constant 0 : i32
    %dma_start3A_3 = arith.constant 0 : i32
    %dma_start3A_4 = tpu.memref_slice %arg6[%dma_start3A, %dma_start3A_3] : memref<256x128xf32, #tpu.memory_space<vmem>> -> memref<128x128xf32, #tpu.memory_space<vmem>>
    %dma_start3A_5 = arith.constant 0 : i32
    %dma_start3A_6 = tpu.memref_slice %arg5[%dma_start3A_5] : memref<6400xi32, #tpu.memory_space<vmem>> -> memref<128xi32, #tpu.memory_space<vmem>>
    %dma_start3A_7 = arith.constant 0 : i32
    %dma_start3A_8 = arith.constant 0 : i32
    %dma_start3A_9 = tpu.memref_slice %arg3[%dma_start3A_7, %dma_start3A_8] : memref<100000x128xf32, #tpu.memory_space<hbm>> -> memref<100000x128xf32, #tpu.memory_space<hbm>>
    tpu.enqueue_indirect_dma source(%dma_start3A_9 : memref<100000x128xf32, #tpu.memory_space<hbm>>) target(%dma_start3A_4 : memref<128x128xf32, #tpu.memory_space<vmem>>) offsets(%dma_start3A_6 : memref<128xi32, #tpu.memory_space<vmem>>) semaphore(%arg9 : memref<!tpu.dma_semaphore, #tpu.memory_space<semaphore_mem>>)
    %dma_start3A_10 = arith.constant 128 : i32
    %dma_start3A_11 = arith.constant 0 : i32
    %dma_start3A_12 = tpu.memref_slice %arg6[%dma_start3A_10, %dma_start3A_11] : memref<256x128xf32, #tpu.memory_space<vmem>> -> memref<128x128xf32, #tpu.memory_space<vmem>>
    %dma_start3A_13 = arith.constant 128 : i32
    %dma_start3A_14 = tpu.memref_slice %arg5[%dma_start3A_13] : memref<6400xi32, #tpu.memory_space<vmem>> -> memref<128xi32, #tpu.memory_space<vmem>>
    %dma_start3A_15 = arith.constant 0 : i32
    %dma_start3A_16 = arith.constant 0 : i32
    %dma_start3A_17 = tpu.memref_slice %arg3[%dma_start3A_15, %dma_start3A_16] : memref<100000x128xf32, #tpu.memory_space<hbm>> -> memref<100000x128xf32, #tpu.memory_space<hbm>>
    tpu.enqueue_indirect_dma source(%dma_start3A_17 : memref<100000x128xf32, #tpu.memory_space<hbm>>) target(%dma_start3A_12 : memref<128x128xf32, #tpu.memory_space<vmem>>) offsets(%dma_start3A_14 : memref<128xi32, #tpu.memory_space<vmem>>) semaphore(%arg10 : memref<!tpu.dma_semaphore, #tpu.memory_space<semaphore_mem>>)
    %dma_start3A_18 = arith.constant 0 : i32
    %dma_start3A_19 = arith.constant 0 : i32
    %dma_start3A_20 = tpu.memref_slice %arg7[%dma_start3A_18, %dma_start3A_19] : memref<256x128xf32, #tpu.memory_space<vmem>> -> memref<128x128xf32, #tpu.memory_space<vmem>>
    %dma_start3A_21 = arith.constant 256 : i32
    %dma_start3A_22 = tpu.memref_slice %arg5[%dma_start3A_21] : memref<6400xi32, #tpu.memory_space<vmem>> -> memref<128xi32, #tpu.memory_space<vmem>>
    %dma_start3A_23 = arith.constant 0 : i32
    %dma_start3A_24 = arith.constant 0 : i32
    %dma_start3A_25 = tpu.memref_slice %arg3[%dma_start3A_23, %dma_start3A_24] : memref<100000x128xf32, #tpu.memory_space<hbm>> -> memref<100000x128xf32, #tpu.memory_space<hbm>>
    tpu.enqueue_indirect_dma source(%dma_start3A_25 : memref<100000x128xf32, #tpu.memory_space<hbm>>) target(%dma_start3A_20 : memref<128x128xf32, #tpu.memory_space<vmem>>) offsets(%dma_start3A_22 : memref<128xi32, #tpu.memory_space<vmem>>) semaphore(%arg11 : memref<!tpu.dma_semaphore, #tpu.memory_space<semaphore_mem>>)
    %dma_start3A_26 = arith.constant 128 : i32
    %dma_start3A_27 = arith.constant 0 : i32
    %dma_start3A_28 = tpu.memref_slice %arg7[%dma_start3A_26, %dma_start3A_27] : memref<256x128xf32, #tpu.memory_space<vmem>> -> memref<128x128xf32, #tpu.memory_space<vmem>>
    %dma_start3A_29 = arith.constant 384 : i32
    %dma_start3A_30 = tpu.memref_slice %arg5[%dma_start3A_29] : memref<6400xi32, #tpu.memory_space<vmem>> -> memref<128xi32, #tpu.memory_space<vmem>>
    %dma_start3A_31 = arith.constant 0 : i32
    %dma_start3A_32 = arith.constant 0 : i32
    %dma_start3A_33 = tpu.memref_slice %arg3[%dma_start3A_31, %dma_start3A_32] : memref<100000x128xf32, #tpu.memory_space<hbm>> -> memref<100000x128xf32, #tpu.memory_space<hbm>>
    tpu.enqueue_indirect_dma source(%dma_start3A_33 : memref<100000x128xf32, #tpu.memory_space<hbm>>) target(%dma_start3A_28 : memref<128x128xf32, #tpu.memory_space<vmem>>) offsets(%dma_start3A_30 : memref<128xi32, #tpu.memory_space<vmem>>) semaphore(%arg12 : memref<!tpu.dma_semaphore, #tpu.memory_space<semaphore_mem>>)
    %dma_start3A_34 = arith.constant 0 : i32
    %dma_start3A_35 = arith.constant 0 : i32
    %dma_start3A_36 = tpu.memref_slice %arg8[%dma_start3A_34, %dma_start3A_35] : memref<256x128xf32, #tpu.memory_space<vmem>> -> memref<128x128xf32, #tpu.memory_space<vmem>>
    %dma_start3A_37 = arith.constant 512 : i32
    %dma_start3A_38 = tpu.memref_slice %arg5[%dma_start3A_37] : memref<6400xi32, #tpu.memory_space<vmem>> -> memref<128xi32, #tpu.memory_space<vmem>>
    %dma_start3A_39 = arith.constant 0 : i32
    %dma_start3A_40 = arith.constant 0 : i32
    %dma_start3A_41 = tpu.memref_slice %arg3[%dma_start3A_39, %dma_start3A_40] : memref<100000x128xf32, #tpu.memory_space<hbm>> -> memref<100000x128xf32, #tpu.memory_space<hbm>>
    tpu.enqueue_indirect_dma source(%dma_start3A_41 : memref<100000x128xf32, #tpu.memory_space<hbm>>) target(%dma_start3A_36 : memref<128x128xf32, #tpu.memory_space<vmem>>) offsets(%dma_start3A_38 : memref<128xi32, #tpu.memory_space<vmem>>) semaphore(%arg13 : memref<!tpu.dma_semaphore, #tpu.memory_space<semaphore_mem>>)
    %dma_start3A_42 = arith.constant 128 : i32
    %dma_start3A_43 = arith.constant 0 : i32
    %dma_start3A_44 = tpu.memref_slice %arg8[%dma_start3A_42, %dma_start3A_43] : memref<256x128xf32, #tpu.memory_space<vmem>> -> memref<128x128xf32, #tpu.memory_space<vmem>>
    %dma_start3A_45 = arith.constant 640 : i32
    %dma_start3A_46 = tpu.memref_slice %arg5[%dma_start3A_45] : memref<6400xi32, #tpu.memory_space<vmem>> -> memref<128xi32, #tpu.memory_space<vmem>>
    %dma_start3A_47 = arith.constant 0 : i32
    %dma_start3A_48 = arith.constant 0 : i32
    %dma_start3A_49 = tpu.memref_slice %arg3[%dma_start3A_47, %dma_start3A_48] : memref<100000x128xf32, #tpu.memory_space<hbm>> -> memref<100000x128xf32, #tpu.memory_space<hbm>>
    tpu.enqueue_indirect_dma source(%dma_start3A_49 : memref<100000x128xf32, #tpu.memory_space<hbm>>) target(%dma_start3A_44 : memref<128x128xf32, #tpu.memory_space<vmem>>) offsets(%dma_start3A_46 : memref<128xi32, #tpu.memory_space<vmem>>) semaphore(%arg14 : memref<!tpu.dma_semaphore, #tpu.memory_space<semaphore_mem>>)
    %dma_wait3A = arith.constant 0 : i32
    %dma_wait3A_50 = arith.constant 0 : i32
    %dma_wait3A_51 = tpu.memref_slice %arg6[%dma_wait3A, %dma_wait3A_50] : memref<256x128xf32, #tpu.memory_space<vmem>> -> memref<128x128xf32, #tpu.memory_space<vmem>>
    %dma_wait3A_52 = arith.constant 0 : i32
    %dma_wait3A_53 = tpu.memref_slice %arg5[%dma_wait3A_52] : memref<6400xi32, #tpu.memory_space<vmem>> -> memref<128xi32, #tpu.memory_space<vmem>>
    %dma_wait3A_54 = arith.constant 0 : i32
    %dma_wait3A_55 = arith.constant 0 : i32
    %dma_wait3A_56 = tpu.memref_slice %arg3[%dma_wait3A_54, %dma_wait3A_55] : memref<100000x128xf32, #tpu.memory_space<hbm>> -> memref<100000x128xf32, #tpu.memory_space<hbm>>
    tpu.wait_indirect_dma semaphore(%arg9 : memref<!tpu.dma_semaphore, #tpu.memory_space<semaphore_mem>>) src(%dma_wait3A_56 : memref<100000x128xf32, #tpu.memory_space<hbm>>) dst(%dma_wait3A_51 : memref<128x128xf32, #tpu.memory_space<vmem>>)
    %dma_wait3A_57 = arith.constant 128 : i32
    %dma_wait3A_58 = arith.constant 0 : i32
    %dma_wait3A_59 = tpu.memref_slice %arg6[%dma_wait3A_57, %dma_wait3A_58] : memref<256x128xf32, #tpu.memory_space<vmem>> -> memref<128x128xf32, #tpu.memory_space<vmem>>
    %dma_wait3A_60 = arith.constant 128 : i32
    %dma_wait3A_61 = tpu.memref_slice %arg5[%dma_wait3A_60] : memref<6400xi32, #tpu.memory_space<vmem>> -> memref<128xi32, #tpu.memory_space<vmem>>
    %dma_wait3A_62 = arith.constant 0 : i32
    %dma_wait3A_63 = arith.constant 0 : i32
    %dma_wait3A_64 = tpu.memref_slice %arg3[%dma_wait3A_62, %dma_wait3A_63] : memref<100000x128xf32, #tpu.memory_space<hbm>> -> memref<100000x128xf32, #tpu.memory_space<hbm>>
    tpu.wait_indirect_dma semaphore(%arg10 : memref<!tpu.dma_semaphore, #tpu.memory_space<semaphore_mem>>) src(%dma_wait3A_64 : memref<100000x128xf32, #tpu.memory_space<hbm>>) dst(%dma_wait3A_59 : memref<128x128xf32, #tpu.memory_space<vmem>>)
    %add3A_65 = arith.constant 0 : i32
    %add3A_66 = arith.addi %mul3A_2, %add3A_65 : i32
    %dma_start3A_67 = arith.constant 0 : i32
    %dma_start3A_68 = tpu.memref_slice %arg4[%add3A_66, %dma_start3A_67] : memref<204800x128xf32, #tpu.memory_space<hbm>> -> memref<256x128xf32, #tpu.memory_space<hbm>>
    %dma_start3A_69 = arith.constant 0 : i32
    %dma_start3A_70 = tpu.memref_slice %arg4[%add3A_66, %dma_start3A_69] : memref<204800x128xf32, #tpu.memory_space<hbm>> -> memref<256x128xf32, #tpu.memory_space<hbm>>
    tpu.enqueue_dma source(%arg6 : memref<256x128xf32, #tpu.memory_space<vmem>>) target(%dma_start3A_70 : memref<256x128xf32, #tpu.memory_space<hbm>>) target_semaphore(%arg15 : memref<!tpu.dma_semaphore, #tpu.memory_space<semaphore_mem>>)
    %add3A_71 = arith.constant 0 : i32
    %add3A_72 = arith.addi %mul3A_2, %add3A_71 : i32
    %dma_wait3A_73 = arith.constant 0 : i32
    %dma_wait3A_74 = tpu.memref_slice %arg4[%add3A_72, %dma_wait3A_73] : memref<204800x128xf32, #tpu.memory_space<hbm>> -> memref<256x128xf32, #tpu.memory_space<hbm>>
    %dma_wait3A_75 = arith.constant 0 : i32
    %dma_wait3A_76 = tpu.memref_slice %arg4[%add3A_72, %dma_wait3A_75] : memref<204800x128xf32, #tpu.memory_space<hbm>> -> memref<256x128xf32, #tpu.memory_space<hbm>>
    tpu.wait_dma2 semaphore(%arg15 : memref<!tpu.dma_semaphore, #tpu.memory_space<semaphore_mem>>) src(%arg6 : memref<256x128xf32, #tpu.memory_space<vmem>>) dst(%dma_wait3A_76 : memref<256x128xf32, #tpu.memory_space<hbm>>)
    %dma_start3A_77 = arith.constant 0 : i32
    %dma_start3A_78 = arith.constant 0 : i32
    %dma_start3A_79 = tpu.memref_slice %arg6[%dma_start3A_77, %dma_start3A_78] : memref<256x128xf32, #tpu.memory_space<vmem>> -> memref<128x128xf32, #tpu.memory_space<vmem>>
    %dma_start3A_80 = arith.constant 768 : i32
    %dma_start3A_81 = tpu.memref_slice %arg5[%dma_start3A_80] : memref<6400xi32, #tpu.memory_space<vmem>> -> memref<128xi32, #tpu.memory_space<vmem>>
    %dma_start3A_82 = arith.constant 0 : i32
    %dma_start3A_83 = arith.constant 0 : i32
    %dma_start3A_84 = tpu.memref_slice %arg3[%dma_start3A_82, %dma_start3A_83] : memref<100000x128xf32, #tpu.memory_space<hbm>> -> memref<100000x128xf32, #tpu.memory_space<hbm>>
    tpu.enqueue_indirect_dma source(%dma_start3A_84 : memref<100000x128xf32, #tpu.memory_space<hbm>>) target(%dma_start3A_79 : memref<128x128xf32, #tpu.memory_space<vmem>>) offsets(%dma_start3A_81 : memref<128xi32, #tpu.memory_space<vmem>>) semaphore(%arg9 : memref<!tpu.dma_semaphore, #tpu.memory_space<semaphore_mem>>)
    %dma_start3A_85 = arith.constant 128 : i32
    %dma_start3A_86 = arith.constant 0 : i32
    %dma_start3A_87 = tpu.memref_slice %arg6[%dma_start3A_85, %dma_start3A_86] : memref<256x128xf32, #tpu.memory_space<vmem>> -> memref<128x128xf32, #tpu.memory_space<vmem>>
    %dma_start3A_88 = arith.constant 896 : i32
    %dma_start3A_89 = tpu.memref_slice %arg5[%dma_start3A_88] : memref<6400xi32, #tpu.memory_space<vmem>> -> memref<128xi32, #tpu.memory_space<vmem>>
    %dma_start3A_90 = arith.constant 0 : i32
    %dma_start3A_91 = arith.constant 0 : i32
    %dma_start3A_92 = tpu.memref_slice %arg3[%dma_start3A_90, %dma_start3A_91] : memref<100000x128xf32, #tpu.memory_space<hbm>> -> memref<100000x128xf32, #tpu.memory_space<hbm>>
    tpu.enqueue_indirect_dma source(%dma_start3A_92 : memref<100000x128xf32, #tpu.memory_space<hbm>>) target(%dma_start3A_87 : memref<128x128xf32, #tpu.memory_space<vmem>>) offsets(%dma_start3A_89 : memref<128xi32, #tpu.memory_space<vmem>>) semaphore(%arg10 : memref<!tpu.dma_semaphore, #tpu.memory_space<semaphore_mem>>)
    %dma_wait3A_93 = arith.constant 0 : i32
    %dma_wait3A_94 = arith.constant 0 : i32
    %dma_wait3A_95 = tpu.memref_slice %arg7[%dma_wait3A_93, %dma_wait3A_94] : memref<256x128xf32, #tpu.memory_space<vmem>> -> memref<128x128xf32, #tpu.memory_space<vmem>>
    %dma_wait3A_96 = arith.constant 256 : i32
    %dma_wait3A_97 = tpu.memref_slice %arg5[%dma_wait3A_96] : memref<6400xi32, #tpu.memory_space<vmem>> -> memref<128xi32, #tpu.memory_space<vmem>>
    %dma_wait3A_98 = arith.constant 0 : i32
    %dma_wait3A_99 = arith.constant 0 : i32
    %dma_wait3A_100 = tpu.memref_slice %arg3[%dma_wait3A_98, %dma_wait3A_99] : memref<100000x128xf32, #tpu.memory_space<hbm>> -> memref<100000x128xf32, #tpu.memory_space<hbm>>
    tpu.wait_indirect_dma semaphore(%arg11 : memref<!tpu.dma_semaphore, #tpu.memory_space<semaphore_mem>>) src(%dma_wait3A_100 : memref<100000x128xf32, #tpu.memory_space<hbm>>) dst(%dma_wait3A_95 : memref<128x128xf32, #tpu.memory_space<vmem>>)
    %dma_wait3A_101 = arith.constant 128 : i32
    %dma_wait3A_102 = arith.constant 0 : i32
    %dma_wait3A_103 = tpu.memref_slice %arg7[%dma_wait3A_101, %dma_wait3A_102] : memref<256x128xf32, #tpu.memory_space<vmem>> -> memref<128x128xf32, #tpu.memory_space<vmem>>
    %dma_wait3A_104 = arith.constant 384 : i32
    %dma_wait3A_105 = tpu.memref_slice %arg5[%dma_wait3A_104] : memref<6400xi32, #tpu.memory_space<vmem>> -> memref<128xi32, #tpu.memory_space<vmem>>
    %dma_wait3A_106 = arith.constant 0 : i32
    %dma_wait3A_107 = arith.constant 0 : i32
    %dma_wait3A_108 = tpu.memref_slice %arg3[%dma_wait3A_106, %dma_wait3A_107] : memref<100000x128xf32, #tpu.memory_space<hbm>> -> memref<100000x128xf32, #tpu.memory_space<hbm>>
    tpu.wait_indirect_dma semaphore(%arg12 : memref<!tpu.dma_semaphore, #tpu.memory_space<semaphore_mem>>) src(%dma_wait3A_108 : memref<100000x128xf32, #tpu.memory_space<hbm>>) dst(%dma_wait3A_103 : memref<128x128xf32, #tpu.memory_space<vmem>>)
    %add3A_109 = arith.constant 256 : i32
    %add3A_110 = arith.addi %mul3A_2, %add3A_109 : i32
    %dma_start3A_111 = arith.constant 0 : i32
    %dma_start3A_112 = tpu.memref_slice %arg4[%add3A_110, %dma_start3A_111] : memref<204800x128xf32, #tpu.memory_space<hbm>> -> memref<256x128xf32, #tpu.memory_space<hbm>>
    %dma_start3A_113 = arith.constant 0 : i32
    %dma_start3A_114 = tpu.memref_slice %arg4[%add3A_110, %dma_start3A_113] : memref<204800x128xf32, #tpu.memory_space<hbm>> -> memref<256x128xf32, #tpu.memory_space<hbm>>
    tpu.enqueue_dma source(%arg7 : memref<256x128xf32, #tpu.memory_space<vmem>>) target(%dma_start3A_114 : memref<256x128xf32, #tpu.memory_space<hbm>>) target_semaphore(%arg16 : memref<!tpu.dma_semaphore, #tpu.memory_space<semaphore_mem>>)
    %add3A_115 = arith.constant 256 : i32
    %add3A_116 = arith.addi %mul3A_2, %add3A_115 : i32
    %dma_wait3A_117 = arith.constant 0 : i32
    %dma_wait3A_118 = tpu.memref_slice %arg4[%add3A_116, %dma_wait3A_117] : memref<204800x128xf32, #tpu.memory_space<hbm>> -> memref<256x128xf32, #tpu.memory_space<hbm>>
    %dma_wait3A_119 = arith.constant 0 : i32
    %dma_wait3A_120 = tpu.memref_slice %arg4[%add3A_116, %dma_wait3A_119] : memref<204800x128xf32, #tpu.memory_space<hbm>> -> memref<256x128xf32, #tpu.memory_space<hbm>>
    tpu.wait_dma2 semaphore(%arg16 : memref<!tpu.dma_semaphore, #tpu.memory_space<semaphore_mem>>) src(%arg7 : memref<256x128xf32, #tpu.memory_space<vmem>>) dst(%dma_wait3A_120 : memref<256x128xf32, #tpu.memory_space<hbm>>)
    %dma_start3A_121 = arith.constant 0 : i32
    %dma_start3A_122 = arith.constant 0 : i32
    %dma_start3A_123 = tpu.memref_slice %arg7[%dma_start3A_121, %dma_start3A_122] : memref<256x128xf32, #tpu.memory_space<vmem>> -> memref<128x128xf32, #tpu.memory_space<vmem>>
    %dma_start3A_124 = arith.constant 1024 : i32
    %dma_start3A_125 = tpu.memref_slice %arg5[%dma_start3A_124] : memref<6400xi32, #tpu.memory_space<vmem>> -> memref<128xi32, #tpu.memory_space<vmem>>
    %dma_start3A_126 = arith.constant 0 : i32
    %dma_start3A_127 = arith.constant 0 : i32
    %dma_start3A_128 = tpu.memref_slice %arg3[%dma_start3A_126, %dma_start3A_127] : memref<100000x128xf32, #tpu.memory_space<hbm>> -> memref<100000x128xf32, #tpu.memory_space<hbm>>
    tpu.enqueue_indirect_dma source(%dma_start3A_128 : memref<100000x128xf32, #tpu.memory_space<hbm>>) target(%dma_start3A_123 : memref<128x128xf32, #tpu.memory_space<vmem>>) offsets(%dma_start3A_125 : memref<128xi32, #tpu.memory_space<vmem>>) semaphore(%arg11 : memref<!tpu.dma_semaphore, #tpu.memory_space<semaphore_mem>>)
    %dma_start3A_129 = arith.constant 128 : i32
    %dma_start3A_130 = arith.constant 0 : i32
    %dma_start3A_131 = tpu.memref_slice %arg7[%dma_start3A_129, %dma_start3A_130] : memref<256x128xf32, #tpu.memory_space<vmem>> -> memref<128x128xf32, #tpu.memory_space<vmem>>
    %dma_start3A_132 = arith.constant 1152 : i32
    %dma_start3A_133 = tpu.memref_slice %arg5[%dma_start3A_132] : memref<6400xi32, #tpu.memory_space<vmem>> -> memref<128xi32, #tpu.memory_space<vmem>>
    %dma_start3A_134 = arith.constant 0 : i32
    %dma_start3A_135 = arith.constant 0 : i32
    %dma_start3A_136 = tpu.memref_slice %arg3[%dma_start3A_134, %dma_start3A_135] : memref<100000x128xf32, #tpu.memory_space<hbm>> -> memref<100000x128xf32, #tpu.memory_space<hbm>>
    tpu.enqueue_indirect_dma source(%dma_start3A_136 : memref<100000x128xf32, #tpu.memory_space<hbm>>) target(%dma_start3A_131 : memref<128x128xf32, #tpu.memory_space<vmem>>) offsets(%dma_start3A_133 : memref<128xi32, #tpu.memory_space<vmem>>) semaphore(%arg12 : memref<!tpu.dma_semaphore, #tpu.memory_space<semaphore_mem>>)
    %dma_wait3A_137 = arith.constant 0 : i32
    %dma_wait3A_138 = arith.constant 0 : i32
    %dma_wait3A_139 = tpu.memref_slice %arg8[%dma_wait3A_137, %dma_wait3A_138] : memref<256x128xf32, #tpu.memory_space<vmem>> -> memref<128x128xf32, #tpu.memory_space<vmem>>
    %dma_wait3A_140 = arith.constant 512 : i32
    %dma_wait3A_141 = tpu.memref_slice %arg5[%dma_wait3A_140] : memref<6400xi32, #tpu.memory_space<vmem>> -> memref<128xi32, #tpu.memory_space<vmem>>
    %dma_wait3A_142 = arith.constant 0 : i32
    %dma_wait3A_143 = arith.constant 0 : i32
    %dma_wait3A_144 = tpu.memref_slice %arg3[%dma_wait3A_142, %dma_wait3A_143] : memref<100000x128xf32, #tpu.memory_space<hbm>> -> memref<100000x128xf32, #tpu.memory_space<hbm>>
    tpu.wait_indirect_dma semaphore(%arg13 : memref<!tpu.dma_semaphore, #tpu.memory_space<semaphore_mem>>) src(%dma_wait3A_144 : memref<100000x128xf32, #tpu.memory_space<hbm>>) dst(%dma_wait3A_139 : memref<128x128xf32, #tpu.memory_space<vmem>>)
    %dma_wait3A_145 = arith.constant 128 : i32
    %dma_wait3A_146 = arith.constant 0 : i32
    %dma_wait3A_147 = tpu.memref_slice %arg8[%dma_wait3A_145, %dma_wait3A_146] : memref<256x128xf32, #tpu.memory_space<vmem>> -> memref<128x128xf32, #tpu.memory_space<vmem>>
    %dma_wait3A_148 = arith.constant 640 : i32
    %dma_wait3A_149 = tpu.memref_slice %arg5[%dma_wait3A_148] : memref<6400xi32, #tpu.memory_space<vmem>> -> memref<128xi32, #tpu.memory_space<vmem>>
    %dma_wait3A_150 = arith.constant 0 : i32
    %dma_wait3A_151 = arith.constant 0 : i32
    %dma_wait3A_152 = tpu.memref_slice %arg3[%dma_wait3A_150, %dma_wait3A_151] : memref<100000x128xf32, #tpu.memory_space<hbm>> -> memref<100000x128xf32, #tpu.memory_space<hbm>>
    tpu.wait_indirect_dma semaphore(%arg14 : memref<!tpu.dma_semaphore, #tpu.memory_space<semaphore_mem>>) src(%dma_wait3A_152 : memref<100000x128xf32, #tpu.memory_space<hbm>>) dst(%dma_wait3A_147 : memref<128x128xf32, #tpu.memory_space<vmem>>)
    %add3A_153 = arith.constant 512 : i32
    %add3A_154 = arith.addi %mul3A_2, %add3A_153 : i32
    %dma_start3A_155 = arith.constant 0 : i32
    %dma_start3A_156 = tpu.memref_slice %arg4[%add3A_154, %dma_start3A_155] : memref<204800x128xf32, #tpu.memory_space<hbm>> -> memref<256x128xf32, #tpu.memory_space<hbm>>
    %dma_start3A_157 = arith.constant 0 : i32
    %dma_start3A_158 = tpu.memref_slice %arg4[%add3A_154, %dma_start3A_157] : memref<204800x128xf32, #tpu.memory_space<hbm>> -> memref<256x128xf32, #tpu.memory_space<hbm>>
    tpu.enqueue_dma source(%arg8 : memref<256x128xf32, #tpu.memory_space<vmem>>) target(%dma_start3A_158 : memref<256x128xf32, #tpu.memory_space<hbm>>) target_semaphore(%arg17 : memref<!tpu.dma_semaphore, #tpu.memory_space<semaphore_mem>>)
    %add3A_159 = arith.constant 512 : i32
    %add3A_160 = arith.addi %mul3A_2, %add3A_159 : i32
    %dma_wait3A_161 = arith.constant 0 : i32
    %dma_wait3A_162 = tpu.memref_slice %arg4[%add3A_160, %dma_wait3A_161] : memref<204800x128xf32, #tpu.memory_space<hbm>> -> memref<256x128xf32, #tpu.memory_space<hbm>>
    %dma_wait3A_163 = arith.constant 0 : i32
    %dma_wait3A_164 = tpu.memref_slice %arg4[%add3A_160, %dma_wait3A_163] : memref<204800x128xf32, #tpu.memory_space<hbm>> -> memref<256x128xf32, #tpu.memory_space<hbm>>
    tpu.wait_dma2 semaphore(%arg17 : memref<!tpu.dma_semaphore, #tpu.memory_space<semaphore_mem>>) src(%arg8 : memref<256x128xf32, #tpu.memory_space<vmem>>) dst(%dma_wait3A_164 : memref<256x128xf32, #tpu.memory_space<hbm>>)
    %dma_start3A_165 = arith.constant 0 : i32
    %dma_start3A_166 = arith.constant 0 : i32
    %dma_start3A_167 = tpu.memref_slice %arg8[%dma_start3A_165, %dma_start3A_166] : memref<256x128xf32, #tpu.memory_space<vmem>> -> memref<128x128xf32, #tpu.memory_space<vmem>>
    %dma_start3A_168 = arith.constant 1280 : i32
    %dma_start3A_169 = tpu.memref_slice %arg5[%dma_start3A_168] : memref<6400xi32, #tpu.memory_space<vmem>> -> memref<128xi32, #tpu.memory_space<vmem>>
    %dma_start3A_170 = arith.constant 0 : i32
    %dma_start3A_171 = arith.constant 0 : i32
    %dma_start3A_172 = tpu.memref_slice %arg3[%dma_start3A_170, %dma_start3A_171] : memref<100000x128xf32, #tpu.memory_space<hbm>> -> memref<100000x128xf32, #tpu.memory_space<hbm>>
    tpu.enqueue_indirect_dma source(%dma_start3A_172 : memref<100000x128xf32, #tpu.memory_space<hbm>>) target(%dma_start3A_167 : memref<128x128xf32, #tpu.memory_space<vmem>>) offsets(%dma_start3A_169 : memref<128xi32, #tpu.memory_space<vmem>>) semaphore(%arg13 : memref<!tpu.dma_semaphore, #tpu.memory_space<semaphore_mem>>)
    %dma_start3A_173 = arith.constant 128 : i32
    %dma_start3A_174 = arith.constant 0 : i32
    %dma_start3A_175 = tpu.memref_slice %arg8[%dma_start3A_173, %dma_start3A_174] : memref<256x128xf32, #tpu.memory_space<vmem>> -> memref<128x128xf32, #tpu.memory_space<vmem>>
    %dma_start3A_176 = arith.constant 1408 : i32
    %dma_start3A_177 = tpu.memref_slice %arg5[%dma_start3A_176] : memref<6400xi32, #tpu.memory_space<vmem>> -> memref<128xi32, #tpu.memory_space<vmem>>
    %dma_start3A_178 = arith.constant 0 : i32
    %dma_start3A_179 = arith.constant 0 : i32
    %dma_start3A_180 = tpu.memref_slice %arg3[%dma_start3A_178, %dma_start3A_179] : memref<100000x128xf32, #tpu.memory_space<hbm>> -> memref<100000x128xf32, #tpu.memory_space<hbm>>
    tpu.enqueue_indirect_dma source(%dma_start3A_180 : memref<100000x128xf32, #tpu.memory_space<hbm>>) target(%dma_start3A_175 : memref<128x128xf32, #tpu.memory_space<vmem>>) offsets(%dma_start3A_177 : memref<128xi32, #tpu.memory_space<vmem>>) semaphore(%arg14 : memref<!tpu.dma_semaphore, #tpu.memory_space<semaphore_mem>>)
    %dma_wait3A_181 = arith.constant 0 : i32
    %dma_wait3A_182 = arith.constant 0 : i32
    %dma_wait3A_183 = tpu.memref_slice %arg6[%dma_wait3A_181, %dma_wait3A_182] : memref<256x128xf32, #tpu.memory_space<vmem>> -> memref<128x128xf32, #tpu.memory_space<vmem>>
    %dma_wait3A_184 = arith.constant 768 : i32
    %dma_wait3A_185 = tpu.memref_slice %arg5[%dma_wait3A_184] : memref<6400xi32, #tpu.memory_space<vmem>> -> memref<128xi32, #tpu.memory_space<vmem>>
    %dma_wait3A_186 = arith.constant 0 : i32
    %dma_wait3A_187 = arith.constant 0 : i32
    %dma_wait3A_188 = tpu.memref_slice %arg3[%dma_wait3A_186, %dma_wait3A_187] : memref<100000x128xf32, #tpu.memory_space<hbm>> -> memref<100000x128xf32, #tpu.memory_space<hbm>>
    tpu.wait_indirect_dma semaphore(%arg9 : memref<!tpu.dma_semaphore, #tpu.memory_space<semaphore_mem>>) src(%dma_wait3A_188 : memref<100000x128xf32, #tpu.memory_space<hbm>>) dst(%dma_wait3A_183 : memref<128x128xf32, #tpu.memory_space<vmem>>)
    %dma_wait3A_189 = arith.constant 128 : i32
    %dma_wait3A_190 = arith.constant 0 : i32
    %dma_wait3A_191 = tpu.memref_slice %arg6[%dma_wait3A_189, %dma_wait3A_190] : memref<256x128xf32, #tpu.memory_space<vmem>> -> memref<128x128xf32, #tpu.memory_space<vmem>>
    %dma_wait3A_192 = arith.constant 896 : i32
    %dma_wait3A_193 = tpu.memref_slice %arg5[%dma_wait3A_192] : memref<6400xi32, #tpu.memory_space<vmem>> -> memref<128xi32, #tpu.memory_space<vmem>>
    %dma_wait3A_194 = arith.constant 0 : i32
    %dma_wait3A_195 = arith.constant 0 : i32
    %dma_wait3A_196 = tpu.memref_slice %arg3[%dma_wait3A_194, %dma_wait3A_195] : memref<100000x128xf32, #tpu.memory_space<hbm>> -> memref<100000x128xf32, #tpu.memory_space<hbm>>
    tpu.wait_indirect_dma semaphore(%arg10 : memref<!tpu.dma_semaphore, #tpu.memory_space<semaphore_mem>>) src(%dma_wait3A_196 : memref<100000x128xf32, #tpu.memory_space<hbm>>) dst(%dma_wait3A_191 : memref<128x128xf32, #tpu.memory_space<vmem>>)
    %add3A_197 = arith.constant 768 : i32
    %add3A_198 = arith.addi %mul3A_2, %add3A_197 : i32
    %dma_start3A_199 = arith.constant 0 : i32
    %dma_start3A_200 = tpu.memref_slice %arg4[%add3A_198, %dma_start3A_199] : memref<204800x128xf32, #tpu.memory_space<hbm>> -> memref<256x128xf32, #tpu.memory_space<hbm>>
    %dma_start3A_201 = arith.constant 0 : i32
    %dma_start3A_202 = tpu.memref_slice %arg4[%add3A_198, %dma_start3A_201] : memref<204800x128xf32, #tpu.memory_space<hbm>> -> memref<256x128xf32, #tpu.memory_space<hbm>>
    tpu.enqueue_dma source(%arg6 : memref<256x128xf32, #tpu.memory_space<vmem>>) target(%dma_start3A_202 : memref<256x128xf32, #tpu.memory_space<hbm>>) target_semaphore(%arg15 : memref<!tpu.dma_semaphore, #tpu.memory_space<semaphore_mem>>)
    %add3A_203 = arith.constant 768 : i32
    %add3A_204 = arith.addi %mul3A_2, %add3A_203 : i32
    %dma_wait3A_205 = arith.constant 0 : i32
    %dma_wait3A_206 = tpu.memref_slice %arg4[%add3A_204, %dma_wait3A_205] : memref<204800x128xf32, #tpu.memory_space<hbm>> -> memref<256x128xf32, #tpu.memory_space<hbm>>
    %dma_wait3A_207 = arith.constant 0 : i32
    %dma_wait3A_208 = tpu.memref_slice %arg4[%add3A_204, %dma_wait3A_207] : memref<204800x128xf32, #tpu.memory_space<hbm>> -> memref<256x128xf32, #tpu.memory_space<hbm>>
    tpu.wait_dma2 semaphore(%arg15 : memref<!tpu.dma_semaphore, #tpu.memory_space<semaphore_mem>>) src(%arg6 : memref<256x128xf32, #tpu.memory_space<vmem>>) dst(%dma_wait3A_208 : memref<256x128xf32, #tpu.memory_space<hbm>>)
    %dma_start3A_209 = arith.constant 0 : i32
    %dma_start3A_210 = arith.constant 0 : i32
    %dma_start3A_211 = tpu.memref_slice %arg6[%dma_start3A_209, %dma_start3A_210] : memref<256x128xf32, #tpu.memory_space<vmem>> -> memref<128x128xf32, #tpu.memory_space<vmem>>
    %dma_start3A_212 = arith.constant 1536 : i32
    %dma_start3A_213 = tpu.memref_slice %arg5[%dma_start3A_212] : memref<6400xi32, #tpu.memory_space<vmem>> -> memref<128xi32, #tpu.memory_space<vmem>>
    %dma_start3A_214 = arith.constant 0 : i32
    %dma_start3A_215 = arith.constant 0 : i32
    %dma_start3A_216 = tpu.memref_slice %arg3[%dma_start3A_214, %dma_start3A_215] : memref<100000x128xf32, #tpu.memory_space<hbm>> -> memref<100000x128xf32, #tpu.memory_space<hbm>>
    tpu.enqueue_indirect_dma source(%dma_start3A_216 : memref<100000x128xf32, #tpu.memory_space<hbm>>) target(%dma_start3A_211 : memref<128x128xf32, #tpu.memory_space<vmem>>) offsets(%dma_start3A_213 : memref<128xi32, #tpu.memory_space<vmem>>) semaphore(%arg9 : memref<!tpu.dma_semaphore, #tpu.memory_space<semaphore_mem>>)
    %dma_start3A_217 = arith.constant 128 : i32
    %dma_start3A_218 = arith.constant 0 : i32
    %dma_start3A_219 = tpu.memref_slice %arg6[%dma_start3A_217, %dma_start3A_218] : memref<256x128xf32, #tpu.memory_space<vmem>> -> memref<128x128xf32, #tpu.memory_space<vmem>>
    %dma_start3A_220 = arith.constant 1664 : i32
    %dma_start3A_221 = tpu.memref_slice %arg5[%dma_start3A_220] : memref<6400xi32, #tpu.memory_space<vmem>> -> memref<128xi32, #tpu.memory_space<vmem>>
    %dma_start3A_222 = arith.constant 0 : i32
    %dma_start3A_223 = arith.constant 0 : i32
    %dma_start3A_224 = tpu.memref_slice %arg3[%dma_start3A_222, %dma_start3A_223] : memref<100000x128xf32, #tpu.memory_space<hbm>> -> memref<100000x128xf32, #tpu.memory_space<hbm>>
    tpu.enqueue_indirect_dma source(%dma_start3A_224 : memref<100000x128xf32, #tpu.memory_space<hbm>>) target(%dma_start3A_219 : memref<128x128xf32, #tpu.memory_space<vmem>>) offsets(%dma_start3A_221 : memref<128xi32, #tpu.memory_space<vmem>>) semaphore(%arg10 : memref<!tpu.dma_semaphore, #tpu.memory_space<semaphore_mem>>)
    %dma_wait3A_225 = arith.constant 0 : i32
    %dma_wait3A_226 = arith.constant 0 : i32
    %dma_wait3A_227 = tpu.memref_slice %arg7[%dma_wait3A_225, %dma_wait3A_226] : memref<256x128xf32, #tpu.memory_space<vmem>> -> memref<128x128xf32, #tpu.memory_space<vmem>>
    %dma_wait3A_228 = arith.constant 1024 : i32
    %dma_wait3A_229 = tpu.memref_slice %arg5[%dma_wait3A_228] : memref<6400xi32, #tpu.memory_space<vmem>> -> memref<128xi32, #tpu.memory_space<vmem>>
    %dma_wait3A_230 = arith.constant 0 : i32
    %dma_wait3A_231 = arith.constant 0 : i32
    %dma_wait3A_232 = tpu.memref_slice %arg3[%dma_wait3A_230, %dma_wait3A_231] : memref<100000x128xf32, #tpu.memory_space<hbm>> -> memref<100000x128xf32, #tpu.memory_space<hbm>>
    tpu.wait_indirect_dma semaphore(%arg11 : memref<!tpu.dma_semaphore, #tpu.memory_space<semaphore_mem>>) src(%dma_wait3A_232 : memref<100000x128xf32, #tpu.memory_space<hbm>>) dst(%dma_wait3A_227 : memref<128x128xf32, #tpu.memory_space<vmem>>)
    %dma_wait3A_233 = arith.constant 128 : i32
    %dma_wait3A_234 = arith.constant 0 : i32
    %dma_wait3A_235 = tpu.memref_slice %arg7[%dma_wait3A_233, %dma_wait3A_234] : memref<256x128xf32, #tpu.memory_space<vmem>> -> memref<128x128xf32, #tpu.memory_space<vmem>>
    %dma_wait3A_236 = arith.constant 1152 : i32
    %dma_wait3A_237 = tpu.memref_slice %arg5[%dma_wait3A_236] : memref<6400xi32, #tpu.memory_space<vmem>> -> memref<128xi32, #tpu.memory_space<vmem>>
    %dma_wait3A_238 = arith.constant 0 : i32
    %dma_wait3A_239 = arith.constant 0 : i32
    %dma_wait3A_240 = tpu.memref_slice %arg3[%dma_wait3A_238, %dma_wait3A_239] : memref<100000x128xf32, #tpu.memory_space<hbm>> -> memref<100000x128xf32, #tpu.memory_space<hbm>>
    tpu.wait_indirect_dma semaphore(%arg12 : memref<!tpu.dma_semaphore, #tpu.memory_space<semaphore_mem>>) src(%dma_wait3A_240 : memref<100000x128xf32, #tpu.memory_space<hbm>>) dst(%dma_wait3A_235 : memref<128x128xf32, #tpu.memory_space<vmem>>)
    %add3A_241 = arith.constant 1024 : i32
    %add3A_242 = arith.addi %mul3A_2, %add3A_241 : i32
    %dma_start3A_243 = arith.constant 0 : i32
    %dma_start3A_244 = tpu.memref_slice %arg4[%add3A_242, %dma_start3A_243] : memref<204800x128xf32, #tpu.memory_space<hbm>> -> memref<256x128xf32, #tpu.memory_space<hbm>>
    %dma_start3A_245 = arith.constant 0 : i32
    %dma_start3A_246 = tpu.memref_slice %arg4[%add3A_242, %dma_start3A_245] : memref<204800x128xf32, #tpu.memory_space<hbm>> -> memref<256x128xf32, #tpu.memory_space<hbm>>
    tpu.enqueue_dma source(%arg7 : memref<256x128xf32, #tpu.memory_space<vmem>>) target(%dma_start3A_246 : memref<256x128xf32, #tpu.memory_space<hbm>>) target_semaphore(%arg16 : memref<!tpu.dma_semaphore, #tpu.memory_space<semaphore_mem>>)
    %add3A_247 = arith.constant 1024 : i32
    %add3A_248 = arith.addi %mul3A_2, %add3A_247 : i32
    %dma_wait3A_249 = arith.constant 0 : i32
    %dma_wait3A_250 = tpu.memref_slice %arg4[%add3A_248, %dma_wait3A_249] : memref<204800x128xf32, #tpu.memory_space<hbm>> -> memref<256x128xf32, #tpu.memory_space<hbm>>
    %dma_wait3A_251 = arith.constant 0 : i32
    %dma_wait3A_252 = tpu.memref_slice %arg4[%add3A_248, %dma_wait3A_251] : memref<204800x128xf32, #tpu.memory_space<hbm>> -> memref<256x128xf32, #tpu.memory_space<hbm>>
    tpu.wait_dma2 semaphore(%arg16 : memref<!tpu.dma_semaphore, #tpu.memory_space<semaphore_mem>>) src(%arg7 : memref<256x128xf32, #tpu.memory_space<vmem>>) dst(%dma_wait3A_252 : memref<256x128xf32, #tpu.memory_space<hbm>>)
    %dma_start3A_253 = arith.constant 0 : i32
    %dma_start3A_254 = arith.constant 0 : i32
    %dma_start3A_255 = tpu.memref_slice %arg7[%dma_start3A_253, %dma_start3A_254] : memref<256x128xf32, #tpu.memory_space<vmem>> -> memref<128x128xf32, #tpu.memory_space<vmem>>
    %dma_start3A_256 = arith.constant 1792 : i32
    %dma_start3A_257 = tpu.memref_slice %arg5[%dma_start3A_256] : memref<6400xi32, #tpu.memory_space<vmem>> -> memref<128xi32, #tpu.memory_space<vmem>>
    %dma_start3A_258 = arith.constant 0 : i32
    %dma_start3A_259 = arith.constant 0 : i32
    %dma_start3A_260 = tpu.memref_slice %arg3[%dma_start3A_258, %dma_start3A_259] : memref<100000x128xf32, #tpu.memory_space<hbm>> -> memref<100000x128xf32, #tpu.memory_space<hbm>>
    tpu.enqueue_indirect_dma source(%dma_start3A_260 : memref<100000x128xf32, #tpu.memory_space<hbm>>) target(%dma_start3A_255 : memref<128x128xf32, #tpu.memory_space<vmem>>) offsets(%dma_start3A_257 : memref<128xi32, #tpu.memory_space<vmem>>) semaphore(%arg11 : memref<!tpu.dma_semaphore, #tpu.memory_space<semaphore_mem>>)
    %dma_start3A_261 = arith.constant 128 : i32
    %dma_start3A_262 = arith.constant 0 : i32
    %dma_start3A_263 = tpu.memref_slice %arg7[%dma_start3A_261, %dma_start3A_262] : memref<256x128xf32, #tpu.memory_space<vmem>> -> memref<128x128xf32, #tpu.memory_space<vmem>>
    %dma_start3A_264 = arith.constant 1920 : i32
    %dma_start3A_265 = tpu.memref_slice %arg5[%dma_start3A_264] : memref<6400xi32, #tpu.memory_space<vmem>> -> memref<128xi32, #tpu.memory_space<vmem>>
    %dma_start3A_266 = arith.constant 0 : i32
    %dma_start3A_267 = arith.constant 0 : i32
    %dma_start3A_268 = tpu.memref_slice %arg3[%dma_start3A_266, %dma_start3A_267] : memref<100000x128xf32, #tpu.memory_space<hbm>> -> memref<100000x128xf32, #tpu.memory_space<hbm>>
    tpu.enqueue_indirect_dma source(%dma_start3A_268 : memref<100000x128xf32, #tpu.memory_space<hbm>>) target(%dma_start3A_263 : memref<128x128xf32, #tpu.memory_space<vmem>>) offsets(%dma_start3A_265 : memref<128xi32, #tpu.memory_space<vmem>>) semaphore(%arg12 : memref<!tpu.dma_semaphore, #tpu.memory_space<semaphore_mem>>)
    %dma_wait3A_269 = arith.constant 0 : i32
    %dma_wait3A_270 = arith.constant 0 : i32
    %dma_wait3A_271 = tpu.memref_slice %arg8[%dma_wait3A_269, %dma_wait3A_270] : memref<256x128xf32, #tpu.memory_space<vmem>> -> memref<128x128xf32, #tpu.memory_space<vmem>>
    %dma_wait3A_272 = arith.constant 1280 : i32
    %dma_wait3A_273 = tpu.memref_slice %arg5[%dma_wait3A_272] : memref<6400xi32, #tpu.memory_space<vmem>> -> memref<128xi32, #tpu.memory_space<vmem>>
    %dma_wait3A_274 = arith.constant 0 : i32
    %dma_wait3A_275 = arith.constant 0 : i32
    %dma_wait3A_276 = tpu.memref_slice %arg3[%dma_wait3A_274, %dma_wait3A_275] : memref<100000x128xf32, #tpu.memory_space<hbm>> -> memref<100000x128xf32, #tpu.memory_space<hbm>>
    tpu.wait_indirect_dma semaphore(%arg13 : memref<!tpu.dma_semaphore, #tpu.memory_space<semaphore_mem>>) src(%dma_wait3A_276 : memref<100000x128xf32, #tpu.memory_space<hbm>>) dst(%dma_wait3A_271 : memref<128x128xf32, #tpu.memory_space<vmem>>)
    %dma_wait3A_277 = arith.constant 128 : i32
    %dma_wait3A_278 = arith.constant 0 : i32
    %dma_wait3A_279 = tpu.memref_slice %arg8[%dma_wait3A_277, %dma_wait3A_278] : memref<256x128xf32, #tpu.memory_space<vmem>> -> memref<128x128xf32, #tpu.memory_space<vmem>>
    %dma_wait3A_280 = arith.constant 1408 : i32
    %dma_wait3A_281 = tpu.memref_slice %arg5[%dma_wait3A_280] : memref<6400xi32, #tpu.memory_space<vmem>> -> memref<128xi32, #tpu.memory_space<vmem>>
    %dma_wait3A_282 = arith.constant 0 : i32
    %dma_wait3A_283 = arith.constant 0 : i32
    %dma_wait3A_284 = tpu.memref_slice %arg3[%dma_wait3A_282, %dma_wait3A_283] : memref<100000x128xf32, #tpu.memory_space<hbm>> -> memref<100000x128xf32, #tpu.memory_space<hbm>>
    tpu.wait_indirect_dma semaphore(%arg14 : memref<!tpu.dma_semaphore, #tpu.memory_space<semaphore_mem>>) src(%dma_wait3A_284 : memref<100000x128xf32, #tpu.memory_space<hbm>>) dst(%dma_wait3A_279 : memref<128x128xf32, #tpu.memory_space<vmem>>)
    %add3A_285 = arith.constant 1280 : i32
    %add3A_286 = arith.addi %mul3A_2, %add3A_285 : i32
    %dma_start3A_287 = arith.constant 0 : i32
    %dma_start3A_288 = tpu.memref_slice %arg4[%add3A_286, %dma_start3A_287] : memref<204800x128xf32, #tpu.memory_space<hbm>> -> memref<256x128xf32, #tpu.memory_space<hbm>>
    %dma_start3A_289 = arith.constant 0 : i32
    %dma_start3A_290 = tpu.memref_slice %arg4[%add3A_286, %dma_start3A_289] : memref<204800x128xf32, #tpu.memory_space<hbm>> -> memref<256x128xf32, #tpu.memory_space<hbm>>
    tpu.enqueue_dma source(%arg8 : memref<256x128xf32, #tpu.memory_space<vmem>>) target(%dma_start3A_290 : memref<256x128xf32, #tpu.memory_space<hbm>>) target_semaphore(%arg17 : memref<!tpu.dma_semaphore, #tpu.memory_space<semaphore_mem>>)
    %add3A_291 = arith.constant 1280 : i32
    %add3A_292 = arith.addi %mul3A_2, %add3A_291 : i32
    %dma_wait3A_293 = arith.constant 0 : i32
    %dma_wait3A_294 = tpu.memref_slice %arg4[%add3A_292, %dma_wait3A_293] : memref<204800x128xf32, #tpu.memory_space<hbm>> -> memref<256x128xf32, #tpu.memory_space<hbm>>
    %dma_wait3A_295 = arith.constant 0 : i32
    %dma_wait3A_296 = tpu.memref_slice %arg4[%add3A_292, %dma_wait3A_295] : memref<204800x128xf32, #tpu.memory_space<hbm>> -> memref<256x128xf32, #tpu.memory_space<hbm>>
    tpu.wait_dma2 semaphore(%arg17 : memref<!tpu.dma_semaphore, #tpu.memory_space<semaphore_mem>>) src(%arg8 : memref<256x128xf32, #tpu.memory_space<vmem>>) dst(%dma_wait3A_296 : memref<256x128xf32, #tpu.memory_space<hbm>>)
    %dma_start3A_297 = arith.constant 0 : i32
    %dma_start3A_298 = arith.constant 0 : i32
    %dma_start3A_299 = tpu.memref_slice %arg8[%dma_start3A_297, %dma_start3A_298] : memref<256x128xf32, #tpu.memory_space<vmem>> -> memref<128x128xf32, #tpu.memory_space<vmem>>
    %dma_start3A_300 = arith.constant 2048 : i32
    %dma_start3A_301 = tpu.memref_slice %arg5[%dma_start3A_300] : memref<6400xi32, #tpu.memory_space<vmem>> -> memref<128xi32, #tpu.memory_space<vmem>>
    %dma_start3A_302 = arith.constant 0 : i32
    %dma_start3A_303 = arith.constant 0 : i32
    %dma_start3A_304 = tpu.memref_slice %arg3[%dma_start3A_302, %dma_start3A_303] : memref<100000x128xf32, #tpu.memory_space<hbm>> -> memref<100000x128xf32, #tpu.memory_space<hbm>>
    tpu.enqueue_indirect_dma source(%dma_start3A_304 : memref<100000x128xf32, #tpu.memory_space<hbm>>) target(%dma_start3A_299 : memref<128x128xf32, #tpu.memory_space<vmem>>) offsets(%dma_start3A_301 : memref<128xi32, #tpu.memory_space<vmem>>) semaphore(%arg13 : memref<!tpu.dma_semaphore, #tpu.memory_space<semaphore_mem>>)
    %dma_start3A_305 = arith.constant 128 : i32
    %dma_start3A_306 = arith.constant 0 : i32
    %dma_start3A_307 = tpu.memref_slice %arg8[%dma_start3A_305, %dma_start3A_306] : memref<256x128xf32, #tpu.memory_space<vmem>> -> memref<128x128xf32, #tpu.memory_space<vmem>>
    %dma_start3A_308 = arith.constant 2176 : i32
    %dma_start3A_309 = tpu.memref_slice %arg5[%dma_start3A_308] : memref<6400xi32, #tpu.memory_space<vmem>> -> memref<128xi32, #tpu.memory_space<vmem>>
    %dma_start3A_310 = arith.constant 0 : i32
    %dma_start3A_311 = arith.constant 0 : i32
    %dma_start3A_312 = tpu.memref_slice %arg3[%dma_start3A_310, %dma_start3A_311] : memref<100000x128xf32, #tpu.memory_space<hbm>> -> memref<100000x128xf32, #tpu.memory_space<hbm>>
    tpu.enqueue_indirect_dma source(%dma_start3A_312 : memref<100000x128xf32, #tpu.memory_space<hbm>>) target(%dma_start3A_307 : memref<128x128xf32, #tpu.memory_space<vmem>>) offsets(%dma_start3A_309 : memref<128xi32, #tpu.memory_space<vmem>>) semaphore(%arg14 : memref<!tpu.dma_semaphore, #tpu.memory_space<semaphore_mem>>)
    %dma_wait3A_313 = arith.constant 0 : i32
    %dma_wait3A_314 = arith.constant 0 : i32
    %dma_wait3A_315 = tpu.memref_slice %arg6[%dma_wait3A_313, %dma_wait3A_314] : memref<256x128xf32, #tpu.memory_space<vmem>> -> memref<128x128xf32, #tpu.memory_space<vmem>>
    %dma_wait3A_316 = arith.constant 1536 : i32
    %dma_wait3A_317 = tpu.memref_slice %arg5[%dma_wait3A_316] : memref<6400xi32, #tpu.memory_space<vmem>> -> memref<128xi32, #tpu.memory_space<vmem>>
    %dma_wait3A_318 = arith.constant 0 : i32
    %dma_wait3A_319 = arith.constant 0 : i32
    %dma_wait3A_320 = tpu.memref_slice %arg3[%dma_wait3A_318, %dma_wait3A_319] : memref<100000x128xf32, #tpu.memory_space<hbm>> -> memref<100000x128xf32, #tpu.memory_space<hbm>>
    tpu.wait_indirect_dma semaphore(%arg9 : memref<!tpu.dma_semaphore, #tpu.memory_space<semaphore_mem>>) src(%dma_wait3A_320 : memref<100000x128xf32, #tpu.memory_space<hbm>>) dst(%dma_wait3A_315 : memref<128x128xf32, #tpu.memory_space<vmem>>)
    %dma_wait3A_321 = arith.constant 128 : i32
    %dma_wait3A_322 = arith.constant 0 : i32
    %dma_wait3A_323 = tpu.memref_slice %arg6[%dma_wait3A_321, %dma_wait3A_322] : memref<256x128xf32, #tpu.memory_space<vmem>> -> memref<128x128xf32, #tpu.memory_space<vmem>>
    %dma_wait3A_324 = arith.constant 1664 : i32
    %dma_wait3A_325 = tpu.memref_slice %arg5[%dma_wait3A_324] : memref<6400xi32, #tpu.memory_space<vmem>> -> memref<128xi32, #tpu.memory_space<vmem>>
    %dma_wait3A_326 = arith.constant 0 : i32
    %dma_wait3A_327 = arith.constant 0 : i32
    %dma_wait3A_328 = tpu.memref_slice %arg3[%dma_wait3A_326, %dma_wait3A_327] : memref<100000x128xf32, #tpu.memory_space<hbm>> -> memref<100000x128xf32, #tpu.memory_space<hbm>>
    tpu.wait_indirect_dma semaphore(%arg10 : memref<!tpu.dma_semaphore, #tpu.memory_space<semaphore_mem>>) src(%dma_wait3A_328 : memref<100000x128xf32, #tpu.memory_space<hbm>>) dst(%dma_wait3A_323 : memref<128x128xf32, #tpu.memory_space<vmem>>)
    %add3A_329 = arith.constant 1536 : i32
    %add3A_330 = arith.addi %mul3A_2, %add3A_329 : i32
    %dma_start3A_331 = arith.constant 0 : i32
    %dma_start3A_332 = tpu.memref_slice %arg4[%add3A_330, %dma_start3A_331] : memref<204800x128xf32, #tpu.memory_space<hbm>> -> memref<256x128xf32, #tpu.memory_space<hbm>>
    %dma_start3A_333 = arith.constant 0 : i32
    %dma_start3A_334 = tpu.memref_slice %arg4[%add3A_330, %dma_start3A_333] : memref<204800x128xf32, #tpu.memory_space<hbm>> -> memref<256x128xf32, #tpu.memory_space<hbm>>
    tpu.enqueue_dma source(%arg6 : memref<256x128xf32, #tpu.memory_space<vmem>>) target(%dma_start3A_334 : memref<256x128xf32, #tpu.memory_space<hbm>>) target_semaphore(%arg15 : memref<!tpu.dma_semaphore, #tpu.memory_space<semaphore_mem>>)
    %add3A_335 = arith.constant 1536 : i32
    %add3A_336 = arith.addi %mul3A_2, %add3A_335 : i32
    %dma_wait3A_337 = arith.constant 0 : i32
    %dma_wait3A_338 = tpu.memref_slice %arg4[%add3A_336, %dma_wait3A_337] : memref<204800x128xf32, #tpu.memory_space<hbm>> -> memref<256x128xf32, #tpu.memory_space<hbm>>
    %dma_wait3A_339 = arith.constant 0 : i32
    %dma_wait3A_340 = tpu.memref_slice %arg4[%add3A_336, %dma_wait3A_339] : memref<204800x128xf32, #tpu.memory_space<hbm>> -> memref<256x128xf32, #tpu.memory_space<hbm>>
    tpu.wait_dma2 semaphore(%arg15 : memref<!tpu.dma_semaphore, #tpu.memory_space<semaphore_mem>>) src(%arg6 : memref<256x128xf32, #tpu.memory_space<vmem>>) dst(%dma_wait3A_340 : memref<256x128xf32, #tpu.memory_space<hbm>>)
    %dma_start3A_341 = arith.constant 0 : i32
    %dma_start3A_342 = arith.constant 0 : i32
    %dma_start3A_343 = tpu.memref_slice %arg6[%dma_start3A_341, %dma_start3A_342] : memref<256x128xf32, #tpu.memory_space<vmem>> -> memref<128x128xf32, #tpu.memory_space<vmem>>
    %dma_start3A_344 = arith.constant 2304 : i32
    %dma_start3A_345 = tpu.memref_slice %arg5[%dma_start3A_344] : memref<6400xi32, #tpu.memory_space<vmem>> -> memref<128xi32, #tpu.memory_space<vmem>>
    %dma_start3A_346 = arith.constant 0 : i32
    %dma_start3A_347 = arith.constant 0 : i32
    %dma_start3A_348 = tpu.memref_slice %arg3[%dma_start3A_346, %dma_start3A_347] : memref<100000x128xf32, #tpu.memory_space<hbm>> -> memref<100000x128xf32, #tpu.memory_space<hbm>>
    tpu.enqueue_indirect_dma source(%dma_start3A_348 : memref<100000x128xf32, #tpu.memory_space<hbm>>) target(%dma_start3A_343 : memref<128x128xf32, #tpu.memory_space<vmem>>) offsets(%dma_start3A_345 : memref<128xi32, #tpu.memory_space<vmem>>) semaphore(%arg9 : memref<!tpu.dma_semaphore, #tpu.memory_space<semaphore_mem>>)
    %dma_start3A_349 = arith.constant 128 : i32
    %dma_start3A_350 = arith.constant 0 : i32
    %dma_start3A_351 = tpu.memref_slice %arg6[%dma_start3A_349, %dma_start3A_350] : memref<256x128xf32, #tpu.memory_space<vmem>> -> memref<128x128xf32, #tpu.memory_space<vmem>>
    %dma_start3A_352 = arith.constant 2432 : i32
    %dma_start3A_353 = tpu.memref_slice %arg5[%dma_start3A_352] : memref<6400xi32, #tpu.memory_space<vmem>> -> memref<128xi32, #tpu.memory_space<vmem>>
    %dma_start3A_354 = arith.constant 0 : i32
    %dma_start3A_355 = arith.constant 0 : i32
    %dma_start3A_356 = tpu.memref_slice %arg3[%dma_start3A_354, %dma_start3A_355] : memref<100000x128xf32, #tpu.memory_space<hbm>> -> memref<100000x128xf32, #tpu.memory_space<hbm>>
    tpu.enqueue_indirect_dma source(%dma_start3A_356 : memref<100000x128xf32, #tpu.memory_space<hbm>>) target(%dma_start3A_351 : memref<128x128xf32, #tpu.memory_space<vmem>>) offsets(%dma_start3A_353 : memref<128xi32, #tpu.memory_space<vmem>>) semaphore(%arg10 : memref<!tpu.dma_semaphore, #tpu.memory_space<semaphore_mem>>)
    %dma_wait3A_357 = arith.constant 0 : i32
    %dma_wait3A_358 = arith.constant 0 : i32
    %dma_wait3A_359 = tpu.memref_slice %arg7[%dma_wait3A_357, %dma_wait3A_358] : memref<256x128xf32, #tpu.memory_space<vmem>> -> memref<128x128xf32, #tpu.memory_space<vmem>>
    %dma_wait3A_360 = arith.constant 1792 : i32
    %dma_wait3A_361 = tpu.memref_slice %arg5[%dma_wait3A_360] : memref<6400xi32, #tpu.memory_space<vmem>> -> memref<128xi32, #tpu.memory_space<vmem>>
    %dma_wait3A_362 = arith.constant 0 : i32
    %dma_wait3A_363 = arith.constant 0 : i32
    %dma_wait3A_364 = tpu.memref_slice %arg3[%dma_wait3A_362, %dma_wait3A_363] : memref<100000x128xf32, #tpu.memory_space<hbm>> -> memref<100000x128xf32, #tpu.memory_space<hbm>>
    tpu.wait_indirect_dma semaphore(%arg11 : memref<!tpu.dma_semaphore, #tpu.memory_space<semaphore_mem>>) src(%dma_wait3A_364 : memref<100000x128xf32, #tpu.memory_space<hbm>>) dst(%dma_wait3A_359 : memref<128x128xf32, #tpu.memory_space<vmem>>)
    %dma_wait3A_365 = arith.constant 128 : i32
    %dma_wait3A_366 = arith.constant 0 : i32
    %dma_wait3A_367 = tpu.memref_slice %arg7[%dma_wait3A_365, %dma_wait3A_366] : memref<256x128xf32, #tpu.memory_space<vmem>> -> memref<128x128xf32, #tpu.memory_space<vmem>>
    %dma_wait3A_368 = arith.constant 1920 : i32
    %dma_wait3A_369 = tpu.memref_slice %arg5[%dma_wait3A_368] : memref<6400xi32, #tpu.memory_space<vmem>> -> memref<128xi32, #tpu.memory_space<vmem>>
    %dma_wait3A_370 = arith.constant 0 : i32
    %dma_wait3A_371 = arith.constant 0 : i32
    %dma_wait3A_372 = tpu.memref_slice %arg3[%dma_wait3A_370, %dma_wait3A_371] : memref<100000x128xf32, #tpu.memory_space<hbm>> -> memref<100000x128xf32, #tpu.memory_space<hbm>>
    tpu.wait_indirect_dma semaphore(%arg12 : memref<!tpu.dma_semaphore, #tpu.memory_space<semaphore_mem>>) src(%dma_wait3A_372 : memref<100000x128xf32, #tpu.memory_space<hbm>>) dst(%dma_wait3A_367 : memref<128x128xf32, #tpu.memory_space<vmem>>)
    %add3A_373 = arith.constant 1792 : i32
    %add3A_374 = arith.addi %mul3A_2, %add3A_373 : i32
    %dma_start3A_375 = arith.constant 0 : i32
    %dma_start3A_376 = tpu.memref_slice %arg4[%add3A_374, %dma_start3A_375] : memref<204800x128xf32, #tpu.memory_space<hbm>> -> memref<256x128xf32, #tpu.memory_space<hbm>>
    %dma_start3A_377 = arith.constant 0 : i32
    %dma_start3A_378 = tpu.memref_slice %arg4[%add3A_374, %dma_start3A_377] : memref<204800x128xf32, #tpu.memory_space<hbm>> -> memref<256x128xf32, #tpu.memory_space<hbm>>
    tpu.enqueue_dma source(%arg7 : memref<256x128xf32, #tpu.memory_space<vmem>>) target(%dma_start3A_378 : memref<256x128xf32, #tpu.memory_space<hbm>>) target_semaphore(%arg16 : memref<!tpu.dma_semaphore, #tpu.memory_space<semaphore_mem>>)
    %add3A_379 = arith.constant 1792 : i32
    %add3A_380 = arith.addi %mul3A_2, %add3A_379 : i32
    %dma_wait3A_381 = arith.constant 0 : i32
    %dma_wait3A_382 = tpu.memref_slice %arg4[%add3A_380, %dma_wait3A_381] : memref<204800x128xf32, #tpu.memory_space<hbm>> -> memref<256x128xf32, #tpu.memory_space<hbm>>
    %dma_wait3A_383 = arith.constant 0 : i32
    %dma_wait3A_384 = tpu.memref_slice %arg4[%add3A_380, %dma_wait3A_383] : memref<204800x128xf32, #tpu.memory_space<hbm>> -> memref<256x128xf32, #tpu.memory_space<hbm>>
    tpu.wait_dma2 semaphore(%arg16 : memref<!tpu.dma_semaphore, #tpu.memory_space<semaphore_mem>>) src(%arg7 : memref<256x128xf32, #tpu.memory_space<vmem>>) dst(%dma_wait3A_384 : memref<256x128xf32, #tpu.memory_space<hbm>>)
    %dma_start3A_385 = arith.constant 0 : i32
    %dma_start3A_386 = arith.constant 0 : i32
    %dma_start3A_387 = tpu.memref_slice %arg7[%dma_start3A_385, %dma_start3A_386] : memref<256x128xf32, #tpu.memory_space<vmem>> -> memref<128x128xf32, #tpu.memory_space<vmem>>
    %dma_start3A_388 = arith.constant 2560 : i32
    %dma_start3A_389 = tpu.memref_slice %arg5[%dma_start3A_388] : memref<6400xi32, #tpu.memory_space<vmem>> -> memref<128xi32, #tpu.memory_space<vmem>>
    %dma_start3A_390 = arith.constant 0 : i32
    %dma_start3A_391 = arith.constant 0 : i32
    %dma_start3A_392 = tpu.memref_slice %arg3[%dma_start3A_390, %dma_start3A_391] : memref<100000x128xf32, #tpu.memory_space<hbm>> -> memref<100000x128xf32, #tpu.memory_space<hbm>>
    tpu.enqueue_indirect_dma source(%dma_start3A_392 : memref<100000x128xf32, #tpu.memory_space<hbm>>) target(%dma_start3A_387 : memref<128x128xf32, #tpu.memory_space<vmem>>) offsets(%dma_start3A_389 : memref<128xi32, #tpu.memory_space<vmem>>) semaphore(%arg11 : memref<!tpu.dma_semaphore, #tpu.memory_space<semaphore_mem>>)
    %dma_start3A_393 = arith.constant 128 : i32
    %dma_start3A_394 = arith.constant 0 : i32
    %dma_start3A_395 = tpu.memref_slice %arg7[%dma_start3A_393, %dma_start3A_394] : memref<256x128xf32, #tpu.memory_space<vmem>> -> memref<128x128xf32, #tpu.memory_space<vmem>>
    %dma_start3A_396 = arith.constant 2688 : i32
    %dma_start3A_397 = tpu.memref_slice %arg5[%dma_start3A_396] : memref<6400xi32, #tpu.memory_space<vmem>> -> memref<128xi32, #tpu.memory_space<vmem>>
    %dma_start3A_398 = arith.constant 0 : i32
    %dma_start3A_399 = arith.constant 0 : i32
    %dma_start3A_400 = tpu.memref_slice %arg3[%dma_start3A_398, %dma_start3A_399] : memref<100000x128xf32, #tpu.memory_space<hbm>> -> memref<100000x128xf32, #tpu.memory_space<hbm>>
    tpu.enqueue_indirect_dma source(%dma_start3A_400 : memref<100000x128xf32, #tpu.memory_space<hbm>>) target(%dma_start3A_395 : memref<128x128xf32, #tpu.memory_space<vmem>>) offsets(%dma_start3A_397 : memref<128xi32, #tpu.memory_space<vmem>>) semaphore(%arg12 : memref<!tpu.dma_semaphore, #tpu.memory_space<semaphore_mem>>)
    %dma_wait3A_401 = arith.constant 0 : i32
    %dma_wait3A_402 = arith.constant 0 : i32
    %dma_wait3A_403 = tpu.memref_slice %arg8[%dma_wait3A_401, %dma_wait3A_402] : memref<256x128xf32, #tpu.memory_space<vmem>> -> memref<128x128xf32, #tpu.memory_space<vmem>>
    %dma_wait3A_404 = arith.constant 2048 : i32
    %dma_wait3A_405 = tpu.memref_slice %arg5[%dma_wait3A_404] : memref<6400xi32, #tpu.memory_space<vmem>> -> memref<128xi32, #tpu.memory_space<vmem>>
    %dma_wait3A_406 = arith.constant 0 : i32
    %dma_wait3A_407 = arith.constant 0 : i32
    %dma_wait3A_408 = tpu.memref_slice %arg3[%dma_wait3A_406, %dma_wait3A_407] : memref<100000x128xf32, #tpu.memory_space<hbm>> -> memref<100000x128xf32, #tpu.memory_space<hbm>>
    tpu.wait_indirect_dma semaphore(%arg13 : memref<!tpu.dma_semaphore, #tpu.memory_space<semaphore_mem>>) src(%dma_wait3A_408 : memref<100000x128xf32, #tpu.memory_space<hbm>>) dst(%dma_wait3A_403 : memref<128x128xf32, #tpu.memory_space<vmem>>)
    %dma_wait3A_409 = arith.constant 128 : i32
    %dma_wait3A_410 = arith.constant 0 : i32
    %dma_wait3A_411 = tpu.memref_slice %arg8[%dma_wait3A_409, %dma_wait3A_410] : memref<256x128xf32, #tpu.memory_space<vmem>> -> memref<128x128xf32, #tpu.memory_space<vmem>>
    %dma_wait3A_412 = arith.constant 2176 : i32
    %dma_wait3A_413 = tpu.memref_slice %arg5[%dma_wait3A_412] : memref<6400xi32, #tpu.memory_space<vmem>> -> memref<128xi32, #tpu.memory_space<vmem>>
    %dma_wait3A_414 = arith.constant 0 : i32
    %dma_wait3A_415 = arith.constant 0 : i32
    %dma_wait3A_416 = tpu.memref_slice %arg3[%dma_wait3A_414, %dma_wait3A_415] : memref<100000x128xf32, #tpu.memory_space<hbm>> -> memref<100000x128xf32, #tpu.memory_space<hbm>>
    tpu.wait_indirect_dma semaphore(%arg14 : memref<!tpu.dma_semaphore, #tpu.memory_space<semaphore_mem>>) src(%dma_wait3A_416 : memref<100000x128xf32, #tpu.memory_space<hbm>>) dst(%dma_wait3A_411 : memref<128x128xf32, #tpu.memory_space<vmem>>)
    %add3A_417 = arith.constant 2048 : i32
    %add3A_418 = arith.addi %mul3A_2, %add3A_417 : i32
    %dma_start3A_419 = arith.constant 0 : i32
    %dma_start3A_420 = tpu.memref_slice %arg4[%add3A_418, %dma_start3A_419] : memref<204800x128xf32, #tpu.memory_space<hbm>> -> memref<256x128xf32, #tpu.memory_space<hbm>>
    %dma_start3A_421 = arith.constant 0 : i32
    %dma_start3A_422 = tpu.memref_slice %arg4[%add3A_418, %dma_start3A_421] : memref<204800x128xf32, #tpu.memory_space<hbm>> -> memref<256x128xf32, #tpu.memory_space<hbm>>
    tpu.enqueue_dma source(%arg8 : memref<256x128xf32, #tpu.memory_space<vmem>>) target(%dma_start3A_422 : memref<256x128xf32, #tpu.memory_space<hbm>>) target_semaphore(%arg17 : memref<!tpu.dma_semaphore, #tpu.memory_space<semaphore_mem>>)
    %add3A_423 = arith.constant 2048 : i32
    %add3A_424 = arith.addi %mul3A_2, %add3A_423 : i32
    %dma_wait3A_425 = arith.constant 0 : i32
    %dma_wait3A_426 = tpu.memref_slice %arg4[%add3A_424, %dma_wait3A_425] : memref<204800x128xf32, #tpu.memory_space<hbm>> -> memref<256x128xf32, #tpu.memory_space<hbm>>
    %dma_wait3A_427 = arith.constant 0 : i32
    %dma_wait3A_428 = tpu.memref_slice %arg4[%add3A_424, %dma_wait3A_427] : memref<204800x128xf32, #tpu.memory_space<hbm>> -> memref<256x128xf32, #tpu.memory_space<hbm>>
    tpu.wait_dma2 semaphore(%arg17 : memref<!tpu.dma_semaphore, #tpu.memory_space<semaphore_mem>>) src(%arg8 : memref<256x128xf32, #tpu.memory_space<vmem>>) dst(%dma_wait3A_428 : memref<256x128xf32, #tpu.memory_space<hbm>>)
    %dma_start3A_429 = arith.constant 0 : i32
    %dma_start3A_430 = arith.constant 0 : i32
    %dma_start3A_431 = tpu.memref_slice %arg8[%dma_start3A_429, %dma_start3A_430] : memref<256x128xf32, #tpu.memory_space<vmem>> -> memref<128x128xf32, #tpu.memory_space<vmem>>
    %dma_start3A_432 = arith.constant 2816 : i32
    %dma_start3A_433 = tpu.memref_slice %arg5[%dma_start3A_432] : memref<6400xi32, #tpu.memory_space<vmem>> -> memref<128xi32, #tpu.memory_space<vmem>>
    %dma_start3A_434 = arith.constant 0 : i32
    %dma_start3A_435 = arith.constant 0 : i32
    %dma_start3A_436 = tpu.memref_slice %arg3[%dma_start3A_434, %dma_start3A_435] : memref<100000x128xf32, #tpu.memory_space<hbm>> -> memref<100000x128xf32, #tpu.memory_space<hbm>>
    tpu.enqueue_indirect_dma source(%dma_start3A_436 : memref<100000x128xf32, #tpu.memory_space<hbm>>) target(%dma_start3A_431 : memref<128x128xf32, #tpu.memory_space<vmem>>) offsets(%dma_start3A_433 : memref<128xi32, #tpu.memory_space<vmem>>) semaphore(%arg13 : memref<!tpu.dma_semaphore, #tpu.memory_space<semaphore_mem>>)
    %dma_start3A_437 = arith.constant 128 : i32
    %dma_start3A_438 = arith.constant 0 : i32
    %dma_start3A_439 = tpu.memref_slice %arg8[%dma_start3A_437, %dma_start3A_438] : memref<256x128xf32, #tpu.memory_space<vmem>> -> memref<128x128xf32, #tpu.memory_space<vmem>>
    %dma_start3A_440 = arith.constant 2944 : i32
    %dma_start3A_441 = tpu.memref_slice %arg5[%dma_start3A_440] : memref<6400xi32, #tpu.memory_space<vmem>> -> memref<128xi32, #tpu.memory_space<vmem>>
    %dma_start3A_442 = arith.constant 0 : i32
    %dma_start3A_443 = arith.constant 0 : i32
    %dma_start3A_444 = tpu.memref_slice %arg3[%dma_start3A_442, %dma_start3A_443] : memref<100000x128xf32, #tpu.memory_space<hbm>> -> memref<100000x128xf32, #tpu.memory_space<hbm>>
    tpu.enqueue_indirect_dma source(%dma_start3A_444 : memref<100000x128xf32, #tpu.memory_space<hbm>>) target(%dma_start3A_439 : memref<128x128xf32, #tpu.memory_space<vmem>>) offsets(%dma_start3A_441 : memref<128xi32, #tpu.memory_space<vmem>>) semaphore(%arg14 : memref<!tpu.dma_semaphore, #tpu.memory_space<semaphore_mem>>)
    %dma_wait3A_445 = arith.constant 0 : i32
    %dma_wait3A_446 = arith.constant 0 : i32
    %dma_wait3A_447 = tpu.memref_slice %arg6[%dma_wait3A_445, %dma_wait3A_446] : memref<256x128xf32, #tpu.memory_space<vmem>> -> memref<128x128xf32, #tpu.memory_space<vmem>>
    %dma_wait3A_448 = arith.constant 2304 : i32
    %dma_wait3A_449 = tpu.memref_slice %arg5[%dma_wait3A_448] : memref<6400xi32, #tpu.memory_space<vmem>> -> memref<128xi32, #tpu.memory_space<vmem>>
    %dma_wait3A_450 = arith.constant 0 : i32
    %dma_wait3A_451 = arith.constant 0 : i32
    %dma_wait3A_452 = tpu.memref_slice %arg3[%dma_wait3A_450, %dma_wait3A_451] : memref<100000x128xf32, #tpu.memory_space<hbm>> -> memref<100000x128xf32, #tpu.memory_space<hbm>>
    tpu.wait_indirect_dma semaphore(%arg9 : memref<!tpu.dma_semaphore, #tpu.memory_space<semaphore_mem>>) src(%dma_wait3A_452 : memref<100000x128xf32, #tpu.memory_space<hbm>>) dst(%dma_wait3A_447 : memref<128x128xf32, #tpu.memory_space<vmem>>)
    %dma_wait3A_453 = arith.constant 128 : i32
    %dma_wait3A_454 = arith.constant 0 : i32
    %dma_wait3A_455 = tpu.memref_slice %arg6[%dma_wait3A_453, %dma_wait3A_454] : memref<256x128xf32, #tpu.memory_space<vmem>> -> memref<128x128xf32, #tpu.memory_space<vmem>>
    %dma_wait3A_456 = arith.constant 2432 : i32
    %dma_wait3A_457 = tpu.memref_slice %arg5[%dma_wait3A_456] : memref<6400xi32, #tpu.memory_space<vmem>> -> memref<128xi32, #tpu.memory_space<vmem>>
    %dma_wait3A_458 = arith.constant 0 : i32
    %dma_wait3A_459 = arith.constant 0 : i32
    %dma_wait3A_460 = tpu.memref_slice %arg3[%dma_wait3A_458, %dma_wait3A_459] : memref<100000x128xf32, #tpu.memory_space<hbm>> -> memref<100000x128xf32, #tpu.memory_space<hbm>>
    tpu.wait_indirect_dma semaphore(%arg10 : memref<!tpu.dma_semaphore, #tpu.memory_space<semaphore_mem>>) src(%dma_wait3A_460 : memref<100000x128xf32, #tpu.memory_space<hbm>>) dst(%dma_wait3A_455 : memref<128x128xf32, #tpu.memory_space<vmem>>)
    %add3A_461 = arith.constant 2304 : i32
    %add3A_462 = arith.addi %mul3A_2, %add3A_461 : i32
    %dma_start3A_463 = arith.constant 0 : i32
    %dma_start3A_464 = tpu.memref_slice %arg4[%add3A_462, %dma_start3A_463] : memref<204800x128xf32, #tpu.memory_space<hbm>> -> memref<256x128xf32, #tpu.memory_space<hbm>>
    %dma_start3A_465 = arith.constant 0 : i32
    %dma_start3A_466 = tpu.memref_slice %arg4[%add3A_462, %dma_start3A_465] : memref<204800x128xf32, #tpu.memory_space<hbm>> -> memref<256x128xf32, #tpu.memory_space<hbm>>
    tpu.enqueue_dma source(%arg6 : memref<256x128xf32, #tpu.memory_space<vmem>>) target(%dma_start3A_466 : memref<256x128xf32, #tpu.memory_space<hbm>>) target_semaphore(%arg15 : memref<!tpu.dma_semaphore, #tpu.memory_space<semaphore_mem>>)
    %add3A_467 = arith.constant 2304 : i32
    %add3A_468 = arith.addi %mul3A_2, %add3A_467 : i32
    %dma_wait3A_469 = arith.constant 0 : i32
    %dma_wait3A_470 = tpu.memref_slice %arg4[%add3A_468, %dma_wait3A_469] : memref<204800x128xf32, #tpu.memory_space<hbm>> -> memref<256x128xf32, #tpu.memory_space<hbm>>
    %dma_wait3A_471 = arith.constant 0 : i32
    %dma_wait3A_472 = tpu.memref_slice %arg4[%add3A_468, %dma_wait3A_471] : memref<204800x128xf32, #tpu.memory_space<hbm>> -> memref<256x128xf32, #tpu.memory_space<hbm>>
    tpu.wait_dma2 semaphore(%arg15 : memref<!tpu.dma_semaphore, #tpu.memory_space<semaphore_mem>>) src(%arg6 : memref<256x128xf32, #tpu.memory_space<vmem>>) dst(%dma_wait3A_472 : memref<256x128xf32, #tpu.memory_space<hbm>>)
    %dma_start3A_473 = arith.constant 0 : i32
    %dma_start3A_474 = arith.constant 0 : i32
    %dma_start3A_475 = tpu.memref_slice %arg6[%dma_start3A_473, %dma_start3A_474] : memref<256x128xf32, #tpu.memory_space<vmem>> -> memref<128x128xf32, #tpu.memory_space<vmem>>
    %dma_start3A_476 = arith.constant 3072 : i32
    %dma_start3A_477 = tpu.memref_slice %arg5[%dma_start3A_476] : memref<6400xi32, #tpu.memory_space<vmem>> -> memref<128xi32, #tpu.memory_space<vmem>>
    %dma_start3A_478 = arith.constant 0 : i32
    %dma_start3A_479 = arith.constant 0 : i32
    %dma_start3A_480 = tpu.memref_slice %arg3[%dma_start3A_478, %dma_start3A_479] : memref<100000x128xf32, #tpu.memory_space<hbm>> -> memref<100000x128xf32, #tpu.memory_space<hbm>>
    tpu.enqueue_indirect_dma source(%dma_start3A_480 : memref<100000x128xf32, #tpu.memory_space<hbm>>) target(%dma_start3A_475 : memref<128x128xf32, #tpu.memory_space<vmem>>) offsets(%dma_start3A_477 : memref<128xi32, #tpu.memory_space<vmem>>) semaphore(%arg9 : memref<!tpu.dma_semaphore, #tpu.memory_space<semaphore_mem>>)
    %dma_start3A_481 = arith.constant 128 : i32
    %dma_start3A_482 = arith.constant 0 : i32
    %dma_start3A_483 = tpu.memref_slice %arg6[%dma_start3A_481, %dma_start3A_482] : memref<256x128xf32, #tpu.memory_space<vmem>> -> memref<128x128xf32, #tpu.memory_space<vmem>>
    %dma_start3A_484 = arith.constant 3200 : i32
    %dma_start3A_485 = tpu.memref_slice %arg5[%dma_start3A_484] : memref<6400xi32, #tpu.memory_space<vmem>> -> memref<128xi32, #tpu.memory_space<vmem>>
    %dma_start3A_486 = arith.constant 0 : i32
    %dma_start3A_487 = arith.constant 0 : i32
    %dma_start3A_488 = tpu.memref_slice %arg3[%dma_start3A_486, %dma_start3A_487] : memref<100000x128xf32, #tpu.memory_space<hbm>> -> memref<100000x128xf32, #tpu.memory_space<hbm>>
    tpu.enqueue_indirect_dma source(%dma_start3A_488 : memref<100000x128xf32, #tpu.memory_space<hbm>>) target(%dma_start3A_483 : memref<128x128xf32, #tpu.memory_space<vmem>>) offsets(%dma_start3A_485 : memref<128xi32, #tpu.memory_space<vmem>>) semaphore(%arg10 : memref<!tpu.dma_semaphore, #tpu.memory_space<semaphore_mem>>)
    %dma_wait3A_489 = arith.constant 0 : i32
    %dma_wait3A_490 = arith.constant 0 : i32
    %dma_wait3A_491 = tpu.memref_slice %arg7[%dma_wait3A_489, %dma_wait3A_490] : memref<256x128xf32, #tpu.memory_space<vmem>> -> memref<128x128xf32, #tpu.memory_space<vmem>>
    %dma_wait3A_492 = arith.constant 2560 : i32
    %dma_wait3A_493 = tpu.memref_slice %arg5[%dma_wait3A_492] : memref<6400xi32, #tpu.memory_space<vmem>> -> memref<128xi32, #tpu.memory_space<vmem>>
    %dma_wait3A_494 = arith.constant 0 : i32
    %dma_wait3A_495 = arith.constant 0 : i32
    %dma_wait3A_496 = tpu.memref_slice %arg3[%dma_wait3A_494, %dma_wait3A_495] : memref<100000x128xf32, #tpu.memory_space<hbm>> -> memref<100000x128xf32, #tpu.memory_space<hbm>>
    tpu.wait_indirect_dma semaphore(%arg11 : memref<!tpu.dma_semaphore, #tpu.memory_space<semaphore_mem>>) src(%dma_wait3A_496 : memref<100000x128xf32, #tpu.memory_space<hbm>>) dst(%dma_wait3A_491 : memref<128x128xf32, #tpu.memory_space<vmem>>)
    %dma_wait3A_497 = arith.constant 128 : i32
    %dma_wait3A_498 = arith.constant 0 : i32
    %dma_wait3A_499 = tpu.memref_slice %arg7[%dma_wait3A_497, %dma_wait3A_498] : memref<256x128xf32, #tpu.memory_space<vmem>> -> memref<128x128xf32, #tpu.memory_space<vmem>>
    %dma_wait3A_500 = arith.constant 2688 : i32
    %dma_wait3A_501 = tpu.memref_slice %arg5[%dma_wait3A_500] : memref<6400xi32, #tpu.memory_space<vmem>> -> memref<128xi32, #tpu.memory_space<vmem>>
    %dma_wait3A_502 = arith.constant 0 : i32
    %dma_wait3A_503 = arith.constant 0 : i32
    %dma_wait3A_504 = tpu.memref_slice %arg3[%dma_wait3A_502, %dma_wait3A_503] : memref<100000x128xf32, #tpu.memory_space<hbm>> -> memref<100000x128xf32, #tpu.memory_space<hbm>>
    tpu.wait_indirect_dma semaphore(%arg12 : memref<!tpu.dma_semaphore, #tpu.memory_space<semaphore_mem>>) src(%dma_wait3A_504 : memref<100000x128xf32, #tpu.memory_space<hbm>>) dst(%dma_wait3A_499 : memref<128x128xf32, #tpu.memory_space<vmem>>)
    %add3A_505 = arith.constant 2560 : i32
    %add3A_506 = arith.addi %mul3A_2, %add3A_505 : i32
    %dma_start3A_507 = arith.constant 0 : i32
    %dma_start3A_508 = tpu.memref_slice %arg4[%add3A_506, %dma_start3A_507] : memref<204800x128xf32, #tpu.memory_space<hbm>> -> memref<256x128xf32, #tpu.memory_space<hbm>>
    %dma_start3A_509 = arith.constant 0 : i32
    %dma_start3A_510 = tpu.memref_slice %arg4[%add3A_506, %dma_start3A_509] : memref<204800x128xf32, #tpu.memory_space<hbm>> -> memref<256x128xf32, #tpu.memory_space<hbm>>
    tpu.enqueue_dma source(%arg7 : memref<256x128xf32, #tpu.memory_space<vmem>>) target(%dma_start3A_510 : memref<256x128xf32, #tpu.memory_space<hbm>>) target_semaphore(%arg16 : memref<!tpu.dma_semaphore, #tpu.memory_space<semaphore_mem>>)
    %add3A_511 = arith.constant 2560 : i32
    %add3A_512 = arith.addi %mul3A_2, %add3A_511 : i32
    %dma_wait3A_513 = arith.constant 0 : i32
    %dma_wait3A_514 = tpu.memref_slice %arg4[%add3A_512, %dma_wait3A_513] : memref<204800x128xf32, #tpu.memory_space<hbm>> -> memref<256x128xf32, #tpu.memory_space<hbm>>
    %dma_wait3A_515 = arith.constant 0 : i32
    %dma_wait3A_516 = tpu.memref_slice %arg4[%add3A_512, %dma_wait3A_515] : memref<204800x128xf32, #tpu.memory_space<hbm>> -> memref<256x128xf32, #tpu.memory_space<hbm>>
    tpu.wait_dma2 semaphore(%arg16 : memref<!tpu.dma_semaphore, #tpu.memory_space<semaphore_mem>>) src(%arg7 : memref<256x128xf32, #tpu.memory_space<vmem>>) dst(%dma_wait3A_516 : memref<256x128xf32, #tpu.memory_space<hbm>>)
    %dma_start3A_517 = arith.constant 0 : i32
    %dma_start3A_518 = arith.constant 0 : i32
    %dma_start3A_519 = tpu.memref_slice %arg7[%dma_start3A_517, %dma_start3A_518] : memref<256x128xf32, #tpu.memory_space<vmem>> -> memref<128x128xf32, #tpu.memory_space<vmem>>
    %dma_start3A_520 = arith.constant 3328 : i32
    %dma_start3A_521 = tpu.memref_slice %arg5[%dma_start3A_520] : memref<6400xi32, #tpu.memory_space<vmem>> -> memref<128xi32, #tpu.memory_space<vmem>>
    %dma_start3A_522 = arith.constant 0 : i32
    %dma_start3A_523 = arith.constant 0 : i32
    %dma_start3A_524 = tpu.memref_slice %arg3[%dma_start3A_522, %dma_start3A_523] : memref<100000x128xf32, #tpu.memory_space<hbm>> -> memref<100000x128xf32, #tpu.memory_space<hbm>>
    tpu.enqueue_indirect_dma source(%dma_start3A_524 : memref<100000x128xf32, #tpu.memory_space<hbm>>) target(%dma_start3A_519 : memref<128x128xf32, #tpu.memory_space<vmem>>) offsets(%dma_start3A_521 : memref<128xi32, #tpu.memory_space<vmem>>) semaphore(%arg11 : memref<!tpu.dma_semaphore, #tpu.memory_space<semaphore_mem>>)
    %dma_start3A_525 = arith.constant 128 : i32
    %dma_start3A_526 = arith.constant 0 : i32
    %dma_start3A_527 = tpu.memref_slice %arg7[%dma_start3A_525, %dma_start3A_526] : memref<256x128xf32, #tpu.memory_space<vmem>> -> memref<128x128xf32, #tpu.memory_space<vmem>>
    %dma_start3A_528 = arith.constant 3456 : i32
    %dma_start3A_529 = tpu.memref_slice %arg5[%dma_start3A_528] : memref<6400xi32, #tpu.memory_space<vmem>> -> memref<128xi32, #tpu.memory_space<vmem>>
    %dma_start3A_530 = arith.constant 0 : i32
    %dma_start3A_531 = arith.constant 0 : i32
    %dma_start3A_532 = tpu.memref_slice %arg3[%dma_start3A_530, %dma_start3A_531] : memref<100000x128xf32, #tpu.memory_space<hbm>> -> memref<100000x128xf32, #tpu.memory_space<hbm>>
    tpu.enqueue_indirect_dma source(%dma_start3A_532 : memref<100000x128xf32, #tpu.memory_space<hbm>>) target(%dma_start3A_527 : memref<128x128xf32, #tpu.memory_space<vmem>>) offsets(%dma_start3A_529 : memref<128xi32, #tpu.memory_space<vmem>>) semaphore(%arg12 : memref<!tpu.dma_semaphore, #tpu.memory_space<semaphore_mem>>)
    %dma_wait3A_533 = arith.constant 0 : i32
    %dma_wait3A_534 = arith.constant 0 : i32
    %dma_wait3A_535 = tpu.memref_slice %arg8[%dma_wait3A_533, %dma_wait3A_534] : memref<256x128xf32, #tpu.memory_space<vmem>> -> memref<128x128xf32, #tpu.memory_space<vmem>>
    %dma_wait3A_536 = arith.constant 2816 : i32
    %dma_wait3A_537 = tpu.memref_slice %arg5[%dma_wait3A_536] : memref<6400xi32, #tpu.memory_space<vmem>> -> memref<128xi32, #tpu.memory_space<vmem>>
    %dma_wait3A_538 = arith.constant 0 : i32
    %dma_wait3A_539 = arith.constant 0 : i32
    %dma_wait3A_540 = tpu.memref_slice %arg3[%dma_wait3A_538, %dma_wait3A_539] : memref<100000x128xf32, #tpu.memory_space<hbm>> -> memref<100000x128xf32, #tpu.memory_space<hbm>>
    tpu.wait_indirect_dma semaphore(%arg13 : memref<!tpu.dma_semaphore, #tpu.memory_space<semaphore_mem>>) src(%dma_wait3A_540 : memref<100000x128xf32, #tpu.memory_space<hbm>>) dst(%dma_wait3A_535 : memref<128x128xf32, #tpu.memory_space<vmem>>)
    %dma_wait3A_541 = arith.constant 128 : i32
    %dma_wait3A_542 = arith.constant 0 : i32
    %dma_wait3A_543 = tpu.memref_slice %arg8[%dma_wait3A_541, %dma_wait3A_542] : memref<256x128xf32, #tpu.memory_space<vmem>> -> memref<128x128xf32, #tpu.memory_space<vmem>>
    %dma_wait3A_544 = arith.constant 2944 : i32
    %dma_wait3A_545 = tpu.memref_slice %arg5[%dma_wait3A_544] : memref<6400xi32, #tpu.memory_space<vmem>> -> memref<128xi32, #tpu.memory_space<vmem>>
    %dma_wait3A_546 = arith.constant 0 : i32
    %dma_wait3A_547 = arith.constant 0 : i32
    %dma_wait3A_548 = tpu.memref_slice %arg3[%dma_wait3A_546, %dma_wait3A_547] : memref<100000x128xf32, #tpu.memory_space<hbm>> -> memref<100000x128xf32, #tpu.memory_space<hbm>>
    tpu.wait_indirect_dma semaphore(%arg14 : memref<!tpu.dma_semaphore, #tpu.memory_space<semaphore_mem>>) src(%dma_wait3A_548 : memref<100000x128xf32, #tpu.memory_space<hbm>>) dst(%dma_wait3A_543 : memref<128x128xf32, #tpu.memory_space<vmem>>)
    %add3A_549 = arith.constant 2816 : i32
    %add3A_550 = arith.addi %mul3A_2, %add3A_549 : i32
    %dma_start3A_551 = arith.constant 0 : i32
    %dma_start3A_552 = tpu.memref_slice %arg4[%add3A_550, %dma_start3A_551] : memref<204800x128xf32, #tpu.memory_space<hbm>> -> memref<256x128xf32, #tpu.memory_space<hbm>>
    %dma_start3A_553 = arith.constant 0 : i32
    %dma_start3A_554 = tpu.memref_slice %arg4[%add3A_550, %dma_start3A_553] : memref<204800x128xf32, #tpu.memory_space<hbm>> -> memref<256x128xf32, #tpu.memory_space<hbm>>
    tpu.enqueue_dma source(%arg8 : memref<256x128xf32, #tpu.memory_space<vmem>>) target(%dma_start3A_554 : memref<256x128xf32, #tpu.memory_space<hbm>>) target_semaphore(%arg17 : memref<!tpu.dma_semaphore, #tpu.memory_space<semaphore_mem>>)
    %add3A_555 = arith.constant 2816 : i32
    %add3A_556 = arith.addi %mul3A_2, %add3A_555 : i32
    %dma_wait3A_557 = arith.constant 0 : i32
    %dma_wait3A_558 = tpu.memref_slice %arg4[%add3A_556, %dma_wait3A_557] : memref<204800x128xf32, #tpu.memory_space<hbm>> -> memref<256x128xf32, #tpu.memory_space<hbm>>
    %dma_wait3A_559 = arith.constant 0 : i32
    %dma_wait3A_560 = tpu.memref_slice %arg4[%add3A_556, %dma_wait3A_559] : memref<204800x128xf32, #tpu.memory_space<hbm>> -> memref<256x128xf32, #tpu.memory_space<hbm>>
    tpu.wait_dma2 semaphore(%arg17 : memref<!tpu.dma_semaphore, #tpu.memory_space<semaphore_mem>>) src(%arg8 : memref<256x128xf32, #tpu.memory_space<vmem>>) dst(%dma_wait3A_560 : memref<256x128xf32, #tpu.memory_space<hbm>>)
    %dma_start3A_561 = arith.constant 0 : i32
    %dma_start3A_562 = arith.constant 0 : i32
    %dma_start3A_563 = tpu.memref_slice %arg8[%dma_start3A_561, %dma_start3A_562] : memref<256x128xf32, #tpu.memory_space<vmem>> -> memref<128x128xf32, #tpu.memory_space<vmem>>
    %dma_start3A_564 = arith.constant 3584 : i32
    %dma_start3A_565 = tpu.memref_slice %arg5[%dma_start3A_564] : memref<6400xi32, #tpu.memory_space<vmem>> -> memref<128xi32, #tpu.memory_space<vmem>>
    %dma_start3A_566 = arith.constant 0 : i32
    %dma_start3A_567 = arith.constant 0 : i32
    %dma_start3A_568 = tpu.memref_slice %arg3[%dma_start3A_566, %dma_start3A_567] : memref<100000x128xf32, #tpu.memory_space<hbm>> -> memref<100000x128xf32, #tpu.memory_space<hbm>>
    tpu.enqueue_indirect_dma source(%dma_start3A_568 : memref<100000x128xf32, #tpu.memory_space<hbm>>) target(%dma_start3A_563 : memref<128x128xf32, #tpu.memory_space<vmem>>) offsets(%dma_start3A_565 : memref<128xi32, #tpu.memory_space<vmem>>) semaphore(%arg13 : memref<!tpu.dma_semaphore, #tpu.memory_space<semaphore_mem>>)
    %dma_start3A_569 = arith.constant 128 : i32
    %dma_start3A_570 = arith.constant 0 : i32
    %dma_start3A_571 = tpu.memref_slice %arg8[%dma_start3A_569, %dma_start3A_570] : memref<256x128xf32, #tpu.memory_space<vmem>> -> memref<128x128xf32, #tpu.memory_space<vmem>>
    %dma_start3A_572 = arith.constant 3712 : i32
    %dma_start3A_573 = tpu.memref_slice %arg5[%dma_start3A_572] : memref<6400xi32, #tpu.memory_space<vmem>> -> memref<128xi32, #tpu.memory_space<vmem>>
    %dma_start3A_574 = arith.constant 0 : i32
    %dma_start3A_575 = arith.constant 0 : i32
    %dma_start3A_576 = tpu.memref_slice %arg3[%dma_start3A_574, %dma_start3A_575] : memref<100000x128xf32, #tpu.memory_space<hbm>> -> memref<100000x128xf32, #tpu.memory_space<hbm>>
    tpu.enqueue_indirect_dma source(%dma_start3A_576 : memref<100000x128xf32, #tpu.memory_space<hbm>>) target(%dma_start3A_571 : memref<128x128xf32, #tpu.memory_space<vmem>>) offsets(%dma_start3A_573 : memref<128xi32, #tpu.memory_space<vmem>>) semaphore(%arg14 : memref<!tpu.dma_semaphore, #tpu.memory_space<semaphore_mem>>)
    %dma_wait3A_577 = arith.constant 0 : i32
    %dma_wait3A_578 = arith.constant 0 : i32
    %dma_wait3A_579 = tpu.memref_slice %arg6[%dma_wait3A_577, %dma_wait3A_578] : memref<256x128xf32, #tpu.memory_space<vmem>> -> memref<128x128xf32, #tpu.memory_space<vmem>>
    %dma_wait3A_580 = arith.constant 3072 : i32
    %dma_wait3A_581 = tpu.memref_slice %arg5[%dma_wait3A_580] : memref<6400xi32, #tpu.memory_space<vmem>> -> memref<128xi32, #tpu.memory_space<vmem>>
    %dma_wait3A_582 = arith.constant 0 : i32
    %dma_wait3A_583 = arith.constant 0 : i32
    %dma_wait3A_584 = tpu.memref_slice %arg3[%dma_wait3A_582, %dma_wait3A_583] : memref<100000x128xf32, #tpu.memory_space<hbm>> -> memref<100000x128xf32, #tpu.memory_space<hbm>>
    tpu.wait_indirect_dma semaphore(%arg9 : memref<!tpu.dma_semaphore, #tpu.memory_space<semaphore_mem>>) src(%dma_wait3A_584 : memref<100000x128xf32, #tpu.memory_space<hbm>>) dst(%dma_wait3A_579 : memref<128x128xf32, #tpu.memory_space<vmem>>)
    %dma_wait3A_585 = arith.constant 128 : i32
    %dma_wait3A_586 = arith.constant 0 : i32
    %dma_wait3A_587 = tpu.memref_slice %arg6[%dma_wait3A_585, %dma_wait3A_586] : memref<256x128xf32, #tpu.memory_space<vmem>> -> memref<128x128xf32, #tpu.memory_space<vmem>>
    %dma_wait3A_588 = arith.constant 3200 : i32
    %dma_wait3A_589 = tpu.memref_slice %arg5[%dma_wait3A_588] : memref<6400xi32, #tpu.memory_space<vmem>> -> memref<128xi32, #tpu.memory_space<vmem>>
    %dma_wait3A_590 = arith.constant 0 : i32
    %dma_wait3A_591 = arith.constant 0 : i32
    %dma_wait3A_592 = tpu.memref_slice %arg3[%dma_wait3A_590, %dma_wait3A_591] : memref<100000x128xf32, #tpu.memory_space<hbm>> -> memref<100000x128xf32, #tpu.memory_space<hbm>>
    tpu.wait_indirect_dma semaphore(%arg10 : memref<!tpu.dma_semaphore, #tpu.memory_space<semaphore_mem>>) src(%dma_wait3A_592 : memref<100000x128xf32, #tpu.memory_space<hbm>>) dst(%dma_wait3A_587 : memref<128x128xf32, #tpu.memory_space<vmem>>)
    %add3A_593 = arith.constant 3072 : i32
    %add3A_594 = arith.addi %mul3A_2, %add3A_593 : i32
    %dma_start3A_595 = arith.constant 0 : i32
    %dma_start3A_596 = tpu.memref_slice %arg4[%add3A_594, %dma_start3A_595] : memref<204800x128xf32, #tpu.memory_space<hbm>> -> memref<256x128xf32, #tpu.memory_space<hbm>>
    %dma_start3A_597 = arith.constant 0 : i32
    %dma_start3A_598 = tpu.memref_slice %arg4[%add3A_594, %dma_start3A_597] : memref<204800x128xf32, #tpu.memory_space<hbm>> -> memref<256x128xf32, #tpu.memory_space<hbm>>
    tpu.enqueue_dma source(%arg6 : memref<256x128xf32, #tpu.memory_space<vmem>>) target(%dma_start3A_598 : memref<256x128xf32, #tpu.memory_space<hbm>>) target_semaphore(%arg15 : memref<!tpu.dma_semaphore, #tpu.memory_space<semaphore_mem>>)
    %add3A_599 = arith.constant 3072 : i32
    %add3A_600 = arith.addi %mul3A_2, %add3A_599 : i32
    %dma_wait3A_601 = arith.constant 0 : i32
    %dma_wait3A_602 = tpu.memref_slice %arg4[%add3A_600, %dma_wait3A_601] : memref<204800x128xf32, #tpu.memory_space<hbm>> -> memref<256x128xf32, #tpu.memory_space<hbm>>
    %dma_wait3A_603 = arith.constant 0 : i32
    %dma_wait3A_604 = tpu.memref_slice %arg4[%add3A_600, %dma_wait3A_603] : memref<204800x128xf32, #tpu.memory_space<hbm>> -> memref<256x128xf32, #tpu.memory_space<hbm>>
    tpu.wait_dma2 semaphore(%arg15 : memref<!tpu.dma_semaphore, #tpu.memory_space<semaphore_mem>>) src(%arg6 : memref<256x128xf32, #tpu.memory_space<vmem>>) dst(%dma_wait3A_604 : memref<256x128xf32, #tpu.memory_space<hbm>>)
    %dma_start3A_605 = arith.constant 0 : i32
    %dma_start3A_606 = arith.constant 0 : i32
    %dma_start3A_607 = tpu.memref_slice %arg6[%dma_start3A_605, %dma_start3A_606] : memref<256x128xf32, #tpu.memory_space<vmem>> -> memref<128x128xf32, #tpu.memory_space<vmem>>
    %dma_start3A_608 = arith.constant 3840 : i32
    %dma_start3A_609 = tpu.memref_slice %arg5[%dma_start3A_608] : memref<6400xi32, #tpu.memory_space<vmem>> -> memref<128xi32, #tpu.memory_space<vmem>>
    %dma_start3A_610 = arith.constant 0 : i32
    %dma_start3A_611 = arith.constant 0 : i32
    %dma_start3A_612 = tpu.memref_slice %arg3[%dma_start3A_610, %dma_start3A_611] : memref<100000x128xf32, #tpu.memory_space<hbm>> -> memref<100000x128xf32, #tpu.memory_space<hbm>>
    tpu.enqueue_indirect_dma source(%dma_start3A_612 : memref<100000x128xf32, #tpu.memory_space<hbm>>) target(%dma_start3A_607 : memref<128x128xf32, #tpu.memory_space<vmem>>) offsets(%dma_start3A_609 : memref<128xi32, #tpu.memory_space<vmem>>) semaphore(%arg9 : memref<!tpu.dma_semaphore, #tpu.memory_space<semaphore_mem>>)
    %dma_start3A_613 = arith.constant 128 : i32
    %dma_start3A_614 = arith.constant 0 : i32
    %dma_start3A_615 = tpu.memref_slice %arg6[%dma_start3A_613, %dma_start3A_614] : memref<256x128xf32, #tpu.memory_space<vmem>> -> memref<128x128xf32, #tpu.memory_space<vmem>>
    %dma_start3A_616 = arith.constant 3968 : i32
    %dma_start3A_617 = tpu.memref_slice %arg5[%dma_start3A_616] : memref<6400xi32, #tpu.memory_space<vmem>> -> memref<128xi32, #tpu.memory_space<vmem>>
    %dma_start3A_618 = arith.constant 0 : i32
    %dma_start3A_619 = arith.constant 0 : i32
    %dma_start3A_620 = tpu.memref_slice %arg3[%dma_start3A_618, %dma_start3A_619] : memref<100000x128xf32, #tpu.memory_space<hbm>> -> memref<100000x128xf32, #tpu.memory_space<hbm>>
    tpu.enqueue_indirect_dma source(%dma_start3A_620 : memref<100000x128xf32, #tpu.memory_space<hbm>>) target(%dma_start3A_615 : memref<128x128xf32, #tpu.memory_space<vmem>>) offsets(%dma_start3A_617 : memref<128xi32, #tpu.memory_space<vmem>>) semaphore(%arg10 : memref<!tpu.dma_semaphore, #tpu.memory_space<semaphore_mem>>)
    %dma_wait3A_621 = arith.constant 0 : i32
    %dma_wait3A_622 = arith.constant 0 : i32
    %dma_wait3A_623 = tpu.memref_slice %arg7[%dma_wait3A_621, %dma_wait3A_622] : memref<256x128xf32, #tpu.memory_space<vmem>> -> memref<128x128xf32, #tpu.memory_space<vmem>>
    %dma_wait3A_624 = arith.constant 3328 : i32
    %dma_wait3A_625 = tpu.memref_slice %arg5[%dma_wait3A_624] : memref<6400xi32, #tpu.memory_space<vmem>> -> memref<128xi32, #tpu.memory_space<vmem>>
    %dma_wait3A_626 = arith.constant 0 : i32
    %dma_wait3A_627 = arith.constant 0 : i32
    %dma_wait3A_628 = tpu.memref_slice %arg3[%dma_wait3A_626, %dma_wait3A_627] : memref<100000x128xf32, #tpu.memory_space<hbm>> -> memref<100000x128xf32, #tpu.memory_space<hbm>>
    tpu.wait_indirect_dma semaphore(%arg11 : memref<!tpu.dma_semaphore, #tpu.memory_space<semaphore_mem>>) src(%dma_wait3A_628 : memref<100000x128xf32, #tpu.memory_space<hbm>>) dst(%dma_wait3A_623 : memref<128x128xf32, #tpu.memory_space<vmem>>)
    %dma_wait3A_629 = arith.constant 128 : i32
    %dma_wait3A_630 = arith.constant 0 : i32
    %dma_wait3A_631 = tpu.memref_slice %arg7[%dma_wait3A_629, %dma_wait3A_630] : memref<256x128xf32, #tpu.memory_space<vmem>> -> memref<128x128xf32, #tpu.memory_space<vmem>>
    %dma_wait3A_632 = arith.constant 3456 : i32
    %dma_wait3A_633 = tpu.memref_slice %arg5[%dma_wait3A_632] : memref<6400xi32, #tpu.memory_space<vmem>> -> memref<128xi32, #tpu.memory_space<vmem>>
    %dma_wait3A_634 = arith.constant 0 : i32
    %dma_wait3A_635 = arith.constant 0 : i32
    %dma_wait3A_636 = tpu.memref_slice %arg3[%dma_wait3A_634, %dma_wait3A_635] : memref<100000x128xf32, #tpu.memory_space<hbm>> -> memref<100000x128xf32, #tpu.memory_space<hbm>>
    tpu.wait_indirect_dma semaphore(%arg12 : memref<!tpu.dma_semaphore, #tpu.memory_space<semaphore_mem>>) src(%dma_wait3A_636 : memref<100000x128xf32, #tpu.memory_space<hbm>>) dst(%dma_wait3A_631 : memref<128x128xf32, #tpu.memory_space<vmem>>)
    %add3A_637 = arith.constant 3328 : i32
    %add3A_638 = arith.addi %mul3A_2, %add3A_637 : i32
    %dma_start3A_639 = arith.constant 0 : i32
    %dma_start3A_640 = tpu.memref_slice %arg4[%add3A_638, %dma_start3A_639] : memref<204800x128xf32, #tpu.memory_space<hbm>> -> memref<256x128xf32, #tpu.memory_space<hbm>>
    %dma_start3A_641 = arith.constant 0 : i32
    %dma_start3A_642 = tpu.memref_slice %arg4[%add3A_638, %dma_start3A_641] : memref<204800x128xf32, #tpu.memory_space<hbm>> -> memref<256x128xf32, #tpu.memory_space<hbm>>
    tpu.enqueue_dma source(%arg7 : memref<256x128xf32, #tpu.memory_space<vmem>>) target(%dma_start3A_642 : memref<256x128xf32, #tpu.memory_space<hbm>>) target_semaphore(%arg16 : memref<!tpu.dma_semaphore, #tpu.memory_space<semaphore_mem>>)
    %add3A_643 = arith.constant 3328 : i32
    %add3A_644 = arith.addi %mul3A_2, %add3A_643 : i32
    %dma_wait3A_645 = arith.constant 0 : i32
    %dma_wait3A_646 = tpu.memref_slice %arg4[%add3A_644, %dma_wait3A_645] : memref<204800x128xf32, #tpu.memory_space<hbm>> -> memref<256x128xf32, #tpu.memory_space<hbm>>
    %dma_wait3A_647 = arith.constant 0 : i32
    %dma_wait3A_648 = tpu.memref_slice %arg4[%add3A_644, %dma_wait3A_647] : memref<204800x128xf32, #tpu.memory_space<hbm>> -> memref<256x128xf32, #tpu.memory_space<hbm>>
    tpu.wait_dma2 semaphore(%arg16 : memref<!tpu.dma_semaphore, #tpu.memory_space<semaphore_mem>>) src(%arg7 : memref<256x128xf32, #tpu.memory_space<vmem>>) dst(%dma_wait3A_648 : memref<256x128xf32, #tpu.memory_space<hbm>>)
    %dma_start3A_649 = arith.constant 0 : i32
    %dma_start3A_650 = arith.constant 0 : i32
    %dma_start3A_651 = tpu.memref_slice %arg7[%dma_start3A_649, %dma_start3A_650] : memref<256x128xf32, #tpu.memory_space<vmem>> -> memref<128x128xf32, #tpu.memory_space<vmem>>
    %dma_start3A_652 = arith.constant 4096 : i32
    %dma_start3A_653 = tpu.memref_slice %arg5[%dma_start3A_652] : memref<6400xi32, #tpu.memory_space<vmem>> -> memref<128xi32, #tpu.memory_space<vmem>>
    %dma_start3A_654 = arith.constant 0 : i32
    %dma_start3A_655 = arith.constant 0 : i32
    %dma_start3A_656 = tpu.memref_slice %arg3[%dma_start3A_654, %dma_start3A_655] : memref<100000x128xf32, #tpu.memory_space<hbm>> -> memref<100000x128xf32, #tpu.memory_space<hbm>>
    tpu.enqueue_indirect_dma source(%dma_start3A_656 : memref<100000x128xf32, #tpu.memory_space<hbm>>) target(%dma_start3A_651 : memref<128x128xf32, #tpu.memory_space<vmem>>) offsets(%dma_start3A_653 : memref<128xi32, #tpu.memory_space<vmem>>) semaphore(%arg11 : memref<!tpu.dma_semaphore, #tpu.memory_space<semaphore_mem>>)
    %dma_start3A_657 = arith.constant 128 : i32
    %dma_start3A_658 = arith.constant 0 : i32
    %dma_start3A_659 = tpu.memref_slice %arg7[%dma_start3A_657, %dma_start3A_658] : memref<256x128xf32, #tpu.memory_space<vmem>> -> memref<128x128xf32, #tpu.memory_space<vmem>>
    %dma_start3A_660 = arith.constant 4224 : i32
    %dma_start3A_661 = tpu.memref_slice %arg5[%dma_start3A_660] : memref<6400xi32, #tpu.memory_space<vmem>> -> memref<128xi32, #tpu.memory_space<vmem>>
    %dma_start3A_662 = arith.constant 0 : i32
    %dma_start3A_663 = arith.constant 0 : i32
    %dma_start3A_664 = tpu.memref_slice %arg3[%dma_start3A_662, %dma_start3A_663] : memref<100000x128xf32, #tpu.memory_space<hbm>> -> memref<100000x128xf32, #tpu.memory_space<hbm>>
    tpu.enqueue_indirect_dma source(%dma_start3A_664 : memref<100000x128xf32, #tpu.memory_space<hbm>>) target(%dma_start3A_659 : memref<128x128xf32, #tpu.memory_space<vmem>>) offsets(%dma_start3A_661 : memref<128xi32, #tpu.memory_space<vmem>>) semaphore(%arg12 : memref<!tpu.dma_semaphore, #tpu.memory_space<semaphore_mem>>)
    %dma_wait3A_665 = arith.constant 0 : i32
    %dma_wait3A_666 = arith.constant 0 : i32
    %dma_wait3A_667 = tpu.memref_slice %arg8[%dma_wait3A_665, %dma_wait3A_666] : memref<256x128xf32, #tpu.memory_space<vmem>> -> memref<128x128xf32, #tpu.memory_space<vmem>>
    %dma_wait3A_668 = arith.constant 3584 : i32
    %dma_wait3A_669 = tpu.memref_slice %arg5[%dma_wait3A_668] : memref<6400xi32, #tpu.memory_space<vmem>> -> memref<128xi32, #tpu.memory_space<vmem>>
    %dma_wait3A_670 = arith.constant 0 : i32
    %dma_wait3A_671 = arith.constant 0 : i32
    %dma_wait3A_672 = tpu.memref_slice %arg3[%dma_wait3A_670, %dma_wait3A_671] : memref<100000x128xf32, #tpu.memory_space<hbm>> -> memref<100000x128xf32, #tpu.memory_space<hbm>>
    tpu.wait_indirect_dma semaphore(%arg13 : memref<!tpu.dma_semaphore, #tpu.memory_space<semaphore_mem>>) src(%dma_wait3A_672 : memref<100000x128xf32, #tpu.memory_space<hbm>>) dst(%dma_wait3A_667 : memref<128x128xf32, #tpu.memory_space<vmem>>)
    %dma_wait3A_673 = arith.constant 128 : i32
    %dma_wait3A_674 = arith.constant 0 : i32
    %dma_wait3A_675 = tpu.memref_slice %arg8[%dma_wait3A_673, %dma_wait3A_674] : memref<256x128xf32, #tpu.memory_space<vmem>> -> memref<128x128xf32, #tpu.memory_space<vmem>>
    %dma_wait3A_676 = arith.constant 3712 : i32
    %dma_wait3A_677 = tpu.memref_slice %arg5[%dma_wait3A_676] : memref<6400xi32, #tpu.memory_space<vmem>> -> memref<128xi32, #tpu.memory_space<vmem>>
    %dma_wait3A_678 = arith.constant 0 : i32
    %dma_wait3A_679 = arith.constant 0 : i32
    %dma_wait3A_680 = tpu.memref_slice %arg3[%dma_wait3A_678, %dma_wait3A_679] : memref<100000x128xf32, #tpu.memory_space<hbm>> -> memref<100000x128xf32, #tpu.memory_space<hbm>>
    tpu.wait_indirect_dma semaphore(%arg14 : memref<!tpu.dma_semaphore, #tpu.memory_space<semaphore_mem>>) src(%dma_wait3A_680 : memref<100000x128xf32, #tpu.memory_space<hbm>>) dst(%dma_wait3A_675 : memref<128x128xf32, #tpu.memory_space<vmem>>)
    %add3A_681 = arith.constant 3584 : i32
    %add3A_682 = arith.addi %mul3A_2, %add3A_681 : i32
    %dma_start3A_683 = arith.constant 0 : i32
    %dma_start3A_684 = tpu.memref_slice %arg4[%add3A_682, %dma_start3A_683] : memref<204800x128xf32, #tpu.memory_space<hbm>> -> memref<256x128xf32, #tpu.memory_space<hbm>>
    %dma_start3A_685 = arith.constant 0 : i32
    %dma_start3A_686 = tpu.memref_slice %arg4[%add3A_682, %dma_start3A_685] : memref<204800x128xf32, #tpu.memory_space<hbm>> -> memref<256x128xf32, #tpu.memory_space<hbm>>
    tpu.enqueue_dma source(%arg8 : memref<256x128xf32, #tpu.memory_space<vmem>>) target(%dma_start3A_686 : memref<256x128xf32, #tpu.memory_space<hbm>>) target_semaphore(%arg17 : memref<!tpu.dma_semaphore, #tpu.memory_space<semaphore_mem>>)
    %add3A_687 = arith.constant 3584 : i32
    %add3A_688 = arith.addi %mul3A_2, %add3A_687 : i32
    %dma_wait3A_689 = arith.constant 0 : i32
    %dma_wait3A_690 = tpu.memref_slice %arg4[%add3A_688, %dma_wait3A_689] : memref<204800x128xf32, #tpu.memory_space<hbm>> -> memref<256x128xf32, #tpu.memory_space<hbm>>
    %dma_wait3A_691 = arith.constant 0 : i32
    %dma_wait3A_692 = tpu.memref_slice %arg4[%add3A_688, %dma_wait3A_691] : memref<204800x128xf32, #tpu.memory_space<hbm>> -> memref<256x128xf32, #tpu.memory_space<hbm>>
    tpu.wait_dma2 semaphore(%arg17 : memref<!tpu.dma_semaphore, #tpu.memory_space<semaphore_mem>>) src(%arg8 : memref<256x128xf32, #tpu.memory_space<vmem>>) dst(%dma_wait3A_692 : memref<256x128xf32, #tpu.memory_space<hbm>>)
    %dma_start3A_693 = arith.constant 0 : i32
    %dma_start3A_694 = arith.constant 0 : i32
    %dma_start3A_695 = tpu.memref_slice %arg8[%dma_start3A_693, %dma_start3A_694] : memref<256x128xf32, #tpu.memory_space<vmem>> -> memref<128x128xf32, #tpu.memory_space<vmem>>
    %dma_start3A_696 = arith.constant 4352 : i32
    %dma_start3A_697 = tpu.memref_slice %arg5[%dma_start3A_696] : memref<6400xi32, #tpu.memory_space<vmem>> -> memref<128xi32, #tpu.memory_space<vmem>>
    %dma_start3A_698 = arith.constant 0 : i32
    %dma_start3A_699 = arith.constant 0 : i32
    %dma_start3A_700 = tpu.memref_slice %arg3[%dma_start3A_698, %dma_start3A_699] : memref<100000x128xf32, #tpu.memory_space<hbm>> -> memref<100000x128xf32, #tpu.memory_space<hbm>>
    tpu.enqueue_indirect_dma source(%dma_start3A_700 : memref<100000x128xf32, #tpu.memory_space<hbm>>) target(%dma_start3A_695 : memref<128x128xf32, #tpu.memory_space<vmem>>) offsets(%dma_start3A_697 : memref<128xi32, #tpu.memory_space<vmem>>) semaphore(%arg13 : memref<!tpu.dma_semaphore, #tpu.memory_space<semaphore_mem>>)
    %dma_start3A_701 = arith.constant 128 : i32
    %dma_start3A_702 = arith.constant 0 : i32
    %dma_start3A_703 = tpu.memref_slice %arg8[%dma_start3A_701, %dma_start3A_702] : memref<256x128xf32, #tpu.memory_space<vmem>> -> memref<128x128xf32, #tpu.memory_space<vmem>>
    %dma_start3A_704 = arith.constant 4480 : i32
    %dma_start3A_705 = tpu.memref_slice %arg5[%dma_start3A_704] : memref<6400xi32, #tpu.memory_space<vmem>> -> memref<128xi32, #tpu.memory_space<vmem>>
    %dma_start3A_706 = arith.constant 0 : i32
    %dma_start3A_707 = arith.constant 0 : i32
    %dma_start3A_708 = tpu.memref_slice %arg3[%dma_start3A_706, %dma_start3A_707] : memref<100000x128xf32, #tpu.memory_space<hbm>> -> memref<100000x128xf32, #tpu.memory_space<hbm>>
    tpu.enqueue_indirect_dma source(%dma_start3A_708 : memref<100000x128xf32, #tpu.memory_space<hbm>>) target(%dma_start3A_703 : memref<128x128xf32, #tpu.memory_space<vmem>>) offsets(%dma_start3A_705 : memref<128xi32, #tpu.memory_space<vmem>>) semaphore(%arg14 : memref<!tpu.dma_semaphore, #tpu.memory_space<semaphore_mem>>)
    %dma_wait3A_709 = arith.constant 0 : i32
    %dma_wait3A_710 = arith.constant 0 : i32
    %dma_wait3A_711 = tpu.memref_slice %arg6[%dma_wait3A_709, %dma_wait3A_710] : memref<256x128xf32, #tpu.memory_space<vmem>> -> memref<128x128xf32, #tpu.memory_space<vmem>>
    %dma_wait3A_712 = arith.constant 3840 : i32
    %dma_wait3A_713 = tpu.memref_slice %arg5[%dma_wait3A_712] : memref<6400xi32, #tpu.memory_space<vmem>> -> memref<128xi32, #tpu.memory_space<vmem>>
    %dma_wait3A_714 = arith.constant 0 : i32
    %dma_wait3A_715 = arith.constant 0 : i32
    %dma_wait3A_716 = tpu.memref_slice %arg3[%dma_wait3A_714, %dma_wait3A_715] : memref<100000x128xf32, #tpu.memory_space<hbm>> -> memref<100000x128xf32, #tpu.memory_space<hbm>>
    tpu.wait_indirect_dma semaphore(%arg9 : memref<!tpu.dma_semaphore, #tpu.memory_space<semaphore_mem>>) src(%dma_wait3A_716 : memref<100000x128xf32, #tpu.memory_space<hbm>>) dst(%dma_wait3A_711 : memref<128x128xf32, #tpu.memory_space<vmem>>)
    %dma_wait3A_717 = arith.constant 128 : i32
    %dma_wait3A_718 = arith.constant 0 : i32
    %dma_wait3A_719 = tpu.memref_slice %arg6[%dma_wait3A_717, %dma_wait3A_718] : memref<256x128xf32, #tpu.memory_space<vmem>> -> memref<128x128xf32, #tpu.memory_space<vmem>>
    %dma_wait3A_720 = arith.constant 3968 : i32
    %dma_wait3A_721 = tpu.memref_slice %arg5[%dma_wait3A_720] : memref<6400xi32, #tpu.memory_space<vmem>> -> memref<128xi32, #tpu.memory_space<vmem>>
    %dma_wait3A_722 = arith.constant 0 : i32
    %dma_wait3A_723 = arith.constant 0 : i32
    %dma_wait3A_724 = tpu.memref_slice %arg3[%dma_wait3A_722, %dma_wait3A_723] : memref<100000x128xf32, #tpu.memory_space<hbm>> -> memref<100000x128xf32, #tpu.memory_space<hbm>>
    tpu.wait_indirect_dma semaphore(%arg10 : memref<!tpu.dma_semaphore, #tpu.memory_space<semaphore_mem>>) src(%dma_wait3A_724 : memref<100000x128xf32, #tpu.memory_space<hbm>>) dst(%dma_wait3A_719 : memref<128x128xf32, #tpu.memory_space<vmem>>)
    %add3A_725 = arith.constant 3840 : i32
    %add3A_726 = arith.addi %mul3A_2, %add3A_725 : i32
    %dma_start3A_727 = arith.constant 0 : i32
    %dma_start3A_728 = tpu.memref_slice %arg4[%add3A_726, %dma_start3A_727] : memref<204800x128xf32, #tpu.memory_space<hbm>> -> memref<256x128xf32, #tpu.memory_space<hbm>>
    %dma_start3A_729 = arith.constant 0 : i32
    %dma_start3A_730 = tpu.memref_slice %arg4[%add3A_726, %dma_start3A_729] : memref<204800x128xf32, #tpu.memory_space<hbm>> -> memref<256x128xf32, #tpu.memory_space<hbm>>
    tpu.enqueue_dma source(%arg6 : memref<256x128xf32, #tpu.memory_space<vmem>>) target(%dma_start3A_730 : memref<256x128xf32, #tpu.memory_space<hbm>>) target_semaphore(%arg15 : memref<!tpu.dma_semaphore, #tpu.memory_space<semaphore_mem>>)
    %add3A_731 = arith.constant 3840 : i32
    %add3A_732 = arith.addi %mul3A_2, %add3A_731 : i32
    %dma_wait3A_733 = arith.constant 0 : i32
    %dma_wait3A_734 = tpu.memref_slice %arg4[%add3A_732, %dma_wait3A_733] : memref<204800x128xf32, #tpu.memory_space<hbm>> -> memref<256x128xf32, #tpu.memory_space<hbm>>
    %dma_wait3A_735 = arith.constant 0 : i32
    %dma_wait3A_736 = tpu.memref_slice %arg4[%add3A_732, %dma_wait3A_735] : memref<204800x128xf32, #tpu.memory_space<hbm>> -> memref<256x128xf32, #tpu.memory_space<hbm>>
    tpu.wait_dma2 semaphore(%arg15 : memref<!tpu.dma_semaphore, #tpu.memory_space<semaphore_mem>>) src(%arg6 : memref<256x128xf32, #tpu.memory_space<vmem>>) dst(%dma_wait3A_736 : memref<256x128xf32, #tpu.memory_space<hbm>>)
    %dma_start3A_737 = arith.constant 0 : i32
    %dma_start3A_738 = arith.constant 0 : i32
    %dma_start3A_739 = tpu.memref_slice %arg6[%dma_start3A_737, %dma_start3A_738] : memref<256x128xf32, #tpu.memory_space<vmem>> -> memref<128x128xf32, #tpu.memory_space<vmem>>
    %dma_start3A_740 = arith.constant 4608 : i32
    %dma_start3A_741 = tpu.memref_slice %arg5[%dma_start3A_740] : memref<6400xi32, #tpu.memory_space<vmem>> -> memref<128xi32, #tpu.memory_space<vmem>>
    %dma_start3A_742 = arith.constant 0 : i32
    %dma_start3A_743 = arith.constant 0 : i32
    %dma_start3A_744 = tpu.memref_slice %arg3[%dma_start3A_742, %dma_start3A_743] : memref<100000x128xf32, #tpu.memory_space<hbm>> -> memref<100000x128xf32, #tpu.memory_space<hbm>>
    tpu.enqueue_indirect_dma source(%dma_start3A_744 : memref<100000x128xf32, #tpu.memory_space<hbm>>) target(%dma_start3A_739 : memref<128x128xf32, #tpu.memory_space<vmem>>) offsets(%dma_start3A_741 : memref<128xi32, #tpu.memory_space<vmem>>) semaphore(%arg9 : memref<!tpu.dma_semaphore, #tpu.memory_space<semaphore_mem>>)
    %dma_start3A_745 = arith.constant 128 : i32
    %dma_start3A_746 = arith.constant 0 : i32
    %dma_start3A_747 = tpu.memref_slice %arg6[%dma_start3A_745, %dma_start3A_746] : memref<256x128xf32, #tpu.memory_space<vmem>> -> memref<128x128xf32, #tpu.memory_space<vmem>>
    %dma_start3A_748 = arith.constant 4736 : i32
    %dma_start3A_749 = tpu.memref_slice %arg5[%dma_start3A_748] : memref<6400xi32, #tpu.memory_space<vmem>> -> memref<128xi32, #tpu.memory_space<vmem>>
    %dma_start3A_750 = arith.constant 0 : i32
    %dma_start3A_751 = arith.constant 0 : i32
    %dma_start3A_752 = tpu.memref_slice %arg3[%dma_start3A_750, %dma_start3A_751] : memref<100000x128xf32, #tpu.memory_space<hbm>> -> memref<100000x128xf32, #tpu.memory_space<hbm>>
    tpu.enqueue_indirect_dma source(%dma_start3A_752 : memref<100000x128xf32, #tpu.memory_space<hbm>>) target(%dma_start3A_747 : memref<128x128xf32, #tpu.memory_space<vmem>>) offsets(%dma_start3A_749 : memref<128xi32, #tpu.memory_space<vmem>>) semaphore(%arg10 : memref<!tpu.dma_semaphore, #tpu.memory_space<semaphore_mem>>)
    %dma_wait3A_753 = arith.constant 0 : i32
    %dma_wait3A_754 = arith.constant 0 : i32
    %dma_wait3A_755 = tpu.memref_slice %arg7[%dma_wait3A_753, %dma_wait3A_754] : memref<256x128xf32, #tpu.memory_space<vmem>> -> memref<128x128xf32, #tpu.memory_space<vmem>>
    %dma_wait3A_756 = arith.constant 4096 : i32
    %dma_wait3A_757 = tpu.memref_slice %arg5[%dma_wait3A_756] : memref<6400xi32, #tpu.memory_space<vmem>> -> memref<128xi32, #tpu.memory_space<vmem>>
    %dma_wait3A_758 = arith.constant 0 : i32
    %dma_wait3A_759 = arith.constant 0 : i32
    %dma_wait3A_760 = tpu.memref_slice %arg3[%dma_wait3A_758, %dma_wait3A_759] : memref<100000x128xf32, #tpu.memory_space<hbm>> -> memref<100000x128xf32, #tpu.memory_space<hbm>>
    tpu.wait_indirect_dma semaphore(%arg11 : memref<!tpu.dma_semaphore, #tpu.memory_space<semaphore_mem>>) src(%dma_wait3A_760 : memref<100000x128xf32, #tpu.memory_space<hbm>>) dst(%dma_wait3A_755 : memref<128x128xf32, #tpu.memory_space<vmem>>)
    %dma_wait3A_761 = arith.constant 128 : i32
    %dma_wait3A_762 = arith.constant 0 : i32
    %dma_wait3A_763 = tpu.memref_slice %arg7[%dma_wait3A_761, %dma_wait3A_762] : memref<256x128xf32, #tpu.memory_space<vmem>> -> memref<128x128xf32, #tpu.memory_space<vmem>>
    %dma_wait3A_764 = arith.constant 4224 : i32
    %dma_wait3A_765 = tpu.memref_slice %arg5[%dma_wait3A_764] : memref<6400xi32, #tpu.memory_space<vmem>> -> memref<128xi32, #tpu.memory_space<vmem>>
    %dma_wait3A_766 = arith.constant 0 : i32
    %dma_wait3A_767 = arith.constant 0 : i32
    %dma_wait3A_768 = tpu.memref_slice %arg3[%dma_wait3A_766, %dma_wait3A_767] : memref<100000x128xf32, #tpu.memory_space<hbm>> -> memref<100000x128xf32, #tpu.memory_space<hbm>>
    tpu.wait_indirect_dma semaphore(%arg12 : memref<!tpu.dma_semaphore, #tpu.memory_space<semaphore_mem>>) src(%dma_wait3A_768 : memref<100000x128xf32, #tpu.memory_space<hbm>>) dst(%dma_wait3A_763 : memref<128x128xf32, #tpu.memory_space<vmem>>)
    %add3A_769 = arith.constant 4096 : i32
    %add3A_770 = arith.addi %mul3A_2, %add3A_769 : i32
    %dma_start3A_771 = arith.constant 0 : i32
    %dma_start3A_772 = tpu.memref_slice %arg4[%add3A_770, %dma_start3A_771] : memref<204800x128xf32, #tpu.memory_space<hbm>> -> memref<256x128xf32, #tpu.memory_space<hbm>>
    %dma_start3A_773 = arith.constant 0 : i32
    %dma_start3A_774 = tpu.memref_slice %arg4[%add3A_770, %dma_start3A_773] : memref<204800x128xf32, #tpu.memory_space<hbm>> -> memref<256x128xf32, #tpu.memory_space<hbm>>
    tpu.enqueue_dma source(%arg7 : memref<256x128xf32, #tpu.memory_space<vmem>>) target(%dma_start3A_774 : memref<256x128xf32, #tpu.memory_space<hbm>>) target_semaphore(%arg16 : memref<!tpu.dma_semaphore, #tpu.memory_space<semaphore_mem>>)
    %add3A_775 = arith.constant 4096 : i32
    %add3A_776 = arith.addi %mul3A_2, %add3A_775 : i32
    %dma_wait3A_777 = arith.constant 0 : i32
    %dma_wait3A_778 = tpu.memref_slice %arg4[%add3A_776, %dma_wait3A_777] : memref<204800x128xf32, #tpu.memory_space<hbm>> -> memref<256x128xf32, #tpu.memory_space<hbm>>
    %dma_wait3A_779 = arith.constant 0 : i32
    %dma_wait3A_780 = tpu.memref_slice %arg4[%add3A_776, %dma_wait3A_779] : memref<204800x128xf32, #tpu.memory_space<hbm>> -> memref<256x128xf32, #tpu.memory_space<hbm>>
    tpu.wait_dma2 semaphore(%arg16 : memref<!tpu.dma_semaphore, #tpu.memory_space<semaphore_mem>>) src(%arg7 : memref<256x128xf32, #tpu.memory_space<vmem>>) dst(%dma_wait3A_780 : memref<256x128xf32, #tpu.memory_space<hbm>>)
    %dma_start3A_781 = arith.constant 0 : i32
    %dma_start3A_782 = arith.constant 0 : i32
    %dma_start3A_783 = tpu.memref_slice %arg7[%dma_start3A_781, %dma_start3A_782] : memref<256x128xf32, #tpu.memory_space<vmem>> -> memref<128x128xf32, #tpu.memory_space<vmem>>
    %dma_start3A_784 = arith.constant 4864 : i32
    %dma_start3A_785 = tpu.memref_slice %arg5[%dma_start3A_784] : memref<6400xi32, #tpu.memory_space<vmem>> -> memref<128xi32, #tpu.memory_space<vmem>>
    %dma_start3A_786 = arith.constant 0 : i32
    %dma_start3A_787 = arith.constant 0 : i32
    %dma_start3A_788 = tpu.memref_slice %arg3[%dma_start3A_786, %dma_start3A_787] : memref<100000x128xf32, #tpu.memory_space<hbm>> -> memref<100000x128xf32, #tpu.memory_space<hbm>>
    tpu.enqueue_indirect_dma source(%dma_start3A_788 : memref<100000x128xf32, #tpu.memory_space<hbm>>) target(%dma_start3A_783 : memref<128x128xf32, #tpu.memory_space<vmem>>) offsets(%dma_start3A_785 : memref<128xi32, #tpu.memory_space<vmem>>) semaphore(%arg11 : memref<!tpu.dma_semaphore, #tpu.memory_space<semaphore_mem>>)
    %dma_start3A_789 = arith.constant 128 : i32
    %dma_start3A_790 = arith.constant 0 : i32
    %dma_start3A_791 = tpu.memref_slice %arg7[%dma_start3A_789, %dma_start3A_790] : memref<256x128xf32, #tpu.memory_space<vmem>> -> memref<128x128xf32, #tpu.memory_space<vmem>>
    %dma_start3A_792 = arith.constant 4992 : i32
    %dma_start3A_793 = tpu.memref_slice %arg5[%dma_start3A_792] : memref<6400xi32, #tpu.memory_space<vmem>> -> memref<128xi32, #tpu.memory_space<vmem>>
    %dma_start3A_794 = arith.constant 0 : i32
    %dma_start3A_795 = arith.constant 0 : i32
    %dma_start3A_796 = tpu.memref_slice %arg3[%dma_start3A_794, %dma_start3A_795] : memref<100000x128xf32, #tpu.memory_space<hbm>> -> memref<100000x128xf32, #tpu.memory_space<hbm>>
    tpu.enqueue_indirect_dma source(%dma_start3A_796 : memref<100000x128xf32, #tpu.memory_space<hbm>>) target(%dma_start3A_791 : memref<128x128xf32, #tpu.memory_space<vmem>>) offsets(%dma_start3A_793 : memref<128xi32, #tpu.memory_space<vmem>>) semaphore(%arg12 : memref<!tpu.dma_semaphore, #tpu.memory_space<semaphore_mem>>)
    %dma_wait3A_797 = arith.constant 0 : i32
    %dma_wait3A_798 = arith.constant 0 : i32
    %dma_wait3A_799 = tpu.memref_slice %arg8[%dma_wait3A_797, %dma_wait3A_798] : memref<256x128xf32, #tpu.memory_space<vmem>> -> memref<128x128xf32, #tpu.memory_space<vmem>>
    %dma_wait3A_800 = arith.constant 4352 : i32
    %dma_wait3A_801 = tpu.memref_slice %arg5[%dma_wait3A_800] : memref<6400xi32, #tpu.memory_space<vmem>> -> memref<128xi32, #tpu.memory_space<vmem>>
    %dma_wait3A_802 = arith.constant 0 : i32
    %dma_wait3A_803 = arith.constant 0 : i32
    %dma_wait3A_804 = tpu.memref_slice %arg3[%dma_wait3A_802, %dma_wait3A_803] : memref<100000x128xf32, #tpu.memory_space<hbm>> -> memref<100000x128xf32, #tpu.memory_space<hbm>>
    tpu.wait_indirect_dma semaphore(%arg13 : memref<!tpu.dma_semaphore, #tpu.memory_space<semaphore_mem>>) src(%dma_wait3A_804 : memref<100000x128xf32, #tpu.memory_space<hbm>>) dst(%dma_wait3A_799 : memref<128x128xf32, #tpu.memory_space<vmem>>)
    %dma_wait3A_805 = arith.constant 128 : i32
    %dma_wait3A_806 = arith.constant 0 : i32
    %dma_wait3A_807 = tpu.memref_slice %arg8[%dma_wait3A_805, %dma_wait3A_806] : memref<256x128xf32, #tpu.memory_space<vmem>> -> memref<128x128xf32, #tpu.memory_space<vmem>>
    %dma_wait3A_808 = arith.constant 4480 : i32
    %dma_wait3A_809 = tpu.memref_slice %arg5[%dma_wait3A_808] : memref<6400xi32, #tpu.memory_space<vmem>> -> memref<128xi32, #tpu.memory_space<vmem>>
    %dma_wait3A_810 = arith.constant 0 : i32
    %dma_wait3A_811 = arith.constant 0 : i32
    %dma_wait3A_812 = tpu.memref_slice %arg3[%dma_wait3A_810, %dma_wait3A_811] : memref<100000x128xf32, #tpu.memory_space<hbm>> -> memref<100000x128xf32, #tpu.memory_space<hbm>>
    tpu.wait_indirect_dma semaphore(%arg14 : memref<!tpu.dma_semaphore, #tpu.memory_space<semaphore_mem>>) src(%dma_wait3A_812 : memref<100000x128xf32, #tpu.memory_space<hbm>>) dst(%dma_wait3A_807 : memref<128x128xf32, #tpu.memory_space<vmem>>)
    %add3A_813 = arith.constant 4352 : i32
    %add3A_814 = arith.addi %mul3A_2, %add3A_813 : i32
    %dma_start3A_815 = arith.constant 0 : i32
    %dma_start3A_816 = tpu.memref_slice %arg4[%add3A_814, %dma_start3A_815] : memref<204800x128xf32, #tpu.memory_space<hbm>> -> memref<256x128xf32, #tpu.memory_space<hbm>>
    %dma_start3A_817 = arith.constant 0 : i32
    %dma_start3A_818 = tpu.memref_slice %arg4[%add3A_814, %dma_start3A_817] : memref<204800x128xf32, #tpu.memory_space<hbm>> -> memref<256x128xf32, #tpu.memory_space<hbm>>
    tpu.enqueue_dma source(%arg8 : memref<256x128xf32, #tpu.memory_space<vmem>>) target(%dma_start3A_818 : memref<256x128xf32, #tpu.memory_space<hbm>>) target_semaphore(%arg17 : memref<!tpu.dma_semaphore, #tpu.memory_space<semaphore_mem>>)
    %add3A_819 = arith.constant 4352 : i32
    %add3A_820 = arith.addi %mul3A_2, %add3A_819 : i32
    %dma_wait3A_821 = arith.constant 0 : i32
    %dma_wait3A_822 = tpu.memref_slice %arg4[%add3A_820, %dma_wait3A_821] : memref<204800x128xf32, #tpu.memory_space<hbm>> -> memref<256x128xf32, #tpu.memory_space<hbm>>
    %dma_wait3A_823 = arith.constant 0 : i32
    %dma_wait3A_824 = tpu.memref_slice %arg4[%add3A_820, %dma_wait3A_823] : memref<204800x128xf32, #tpu.memory_space<hbm>> -> memref<256x128xf32, #tpu.memory_space<hbm>>
    tpu.wait_dma2 semaphore(%arg17 : memref<!tpu.dma_semaphore, #tpu.memory_space<semaphore_mem>>) src(%arg8 : memref<256x128xf32, #tpu.memory_space<vmem>>) dst(%dma_wait3A_824 : memref<256x128xf32, #tpu.memory_space<hbm>>)
    %dma_start3A_825 = arith.constant 0 : i32
    %dma_start3A_826 = arith.constant 0 : i32
    %dma_start3A_827 = tpu.memref_slice %arg8[%dma_start3A_825, %dma_start3A_826] : memref<256x128xf32, #tpu.memory_space<vmem>> -> memref<128x128xf32, #tpu.memory_space<vmem>>
    %dma_start3A_828 = arith.constant 5120 : i32
    %dma_start3A_829 = tpu.memref_slice %arg5[%dma_start3A_828] : memref<6400xi32, #tpu.memory_space<vmem>> -> memref<128xi32, #tpu.memory_space<vmem>>
    %dma_start3A_830 = arith.constant 0 : i32
    %dma_start3A_831 = arith.constant 0 : i32
    %dma_start3A_832 = tpu.memref_slice %arg3[%dma_start3A_830, %dma_start3A_831] : memref<100000x128xf32, #tpu.memory_space<hbm>> -> memref<100000x128xf32, #tpu.memory_space<hbm>>
    tpu.enqueue_indirect_dma source(%dma_start3A_832 : memref<100000x128xf32, #tpu.memory_space<hbm>>) target(%dma_start3A_827 : memref<128x128xf32, #tpu.memory_space<vmem>>) offsets(%dma_start3A_829 : memref<128xi32, #tpu.memory_space<vmem>>) semaphore(%arg13 : memref<!tpu.dma_semaphore, #tpu.memory_space<semaphore_mem>>)
    %dma_start3A_833 = arith.constant 128 : i32
    %dma_start3A_834 = arith.constant 0 : i32
    %dma_start3A_835 = tpu.memref_slice %arg8[%dma_start3A_833, %dma_start3A_834] : memref<256x128xf32, #tpu.memory_space<vmem>> -> memref<128x128xf32, #tpu.memory_space<vmem>>
    %dma_start3A_836 = arith.constant 5248 : i32
    %dma_start3A_837 = tpu.memref_slice %arg5[%dma_start3A_836] : memref<6400xi32, #tpu.memory_space<vmem>> -> memref<128xi32, #tpu.memory_space<vmem>>
    %dma_start3A_838 = arith.constant 0 : i32
    %dma_start3A_839 = arith.constant 0 : i32
    %dma_start3A_840 = tpu.memref_slice %arg3[%dma_start3A_838, %dma_start3A_839] : memref<100000x128xf32, #tpu.memory_space<hbm>> -> memref<100000x128xf32, #tpu.memory_space<hbm>>
    tpu.enqueue_indirect_dma source(%dma_start3A_840 : memref<100000x128xf32, #tpu.memory_space<hbm>>) target(%dma_start3A_835 : memref<128x128xf32, #tpu.memory_space<vmem>>) offsets(%dma_start3A_837 : memref<128xi32, #tpu.memory_space<vmem>>) semaphore(%arg14 : memref<!tpu.dma_semaphore, #tpu.memory_space<semaphore_mem>>)
    %dma_wait3A_841 = arith.constant 0 : i32
    %dma_wait3A_842 = arith.constant 0 : i32
    %dma_wait3A_843 = tpu.memref_slice %arg6[%dma_wait3A_841, %dma_wait3A_842] : memref<256x128xf32, #tpu.memory_space<vmem>> -> memref<128x128xf32, #tpu.memory_space<vmem>>
    %dma_wait3A_844 = arith.constant 4608 : i32
    %dma_wait3A_845 = tpu.memref_slice %arg5[%dma_wait3A_844] : memref<6400xi32, #tpu.memory_space<vmem>> -> memref<128xi32, #tpu.memory_space<vmem>>
    %dma_wait3A_846 = arith.constant 0 : i32
    %dma_wait3A_847 = arith.constant 0 : i32
    %dma_wait3A_848 = tpu.memref_slice %arg3[%dma_wait3A_846, %dma_wait3A_847] : memref<100000x128xf32, #tpu.memory_space<hbm>> -> memref<100000x128xf32, #tpu.memory_space<hbm>>
    tpu.wait_indirect_dma semaphore(%arg9 : memref<!tpu.dma_semaphore, #tpu.memory_space<semaphore_mem>>) src(%dma_wait3A_848 : memref<100000x128xf32, #tpu.memory_space<hbm>>) dst(%dma_wait3A_843 : memref<128x128xf32, #tpu.memory_space<vmem>>)
    %dma_wait3A_849 = arith.constant 128 : i32
    %dma_wait3A_850 = arith.constant 0 : i32
    %dma_wait3A_851 = tpu.memref_slice %arg6[%dma_wait3A_849, %dma_wait3A_850] : memref<256x128xf32, #tpu.memory_space<vmem>> -> memref<128x128xf32, #tpu.memory_space<vmem>>
    %dma_wait3A_852 = arith.constant 4736 : i32
    %dma_wait3A_853 = tpu.memref_slice %arg5[%dma_wait3A_852] : memref<6400xi32, #tpu.memory_space<vmem>> -> memref<128xi32, #tpu.memory_space<vmem>>
    %dma_wait3A_854 = arith.constant 0 : i32
    %dma_wait3A_855 = arith.constant 0 : i32
    %dma_wait3A_856 = tpu.memref_slice %arg3[%dma_wait3A_854, %dma_wait3A_855] : memref<100000x128xf32, #tpu.memory_space<hbm>> -> memref<100000x128xf32, #tpu.memory_space<hbm>>
    tpu.wait_indirect_dma semaphore(%arg10 : memref<!tpu.dma_semaphore, #tpu.memory_space<semaphore_mem>>) src(%dma_wait3A_856 : memref<100000x128xf32, #tpu.memory_space<hbm>>) dst(%dma_wait3A_851 : memref<128x128xf32, #tpu.memory_space<vmem>>)
    %add3A_857 = arith.constant 4608 : i32
    %add3A_858 = arith.addi %mul3A_2, %add3A_857 : i32
    %dma_start3A_859 = arith.constant 0 : i32
    %dma_start3A_860 = tpu.memref_slice %arg4[%add3A_858, %dma_start3A_859] : memref<204800x128xf32, #tpu.memory_space<hbm>> -> memref<256x128xf32, #tpu.memory_space<hbm>>
    %dma_start3A_861 = arith.constant 0 : i32
    %dma_start3A_862 = tpu.memref_slice %arg4[%add3A_858, %dma_start3A_861] : memref<204800x128xf32, #tpu.memory_space<hbm>> -> memref<256x128xf32, #tpu.memory_space<hbm>>
    tpu.enqueue_dma source(%arg6 : memref<256x128xf32, #tpu.memory_space<vmem>>) target(%dma_start3A_862 : memref<256x128xf32, #tpu.memory_space<hbm>>) target_semaphore(%arg15 : memref<!tpu.dma_semaphore, #tpu.memory_space<semaphore_mem>>)
    %add3A_863 = arith.constant 4608 : i32
    %add3A_864 = arith.addi %mul3A_2, %add3A_863 : i32
    %dma_wait3A_865 = arith.constant 0 : i32
    %dma_wait3A_866 = tpu.memref_slice %arg4[%add3A_864, %dma_wait3A_865] : memref<204800x128xf32, #tpu.memory_space<hbm>> -> memref<256x128xf32, #tpu.memory_space<hbm>>
    %dma_wait3A_867 = arith.constant 0 : i32
    %dma_wait3A_868 = tpu.memref_slice %arg4[%add3A_864, %dma_wait3A_867] : memref<204800x128xf32, #tpu.memory_space<hbm>> -> memref<256x128xf32, #tpu.memory_space<hbm>>
    tpu.wait_dma2 semaphore(%arg15 : memref<!tpu.dma_semaphore, #tpu.memory_space<semaphore_mem>>) src(%arg6 : memref<256x128xf32, #tpu.memory_space<vmem>>) dst(%dma_wait3A_868 : memref<256x128xf32, #tpu.memory_space<hbm>>)
    %dma_start3A_869 = arith.constant 0 : i32
    %dma_start3A_870 = arith.constant 0 : i32
    %dma_start3A_871 = tpu.memref_slice %arg6[%dma_start3A_869, %dma_start3A_870] : memref<256x128xf32, #tpu.memory_space<vmem>> -> memref<128x128xf32, #tpu.memory_space<vmem>>
    %dma_start3A_872 = arith.constant 5376 : i32
    %dma_start3A_873 = tpu.memref_slice %arg5[%dma_start3A_872] : memref<6400xi32, #tpu.memory_space<vmem>> -> memref<128xi32, #tpu.memory_space<vmem>>
    %dma_start3A_874 = arith.constant 0 : i32
    %dma_start3A_875 = arith.constant 0 : i32
    %dma_start3A_876 = tpu.memref_slice %arg3[%dma_start3A_874, %dma_start3A_875] : memref<100000x128xf32, #tpu.memory_space<hbm>> -> memref<100000x128xf32, #tpu.memory_space<hbm>>
    tpu.enqueue_indirect_dma source(%dma_start3A_876 : memref<100000x128xf32, #tpu.memory_space<hbm>>) target(%dma_start3A_871 : memref<128x128xf32, #tpu.memory_space<vmem>>) offsets(%dma_start3A_873 : memref<128xi32, #tpu.memory_space<vmem>>) semaphore(%arg9 : memref<!tpu.dma_semaphore, #tpu.memory_space<semaphore_mem>>)
    %dma_start3A_877 = arith.constant 128 : i32
    %dma_start3A_878 = arith.constant 0 : i32
    %dma_start3A_879 = tpu.memref_slice %arg6[%dma_start3A_877, %dma_start3A_878] : memref<256x128xf32, #tpu.memory_space<vmem>> -> memref<128x128xf32, #tpu.memory_space<vmem>>
    %dma_start3A_880 = arith.constant 5504 : i32
    %dma_start3A_881 = tpu.memref_slice %arg5[%dma_start3A_880] : memref<6400xi32, #tpu.memory_space<vmem>> -> memref<128xi32, #tpu.memory_space<vmem>>
    %dma_start3A_882 = arith.constant 0 : i32
    %dma_start3A_883 = arith.constant 0 : i32
    %dma_start3A_884 = tpu.memref_slice %arg3[%dma_start3A_882, %dma_start3A_883] : memref<100000x128xf32, #tpu.memory_space<hbm>> -> memref<100000x128xf32, #tpu.memory_space<hbm>>
    tpu.enqueue_indirect_dma source(%dma_start3A_884 : memref<100000x128xf32, #tpu.memory_space<hbm>>) target(%dma_start3A_879 : memref<128x128xf32, #tpu.memory_space<vmem>>) offsets(%dma_start3A_881 : memref<128xi32, #tpu.memory_space<vmem>>) semaphore(%arg10 : memref<!tpu.dma_semaphore, #tpu.memory_space<semaphore_mem>>)
    %dma_wait3A_885 = arith.constant 0 : i32
    %dma_wait3A_886 = arith.constant 0 : i32
    %dma_wait3A_887 = tpu.memref_slice %arg7[%dma_wait3A_885, %dma_wait3A_886] : memref<256x128xf32, #tpu.memory_space<vmem>> -> memref<128x128xf32, #tpu.memory_space<vmem>>
    %dma_wait3A_888 = arith.constant 4864 : i32
    %dma_wait3A_889 = tpu.memref_slice %arg5[%dma_wait3A_888] : memref<6400xi32, #tpu.memory_space<vmem>> -> memref<128xi32, #tpu.memory_space<vmem>>
    %dma_wait3A_890 = arith.constant 0 : i32
    %dma_wait3A_891 = arith.constant 0 : i32
    %dma_wait3A_892 = tpu.memref_slice %arg3[%dma_wait3A_890, %dma_wait3A_891] : memref<100000x128xf32, #tpu.memory_space<hbm>> -> memref<100000x128xf32, #tpu.memory_space<hbm>>
    tpu.wait_indirect_dma semaphore(%arg11 : memref<!tpu.dma_semaphore, #tpu.memory_space<semaphore_mem>>) src(%dma_wait3A_892 : memref<100000x128xf32, #tpu.memory_space<hbm>>) dst(%dma_wait3A_887 : memref<128x128xf32, #tpu.memory_space<vmem>>)
    %dma_wait3A_893 = arith.constant 128 : i32
    %dma_wait3A_894 = arith.constant 0 : i32
    %dma_wait3A_895 = tpu.memref_slice %arg7[%dma_wait3A_893, %dma_wait3A_894] : memref<256x128xf32, #tpu.memory_space<vmem>> -> memref<128x128xf32, #tpu.memory_space<vmem>>
    %dma_wait3A_896 = arith.constant 4992 : i32
    %dma_wait3A_897 = tpu.memref_slice %arg5[%dma_wait3A_896] : memref<6400xi32, #tpu.memory_space<vmem>> -> memref<128xi32, #tpu.memory_space<vmem>>
    %dma_wait3A_898 = arith.constant 0 : i32
    %dma_wait3A_899 = arith.constant 0 : i32
    %dma_wait3A_900 = tpu.memref_slice %arg3[%dma_wait3A_898, %dma_wait3A_899] : memref<100000x128xf32, #tpu.memory_space<hbm>> -> memref<100000x128xf32, #tpu.memory_space<hbm>>
    tpu.wait_indirect_dma semaphore(%arg12 : memref<!tpu.dma_semaphore, #tpu.memory_space<semaphore_mem>>) src(%dma_wait3A_900 : memref<100000x128xf32, #tpu.memory_space<hbm>>) dst(%dma_wait3A_895 : memref<128x128xf32, #tpu.memory_space<vmem>>)
    %add3A_901 = arith.constant 4864 : i32
    %add3A_902 = arith.addi %mul3A_2, %add3A_901 : i32
    %dma_start3A_903 = arith.constant 0 : i32
    %dma_start3A_904 = tpu.memref_slice %arg4[%add3A_902, %dma_start3A_903] : memref<204800x128xf32, #tpu.memory_space<hbm>> -> memref<256x128xf32, #tpu.memory_space<hbm>>
    %dma_start3A_905 = arith.constant 0 : i32
    %dma_start3A_906 = tpu.memref_slice %arg4[%add3A_902, %dma_start3A_905] : memref<204800x128xf32, #tpu.memory_space<hbm>> -> memref<256x128xf32, #tpu.memory_space<hbm>>
    tpu.enqueue_dma source(%arg7 : memref<256x128xf32, #tpu.memory_space<vmem>>) target(%dma_start3A_906 : memref<256x128xf32, #tpu.memory_space<hbm>>) target_semaphore(%arg16 : memref<!tpu.dma_semaphore, #tpu.memory_space<semaphore_mem>>)
    %add3A_907 = arith.constant 4864 : i32
    %add3A_908 = arith.addi %mul3A_2, %add3A_907 : i32
    %dma_wait3A_909 = arith.constant 0 : i32
    %dma_wait3A_910 = tpu.memref_slice %arg4[%add3A_908, %dma_wait3A_909] : memref<204800x128xf32, #tpu.memory_space<hbm>> -> memref<256x128xf32, #tpu.memory_space<hbm>>
    %dma_wait3A_911 = arith.constant 0 : i32
    %dma_wait3A_912 = tpu.memref_slice %arg4[%add3A_908, %dma_wait3A_911] : memref<204800x128xf32, #tpu.memory_space<hbm>> -> memref<256x128xf32, #tpu.memory_space<hbm>>
    tpu.wait_dma2 semaphore(%arg16 : memref<!tpu.dma_semaphore, #tpu.memory_space<semaphore_mem>>) src(%arg7 : memref<256x128xf32, #tpu.memory_space<vmem>>) dst(%dma_wait3A_912 : memref<256x128xf32, #tpu.memory_space<hbm>>)
    %dma_start3A_913 = arith.constant 0 : i32
    %dma_start3A_914 = arith.constant 0 : i32
    %dma_start3A_915 = tpu.memref_slice %arg7[%dma_start3A_913, %dma_start3A_914] : memref<256x128xf32, #tpu.memory_space<vmem>> -> memref<128x128xf32, #tpu.memory_space<vmem>>
    %dma_start3A_916 = arith.constant 5632 : i32
    %dma_start3A_917 = tpu.memref_slice %arg5[%dma_start3A_916] : memref<6400xi32, #tpu.memory_space<vmem>> -> memref<128xi32, #tpu.memory_space<vmem>>
    %dma_start3A_918 = arith.constant 0 : i32
    %dma_start3A_919 = arith.constant 0 : i32
    %dma_start3A_920 = tpu.memref_slice %arg3[%dma_start3A_918, %dma_start3A_919] : memref<100000x128xf32, #tpu.memory_space<hbm>> -> memref<100000x128xf32, #tpu.memory_space<hbm>>
    tpu.enqueue_indirect_dma source(%dma_start3A_920 : memref<100000x128xf32, #tpu.memory_space<hbm>>) target(%dma_start3A_915 : memref<128x128xf32, #tpu.memory_space<vmem>>) offsets(%dma_start3A_917 : memref<128xi32, #tpu.memory_space<vmem>>) semaphore(%arg11 : memref<!tpu.dma_semaphore, #tpu.memory_space<semaphore_mem>>)
    %dma_start3A_921 = arith.constant 128 : i32
    %dma_start3A_922 = arith.constant 0 : i32
    %dma_start3A_923 = tpu.memref_slice %arg7[%dma_start3A_921, %dma_start3A_922] : memref<256x128xf32, #tpu.memory_space<vmem>> -> memref<128x128xf32, #tpu.memory_space<vmem>>
    %dma_start3A_924 = arith.constant 5760 : i32
    %dma_start3A_925 = tpu.memref_slice %arg5[%dma_start3A_924] : memref<6400xi32, #tpu.memory_space<vmem>> -> memref<128xi32, #tpu.memory_space<vmem>>
    %dma_start3A_926 = arith.constant 0 : i32
    %dma_start3A_927 = arith.constant 0 : i32
    %dma_start3A_928 = tpu.memref_slice %arg3[%dma_start3A_926, %dma_start3A_927] : memref<100000x128xf32, #tpu.memory_space<hbm>> -> memref<100000x128xf32, #tpu.memory_space<hbm>>
    tpu.enqueue_indirect_dma source(%dma_start3A_928 : memref<100000x128xf32, #tpu.memory_space<hbm>>) target(%dma_start3A_923 : memref<128x128xf32, #tpu.memory_space<vmem>>) offsets(%dma_start3A_925 : memref<128xi32, #tpu.memory_space<vmem>>) semaphore(%arg12 : memref<!tpu.dma_semaphore, #tpu.memory_space<semaphore_mem>>)
    %dma_wait3A_929 = arith.constant 0 : i32
    %dma_wait3A_930 = arith.constant 0 : i32
    %dma_wait3A_931 = tpu.memref_slice %arg8[%dma_wait3A_929, %dma_wait3A_930] : memref<256x128xf32, #tpu.memory_space<vmem>> -> memref<128x128xf32, #tpu.memory_space<vmem>>
    %dma_wait3A_932 = arith.constant 5120 : i32
    %dma_wait3A_933 = tpu.memref_slice %arg5[%dma_wait3A_932] : memref<6400xi32, #tpu.memory_space<vmem>> -> memref<128xi32, #tpu.memory_space<vmem>>
    %dma_wait3A_934 = arith.constant 0 : i32
    %dma_wait3A_935 = arith.constant 0 : i32
    %dma_wait3A_936 = tpu.memref_slice %arg3[%dma_wait3A_934, %dma_wait3A_935] : memref<100000x128xf32, #tpu.memory_space<hbm>> -> memref<100000x128xf32, #tpu.memory_space<hbm>>
    tpu.wait_indirect_dma semaphore(%arg13 : memref<!tpu.dma_semaphore, #tpu.memory_space<semaphore_mem>>) src(%dma_wait3A_936 : memref<100000x128xf32, #tpu.memory_space<hbm>>) dst(%dma_wait3A_931 : memref<128x128xf32, #tpu.memory_space<vmem>>)
    %dma_wait3A_937 = arith.constant 128 : i32
    %dma_wait3A_938 = arith.constant 0 : i32
    %dma_wait3A_939 = tpu.memref_slice %arg8[%dma_wait3A_937, %dma_wait3A_938] : memref<256x128xf32, #tpu.memory_space<vmem>> -> memref<128x128xf32, #tpu.memory_space<vmem>>
    %dma_wait3A_940 = arith.constant 5248 : i32
    %dma_wait3A_941 = tpu.memref_slice %arg5[%dma_wait3A_940] : memref<6400xi32, #tpu.memory_space<vmem>> -> memref<128xi32, #tpu.memory_space<vmem>>
    %dma_wait3A_942 = arith.constant 0 : i32
    %dma_wait3A_943 = arith.constant 0 : i32
    %dma_wait3A_944 = tpu.memref_slice %arg3[%dma_wait3A_942, %dma_wait3A_943] : memref<100000x128xf32, #tpu.memory_space<hbm>> -> memref<100000x128xf32, #tpu.memory_space<hbm>>
    tpu.wait_indirect_dma semaphore(%arg14 : memref<!tpu.dma_semaphore, #tpu.memory_space<semaphore_mem>>) src(%dma_wait3A_944 : memref<100000x128xf32, #tpu.memory_space<hbm>>) dst(%dma_wait3A_939 : memref<128x128xf32, #tpu.memory_space<vmem>>)
    %add3A_945 = arith.constant 5120 : i32
    %add3A_946 = arith.addi %mul3A_2, %add3A_945 : i32
    %dma_start3A_947 = arith.constant 0 : i32
    %dma_start3A_948 = tpu.memref_slice %arg4[%add3A_946, %dma_start3A_947] : memref<204800x128xf32, #tpu.memory_space<hbm>> -> memref<256x128xf32, #tpu.memory_space<hbm>>
    %dma_start3A_949 = arith.constant 0 : i32
    %dma_start3A_950 = tpu.memref_slice %arg4[%add3A_946, %dma_start3A_949] : memref<204800x128xf32, #tpu.memory_space<hbm>> -> memref<256x128xf32, #tpu.memory_space<hbm>>
    tpu.enqueue_dma source(%arg8 : memref<256x128xf32, #tpu.memory_space<vmem>>) target(%dma_start3A_950 : memref<256x128xf32, #tpu.memory_space<hbm>>) target_semaphore(%arg17 : memref<!tpu.dma_semaphore, #tpu.memory_space<semaphore_mem>>)
    %add3A_951 = arith.constant 5120 : i32
    %add3A_952 = arith.addi %mul3A_2, %add3A_951 : i32
    %dma_wait3A_953 = arith.constant 0 : i32
    %dma_wait3A_954 = tpu.memref_slice %arg4[%add3A_952, %dma_wait3A_953] : memref<204800x128xf32, #tpu.memory_space<hbm>> -> memref<256x128xf32, #tpu.memory_space<hbm>>
    %dma_wait3A_955 = arith.constant 0 : i32
    %dma_wait3A_956 = tpu.memref_slice %arg4[%add3A_952, %dma_wait3A_955] : memref<204800x128xf32, #tpu.memory_space<hbm>> -> memref<256x128xf32, #tpu.memory_space<hbm>>
    tpu.wait_dma2 semaphore(%arg17 : memref<!tpu.dma_semaphore, #tpu.memory_space<semaphore_mem>>) src(%arg8 : memref<256x128xf32, #tpu.memory_space<vmem>>) dst(%dma_wait3A_956 : memref<256x128xf32, #tpu.memory_space<hbm>>)
    %dma_start3A_957 = arith.constant 0 : i32
    %dma_start3A_958 = arith.constant 0 : i32
    %dma_start3A_959 = tpu.memref_slice %arg8[%dma_start3A_957, %dma_start3A_958] : memref<256x128xf32, #tpu.memory_space<vmem>> -> memref<128x128xf32, #tpu.memory_space<vmem>>
    %dma_start3A_960 = arith.constant 5888 : i32
    %dma_start3A_961 = tpu.memref_slice %arg5[%dma_start3A_960] : memref<6400xi32, #tpu.memory_space<vmem>> -> memref<128xi32, #tpu.memory_space<vmem>>
    %dma_start3A_962 = arith.constant 0 : i32
    %dma_start3A_963 = arith.constant 0 : i32
    %dma_start3A_964 = tpu.memref_slice %arg3[%dma_start3A_962, %dma_start3A_963] : memref<100000x128xf32, #tpu.memory_space<hbm>> -> memref<100000x128xf32, #tpu.memory_space<hbm>>
    tpu.enqueue_indirect_dma source(%dma_start3A_964 : memref<100000x128xf32, #tpu.memory_space<hbm>>) target(%dma_start3A_959 : memref<128x128xf32, #tpu.memory_space<vmem>>) offsets(%dma_start3A_961 : memref<128xi32, #tpu.memory_space<vmem>>) semaphore(%arg13 : memref<!tpu.dma_semaphore, #tpu.memory_space<semaphore_mem>>)
    %dma_start3A_965 = arith.constant 128 : i32
    %dma_start3A_966 = arith.constant 0 : i32
    %dma_start3A_967 = tpu.memref_slice %arg8[%dma_start3A_965, %dma_start3A_966] : memref<256x128xf32, #tpu.memory_space<vmem>> -> memref<128x128xf32, #tpu.memory_space<vmem>>
    %dma_start3A_968 = arith.constant 6016 : i32
    %dma_start3A_969 = tpu.memref_slice %arg5[%dma_start3A_968] : memref<6400xi32, #tpu.memory_space<vmem>> -> memref<128xi32, #tpu.memory_space<vmem>>
    %dma_start3A_970 = arith.constant 0 : i32
    %dma_start3A_971 = arith.constant 0 : i32
    %dma_start3A_972 = tpu.memref_slice %arg3[%dma_start3A_970, %dma_start3A_971] : memref<100000x128xf32, #tpu.memory_space<hbm>> -> memref<100000x128xf32, #tpu.memory_space<hbm>>
    tpu.enqueue_indirect_dma source(%dma_start3A_972 : memref<100000x128xf32, #tpu.memory_space<hbm>>) target(%dma_start3A_967 : memref<128x128xf32, #tpu.memory_space<vmem>>) offsets(%dma_start3A_969 : memref<128xi32, #tpu.memory_space<vmem>>) semaphore(%arg14 : memref<!tpu.dma_semaphore, #tpu.memory_space<semaphore_mem>>)
    %dma_wait3A_973 = arith.constant 0 : i32
    %dma_wait3A_974 = arith.constant 0 : i32
    %dma_wait3A_975 = tpu.memref_slice %arg6[%dma_wait3A_973, %dma_wait3A_974] : memref<256x128xf32, #tpu.memory_space<vmem>> -> memref<128x128xf32, #tpu.memory_space<vmem>>
    %dma_wait3A_976 = arith.constant 5376 : i32
    %dma_wait3A_977 = tpu.memref_slice %arg5[%dma_wait3A_976] : memref<6400xi32, #tpu.memory_space<vmem>> -> memref<128xi32, #tpu.memory_space<vmem>>
    %dma_wait3A_978 = arith.constant 0 : i32
    %dma_wait3A_979 = arith.constant 0 : i32
    %dma_wait3A_980 = tpu.memref_slice %arg3[%dma_wait3A_978, %dma_wait3A_979] : memref<100000x128xf32, #tpu.memory_space<hbm>> -> memref<100000x128xf32, #tpu.memory_space<hbm>>
    tpu.wait_indirect_dma semaphore(%arg9 : memref<!tpu.dma_semaphore, #tpu.memory_space<semaphore_mem>>) src(%dma_wait3A_980 : memref<100000x128xf32, #tpu.memory_space<hbm>>) dst(%dma_wait3A_975 : memref<128x128xf32, #tpu.memory_space<vmem>>)
    %dma_wait3A_981 = arith.constant 128 : i32
    %dma_wait3A_982 = arith.constant 0 : i32
    %dma_wait3A_983 = tpu.memref_slice %arg6[%dma_wait3A_981, %dma_wait3A_982] : memref<256x128xf32, #tpu.memory_space<vmem>> -> memref<128x128xf32, #tpu.memory_space<vmem>>
    %dma_wait3A_984 = arith.constant 5504 : i32
    %dma_wait3A_985 = tpu.memref_slice %arg5[%dma_wait3A_984] : memref<6400xi32, #tpu.memory_space<vmem>> -> memref<128xi32, #tpu.memory_space<vmem>>
    %dma_wait3A_986 = arith.constant 0 : i32
    %dma_wait3A_987 = arith.constant 0 : i32
    %dma_wait3A_988 = tpu.memref_slice %arg3[%dma_wait3A_986, %dma_wait3A_987] : memref<100000x128xf32, #tpu.memory_space<hbm>> -> memref<100000x128xf32, #tpu.memory_space<hbm>>
    tpu.wait_indirect_dma semaphore(%arg10 : memref<!tpu.dma_semaphore, #tpu.memory_space<semaphore_mem>>) src(%dma_wait3A_988 : memref<100000x128xf32, #tpu.memory_space<hbm>>) dst(%dma_wait3A_983 : memref<128x128xf32, #tpu.memory_space<vmem>>)
    %add3A_989 = arith.constant 5376 : i32
    %add3A_990 = arith.addi %mul3A_2, %add3A_989 : i32
    %dma_start3A_991 = arith.constant 0 : i32
    %dma_start3A_992 = tpu.memref_slice %arg4[%add3A_990, %dma_start3A_991] : memref<204800x128xf32, #tpu.memory_space<hbm>> -> memref<256x128xf32, #tpu.memory_space<hbm>>
    %dma_start3A_993 = arith.constant 0 : i32
    %dma_start3A_994 = tpu.memref_slice %arg4[%add3A_990, %dma_start3A_993] : memref<204800x128xf32, #tpu.memory_space<hbm>> -> memref<256x128xf32, #tpu.memory_space<hbm>>
    tpu.enqueue_dma source(%arg6 : memref<256x128xf32, #tpu.memory_space<vmem>>) target(%dma_start3A_994 : memref<256x128xf32, #tpu.memory_space<hbm>>) target_semaphore(%arg15 : memref<!tpu.dma_semaphore, #tpu.memory_space<semaphore_mem>>)
    %add3A_995 = arith.constant 5376 : i32
    %add3A_996 = arith.addi %mul3A_2, %add3A_995 : i32
    %dma_wait3A_997 = arith.constant 0 : i32
    %dma_wait3A_998 = tpu.memref_slice %arg4[%add3A_996, %dma_wait3A_997] : memref<204800x128xf32, #tpu.memory_space<hbm>> -> memref<256x128xf32, #tpu.memory_space<hbm>>
    %dma_wait3A_999 = arith.constant 0 : i32
    %dma_wait3A_1000 = tpu.memref_slice %arg4[%add3A_996, %dma_wait3A_999] : memref<204800x128xf32, #tpu.memory_space<hbm>> -> memref<256x128xf32, #tpu.memory_space<hbm>>
    tpu.wait_dma2 semaphore(%arg15 : memref<!tpu.dma_semaphore, #tpu.memory_space<semaphore_mem>>) src(%arg6 : memref<256x128xf32, #tpu.memory_space<vmem>>) dst(%dma_wait3A_1000 : memref<256x128xf32, #tpu.memory_space<hbm>>)
    %dma_start3A_1001 = arith.constant 0 : i32
    %dma_start3A_1002 = arith.constant 0 : i32
    %dma_start3A_1003 = tpu.memref_slice %arg6[%dma_start3A_1001, %dma_start3A_1002] : memref<256x128xf32, #tpu.memory_space<vmem>> -> memref<128x128xf32, #tpu.memory_space<vmem>>
    %dma_start3A_1004 = arith.constant 6144 : i32
    %dma_start3A_1005 = tpu.memref_slice %arg5[%dma_start3A_1004] : memref<6400xi32, #tpu.memory_space<vmem>> -> memref<128xi32, #tpu.memory_space<vmem>>
    %dma_start3A_1006 = arith.constant 0 : i32
    %dma_start3A_1007 = arith.constant 0 : i32
    %dma_start3A_1008 = tpu.memref_slice %arg3[%dma_start3A_1006, %dma_start3A_1007] : memref<100000x128xf32, #tpu.memory_space<hbm>> -> memref<100000x128xf32, #tpu.memory_space<hbm>>
    tpu.enqueue_indirect_dma source(%dma_start3A_1008 : memref<100000x128xf32, #tpu.memory_space<hbm>>) target(%dma_start3A_1003 : memref<128x128xf32, #tpu.memory_space<vmem>>) offsets(%dma_start3A_1005 : memref<128xi32, #tpu.memory_space<vmem>>) semaphore(%arg9 : memref<!tpu.dma_semaphore, #tpu.memory_space<semaphore_mem>>)
    %dma_start3A_1009 = arith.constant 128 : i32
    %dma_start3A_1010 = arith.constant 0 : i32
    %dma_start3A_1011 = tpu.memref_slice %arg6[%dma_start3A_1009, %dma_start3A_1010] : memref<256x128xf32, #tpu.memory_space<vmem>> -> memref<128x128xf32, #tpu.memory_space<vmem>>
    %dma_start3A_1012 = arith.constant 6272 : i32
    %dma_start3A_1013 = tpu.memref_slice %arg5[%dma_start3A_1012] : memref<6400xi32, #tpu.memory_space<vmem>> -> memref<128xi32, #tpu.memory_space<vmem>>
    %dma_start3A_1014 = arith.constant 0 : i32
    %dma_start3A_1015 = arith.constant 0 : i32
    %dma_start3A_1016 = tpu.memref_slice %arg3[%dma_start3A_1014, %dma_start3A_1015] : memref<100000x128xf32, #tpu.memory_space<hbm>> -> memref<100000x128xf32, #tpu.memory_space<hbm>>
    tpu.enqueue_indirect_dma source(%dma_start3A_1016 : memref<100000x128xf32, #tpu.memory_space<hbm>>) target(%dma_start3A_1011 : memref<128x128xf32, #tpu.memory_space<vmem>>) offsets(%dma_start3A_1013 : memref<128xi32, #tpu.memory_space<vmem>>) semaphore(%arg10 : memref<!tpu.dma_semaphore, #tpu.memory_space<semaphore_mem>>)
    %dma_wait3A_1017 = arith.constant 0 : i32
    %dma_wait3A_1018 = arith.constant 0 : i32
    %dma_wait3A_1019 = tpu.memref_slice %arg7[%dma_wait3A_1017, %dma_wait3A_1018] : memref<256x128xf32, #tpu.memory_space<vmem>> -> memref<128x128xf32, #tpu.memory_space<vmem>>
    %dma_wait3A_1020 = arith.constant 5632 : i32
    %dma_wait3A_1021 = tpu.memref_slice %arg5[%dma_wait3A_1020] : memref<6400xi32, #tpu.memory_space<vmem>> -> memref<128xi32, #tpu.memory_space<vmem>>
    %dma_wait3A_1022 = arith.constant 0 : i32
    %dma_wait3A_1023 = arith.constant 0 : i32
    %dma_wait3A_1024 = tpu.memref_slice %arg3[%dma_wait3A_1022, %dma_wait3A_1023] : memref<100000x128xf32, #tpu.memory_space<hbm>> -> memref<100000x128xf32, #tpu.memory_space<hbm>>
    tpu.wait_indirect_dma semaphore(%arg11 : memref<!tpu.dma_semaphore, #tpu.memory_space<semaphore_mem>>) src(%dma_wait3A_1024 : memref<100000x128xf32, #tpu.memory_space<hbm>>) dst(%dma_wait3A_1019 : memref<128x128xf32, #tpu.memory_space<vmem>>)
    %dma_wait3A_1025 = arith.constant 128 : i32
    %dma_wait3A_1026 = arith.constant 0 : i32
    %dma_wait3A_1027 = tpu.memref_slice %arg7[%dma_wait3A_1025, %dma_wait3A_1026] : memref<256x128xf32, #tpu.memory_space<vmem>> -> memref<128x128xf32, #tpu.memory_space<vmem>>
    %dma_wait3A_1028 = arith.constant 5760 : i32
    %dma_wait3A_1029 = tpu.memref_slice %arg5[%dma_wait3A_1028] : memref<6400xi32, #tpu.memory_space<vmem>> -> memref<128xi32, #tpu.memory_space<vmem>>
    %dma_wait3A_1030 = arith.constant 0 : i32
    %dma_wait3A_1031 = arith.constant 0 : i32
    %dma_wait3A_1032 = tpu.memref_slice %arg3[%dma_wait3A_1030, %dma_wait3A_1031] : memref<100000x128xf32, #tpu.memory_space<hbm>> -> memref<100000x128xf32, #tpu.memory_space<hbm>>
    tpu.wait_indirect_dma semaphore(%arg12 : memref<!tpu.dma_semaphore, #tpu.memory_space<semaphore_mem>>) src(%dma_wait3A_1032 : memref<100000x128xf32, #tpu.memory_space<hbm>>) dst(%dma_wait3A_1027 : memref<128x128xf32, #tpu.memory_space<vmem>>)
    %add3A_1033 = arith.constant 5632 : i32
    %add3A_1034 = arith.addi %mul3A_2, %add3A_1033 : i32
    %dma_start3A_1035 = arith.constant 0 : i32
    %dma_start3A_1036 = tpu.memref_slice %arg4[%add3A_1034, %dma_start3A_1035] : memref<204800x128xf32, #tpu.memory_space<hbm>> -> memref<256x128xf32, #tpu.memory_space<hbm>>
    %dma_start3A_1037 = arith.constant 0 : i32
    %dma_start3A_1038 = tpu.memref_slice %arg4[%add3A_1034, %dma_start3A_1037] : memref<204800x128xf32, #tpu.memory_space<hbm>> -> memref<256x128xf32, #tpu.memory_space<hbm>>
    tpu.enqueue_dma source(%arg7 : memref<256x128xf32, #tpu.memory_space<vmem>>) target(%dma_start3A_1038 : memref<256x128xf32, #tpu.memory_space<hbm>>) target_semaphore(%arg16 : memref<!tpu.dma_semaphore, #tpu.memory_space<semaphore_mem>>)
    %dma_wait3A_1039 = arith.constant 0 : i32
    %dma_wait3A_1040 = arith.constant 0 : i32
    %dma_wait3A_1041 = tpu.memref_slice %arg8[%dma_wait3A_1039, %dma_wait3A_1040] : memref<256x128xf32, #tpu.memory_space<vmem>> -> memref<128x128xf32, #tpu.memory_space<vmem>>
    %dma_wait3A_1042 = arith.constant 5888 : i32
    %dma_wait3A_1043 = tpu.memref_slice %arg5[%dma_wait3A_1042] : memref<6400xi32, #tpu.memory_space<vmem>> -> memref<128xi32, #tpu.memory_space<vmem>>
    %dma_wait3A_1044 = arith.constant 0 : i32
    %dma_wait3A_1045 = arith.constant 0 : i32
    %dma_wait3A_1046 = tpu.memref_slice %arg3[%dma_wait3A_1044, %dma_wait3A_1045] : memref<100000x128xf32, #tpu.memory_space<hbm>> -> memref<100000x128xf32, #tpu.memory_space<hbm>>
    tpu.wait_indirect_dma semaphore(%arg13 : memref<!tpu.dma_semaphore, #tpu.memory_space<semaphore_mem>>) src(%dma_wait3A_1046 : memref<100000x128xf32, #tpu.memory_space<hbm>>) dst(%dma_wait3A_1041 : memref<128x128xf32, #tpu.memory_space<vmem>>)
    %dma_wait3A_1047 = arith.constant 128 : i32
    %dma_wait3A_1048 = arith.constant 0 : i32
    %dma_wait3A_1049 = tpu.memref_slice %arg8[%dma_wait3A_1047, %dma_wait3A_1048] : memref<256x128xf32, #tpu.memory_space<vmem>> -> memref<128x128xf32, #tpu.memory_space<vmem>>
    %dma_wait3A_1050 = arith.constant 6016 : i32
    %dma_wait3A_1051 = tpu.memref_slice %arg5[%dma_wait3A_1050] : memref<6400xi32, #tpu.memory_space<vmem>> -> memref<128xi32, #tpu.memory_space<vmem>>
    %dma_wait3A_1052 = arith.constant 0 : i32
    %dma_wait3A_1053 = arith.constant 0 : i32
    %dma_wait3A_1054 = tpu.memref_slice %arg3[%dma_wait3A_1052, %dma_wait3A_1053] : memref<100000x128xf32, #tpu.memory_space<hbm>> -> memref<100000x128xf32, #tpu.memory_space<hbm>>
    tpu.wait_indirect_dma semaphore(%arg14 : memref<!tpu.dma_semaphore, #tpu.memory_space<semaphore_mem>>) src(%dma_wait3A_1054 : memref<100000x128xf32, #tpu.memory_space<hbm>>) dst(%dma_wait3A_1049 : memref<128x128xf32, #tpu.memory_space<vmem>>)
    %add3A_1055 = arith.constant 5888 : i32
    %add3A_1056 = arith.addi %mul3A_2, %add3A_1055 : i32
    %dma_start3A_1057 = arith.constant 0 : i32
    %dma_start3A_1058 = tpu.memref_slice %arg4[%add3A_1056, %dma_start3A_1057] : memref<204800x128xf32, #tpu.memory_space<hbm>> -> memref<256x128xf32, #tpu.memory_space<hbm>>
    %dma_start3A_1059 = arith.constant 0 : i32
    %dma_start3A_1060 = tpu.memref_slice %arg4[%add3A_1056, %dma_start3A_1059] : memref<204800x128xf32, #tpu.memory_space<hbm>> -> memref<256x128xf32, #tpu.memory_space<hbm>>
    tpu.enqueue_dma source(%arg8 : memref<256x128xf32, #tpu.memory_space<vmem>>) target(%dma_start3A_1060 : memref<256x128xf32, #tpu.memory_space<hbm>>) target_semaphore(%arg17 : memref<!tpu.dma_semaphore, #tpu.memory_space<semaphore_mem>>)
    %dma_wait3A_1061 = arith.constant 0 : i32
    %dma_wait3A_1062 = arith.constant 0 : i32
    %dma_wait3A_1063 = tpu.memref_slice %arg6[%dma_wait3A_1061, %dma_wait3A_1062] : memref<256x128xf32, #tpu.memory_space<vmem>> -> memref<128x128xf32, #tpu.memory_space<vmem>>
    %dma_wait3A_1064 = arith.constant 6144 : i32
    %dma_wait3A_1065 = tpu.memref_slice %arg5[%dma_wait3A_1064] : memref<6400xi32, #tpu.memory_space<vmem>> -> memref<128xi32, #tpu.memory_space<vmem>>
    %dma_wait3A_1066 = arith.constant 0 : i32
    %dma_wait3A_1067 = arith.constant 0 : i32
    %dma_wait3A_1068 = tpu.memref_slice %arg3[%dma_wait3A_1066, %dma_wait3A_1067] : memref<100000x128xf32, #tpu.memory_space<hbm>> -> memref<100000x128xf32, #tpu.memory_space<hbm>>
    tpu.wait_indirect_dma semaphore(%arg9 : memref<!tpu.dma_semaphore, #tpu.memory_space<semaphore_mem>>) src(%dma_wait3A_1068 : memref<100000x128xf32, #tpu.memory_space<hbm>>) dst(%dma_wait3A_1063 : memref<128x128xf32, #tpu.memory_space<vmem>>)
    %dma_wait3A_1069 = arith.constant 128 : i32
    %dma_wait3A_1070 = arith.constant 0 : i32
    %dma_wait3A_1071 = tpu.memref_slice %arg6[%dma_wait3A_1069, %dma_wait3A_1070] : memref<256x128xf32, #tpu.memory_space<vmem>> -> memref<128x128xf32, #tpu.memory_space<vmem>>
    %dma_wait3A_1072 = arith.constant 6272 : i32
    %dma_wait3A_1073 = tpu.memref_slice %arg5[%dma_wait3A_1072] : memref<6400xi32, #tpu.memory_space<vmem>> -> memref<128xi32, #tpu.memory_space<vmem>>
    %dma_wait3A_1074 = arith.constant 0 : i32
    %dma_wait3A_1075 = arith.constant 0 : i32
    %dma_wait3A_1076 = tpu.memref_slice %arg3[%dma_wait3A_1074, %dma_wait3A_1075] : memref<100000x128xf32, #tpu.memory_space<hbm>> -> memref<100000x128xf32, #tpu.memory_space<hbm>>
    tpu.wait_indirect_dma semaphore(%arg10 : memref<!tpu.dma_semaphore, #tpu.memory_space<semaphore_mem>>) src(%dma_wait3A_1076 : memref<100000x128xf32, #tpu.memory_space<hbm>>) dst(%dma_wait3A_1071 : memref<128x128xf32, #tpu.memory_space<vmem>>)
    %add3A_1077 = arith.constant 6144 : i32
    %add3A_1078 = arith.addi %mul3A_2, %add3A_1077 : i32
    %dma_start3A_1079 = arith.constant 0 : i32
    %dma_start3A_1080 = tpu.memref_slice %arg4[%add3A_1078, %dma_start3A_1079] : memref<204800x128xf32, #tpu.memory_space<hbm>> -> memref<256x128xf32, #tpu.memory_space<hbm>>
    %dma_start3A_1081 = arith.constant 0 : i32
    %dma_start3A_1082 = tpu.memref_slice %arg4[%add3A_1078, %dma_start3A_1081] : memref<204800x128xf32, #tpu.memory_space<hbm>> -> memref<256x128xf32, #tpu.memory_space<hbm>>
    tpu.enqueue_dma source(%arg6 : memref<256x128xf32, #tpu.memory_space<vmem>>) target(%dma_start3A_1082 : memref<256x128xf32, #tpu.memory_space<hbm>>) target_semaphore(%arg15 : memref<!tpu.dma_semaphore, #tpu.memory_space<semaphore_mem>>)
    %add3A_1083 = arith.constant 5632 : i32
    %add3A_1084 = arith.addi %mul3A_2, %add3A_1083 : i32
    %dma_wait3A_1085 = arith.constant 0 : i32
    %dma_wait3A_1086 = tpu.memref_slice %arg4[%add3A_1084, %dma_wait3A_1085] : memref<204800x128xf32, #tpu.memory_space<hbm>> -> memref<256x128xf32, #tpu.memory_space<hbm>>
    %dma_wait3A_1087 = arith.constant 0 : i32
    %dma_wait3A_1088 = tpu.memref_slice %arg4[%add3A_1084, %dma_wait3A_1087] : memref<204800x128xf32, #tpu.memory_space<hbm>> -> memref<256x128xf32, #tpu.memory_space<hbm>>
    tpu.wait_dma2 semaphore(%arg16 : memref<!tpu.dma_semaphore, #tpu.memory_space<semaphore_mem>>) src(%arg7 : memref<256x128xf32, #tpu.memory_space<vmem>>) dst(%dma_wait3A_1088 : memref<256x128xf32, #tpu.memory_space<hbm>>)
    %add3A_1089 = arith.constant 5888 : i32
    %add3A_1090 = arith.addi %mul3A_2, %add3A_1089 : i32
    %dma_wait3A_1091 = arith.constant 0 : i32
    %dma_wait3A_1092 = tpu.memref_slice %arg4[%add3A_1090, %dma_wait3A_1091] : memref<204800x128xf32, #tpu.memory_space<hbm>> -> memref<256x128xf32, #tpu.memory_space<hbm>>
    %dma_wait3A_1093 = arith.constant 0 : i32
    %dma_wait3A_1094 = tpu.memref_slice %arg4[%add3A_1090, %dma_wait3A_1093] : memref<204800x128xf32, #tpu.memory_space<hbm>> -> memref<256x128xf32, #tpu.memory_space<hbm>>
    tpu.wait_dma2 semaphore(%arg17 : memref<!tpu.dma_semaphore, #tpu.memory_space<semaphore_mem>>) src(%arg8 : memref<256x128xf32, #tpu.memory_space<vmem>>) dst(%dma_wait3A_1094 : memref<256x128xf32, #tpu.memory_space<hbm>>)
    %add3A_1095 = arith.constant 6144 : i32
    %add3A_1096 = arith.addi %mul3A_2, %add3A_1095 : i32
    %dma_wait3A_1097 = arith.constant 0 : i32
    %dma_wait3A_1098 = tpu.memref_slice %arg4[%add3A_1096, %dma_wait3A_1097] : memref<204800x128xf32, #tpu.memory_space<hbm>> -> memref<256x128xf32, #tpu.memory_space<hbm>>
    %dma_wait3A_1099 = arith.constant 0 : i32
    %dma_wait3A_1100 = tpu.memref_slice %arg4[%add3A_1096, %dma_wait3A_1099] : memref<204800x128xf32, #tpu.memory_space<hbm>> -> memref<256x128xf32, #tpu.memory_space<hbm>>
    tpu.wait_dma2 semaphore(%arg15 : memref<!tpu.dma_semaphore, #tpu.memory_space<semaphore_mem>>) src(%arg6 : memref<256x128xf32, #tpu.memory_space<vmem>>) dst(%dma_wait3A_1100 : memref<256x128xf32, #tpu.memory_space<hbm>>)
    return
  }
}

</mosaic_0001>

<sc_bundles>
// kernel: _lookup.3.cloned.1.call-start
scs
__scs_entry_jumppad:
0x0: {  	(pc) =	sbr.rel $0x88, $3  }
0x1: {  	(tag) =	ssettag $0x0;
	lr =	simm.s32 $0x1  }
0x2: {  	[smem:$0x3F9F] =	sst lr;
	_ =	strace $0xD0000000  }
0x3: {  	_ = 	snop  }
0x4: {  	_ = 	snop  }
0x5: {  	_ = 	snop  }
0x6: {  	_ = 	snop  }
0x7: {  	_ = 	snop  }
__scs_overlays_trampoline_lowered:
0x8: {  	[smem:$0x3FAE] =	sst s0  }
0x9: {  	[smem:$0x3FAF] =	sst s1  }
0xa: {  	[smem:$0x3FB0] =	sst s2  }
0xb: {  	[smem:$0x3FB1] =	sst s3  }
0xc: {  	[smem:$0x3FB2] =	sst s4  }
0xd: {  	[smem:$0x3FB3] =	sst s5  }
0xe: {  	[smem:$0x3FB4] =	sst s6  }
0xf: {  	[smem:$0x3FB5] =	sst s7  }
0x10: {  	[smem:$0x3FB6] =	sst s8  }
0x11: {  	[smem:$0x3FB7] =	sst s9;
	s0 =	simm.s32 @!p0 $0x0  }
0x12: {  	s1 =	sld [smem:$0x3F9D];
	s0 =	simm.s32 @p0 $0x1  }
0x13: {  	[smem:$0x3FB8] =	sst s0;
	s0 =	simm.s32 @!p1 $0x0  }
0x14: {  	s2 =	sld [smem:$0x3F9C];
	s0 =	simm.s32 @p1 $0x1  }
0x15: {  	[smem:$0x3FB9] =	sst s0;
	s0 =	simm.s32 @!p2 $0x0  }
0x16: {  	s3 =	sld [smem:$0x3FDB];
	s0 =	simm.s32 @p2 $0x1  }
0x17: {  	s4 =	simm.s32 $0x1BF5;
	[smem:$0x3FBB] =	sst s0  }
0x18: {  	s0 =	sld [smem:$0x3F9E];
	_ =	swait.ge [sflag:s4], $0x0  }
0x19: {  	s7 =	sld [smem:$0x3F9F]  }
0x1a: {  	s8 =	sadd.s32 $0xFFFFE003, lr  }
0x1b: {  	s9 =	sadd.s32 $0xFFFFFEF7, lr;
	s5 =	simm.s32 $0xFFFFFFFF;
	p2 =	slt.u32 s8, $0xFFFFF086  }
0x1c: {  	p1 =	slt.u32 s9, $0xF7A;
	s5 =	simm.s32 @!p2 $0x0  }
0x1d: {  	s5 =	simm.s32 @p1 $0x1;
	p0 =	seq.s32 s7, s2  }
0x1e: {  	s7 =	smul.u32 @!p0 $0xF7A, s2;
	p2 =	seq.s32 @!p0 s5, $0x0  }
0x1f: {  	s9 =	smul.u32 $0xF7A, s1;
	s8 =	simm.s32 @!p0 $0x1BF5;
	p2 =	por !p2, p0  }
0x20: {  	[sflag:s8] =	ssyncset.s32 @!p0 $0xFFFFF086;
	s6 =	sadd.s32 @!p0 s3, s7;
	s7 =	simm.s32 @!p0 $0x108  }
0x21: {  	s3 =	sadd.s32 s3, s9;
	s6 =	sadd.s32 @!p0 $0x88, s6;
	s7 =	simm.s32 @p2 $0x1082  }
0x22: {  	[simem:s7], [sflag:s8] =	dma.local @!p0 [hbm:s6], $0xF7A  }
0x23: {  	s9 =	sor.u32 $0xD0000000, s2;
	s6 =	simm.s32 $0x108;
	_ =	swait.ge @!p0 [sflag:s8], $0x0  }
0x24: {  	s3 =	sadd.s32 $0x88, s3;
	s6 =	simm.s32 @!p1 $0x1082;
	[sflag:s4] =	ssyncset.s32 $0xFFFFF086  }
0x25: {  	[simem:s6], [sflag:s4] =	dma.local [hbm:s3], $0xF7A  }
0x26: {  	[smem:$0x3F9F] =	sst s1;
	(tag) =	ssettag s2;
	_ =	strace s9  }
0x27: {  	s1 =	sld [smem:$0x3FAF]  }
0x28: {  	s2 =	sld [smem:$0x3FB0]  }
0x29: {  	s4 =	sld [smem:$0x3FB2]  }
0x2a: {  	p0 =	seq.s32 s5, $0x0;
	s5 =	sld [smem:$0x3FB3]  }
0x2b: {  	s6 =	sld [smem:$0x3FB4]  }
0x2c: {  	s7 =	sld [smem:$0x3FB5]  }
0x2d: {  	s3 =	simm.s32 $0x108;
	s8 =	sld [smem:$0x3FB6]  }
0x2e: {  	s3 =	simm.s32 @!p0 $0x1082;
	s9 =	sld [smem:$0x3FB7]  }
0x2f: {  	lr =	sadd.s32 s0, s3;
	s0 =	sld [smem:$0x3FAE]  }
0x30: {  	s3 =	sld [smem:$0x3FB1]  }
0x31: {  	[smem:$0x3FBA] =	sst s10  }
0x32: {  	s10 =	sld [smem:$0x3FB8];
	_ =	sdelay $0x3  }
0x33: {  	p0 =	seq.s32 s10, $0x1;
	s10 =	sld [smem:$0x3FBA];
	_ =	sdelay $0x3  }
0x34: {  	[smem:$0x3FBA] =	sst s10  }
0x35: {  	s10 =	sld [smem:$0x3FB9];
	_ =	sdelay $0x3  }
0x36: {  	p1 =	seq.s32 s10, $0x1;
	s10 =	sld [smem:$0x3FBA];
	_ =	sdelay $0x3  }
0x37: {  	[smem:$0x3FBA] =	sst s10  }
0x38: {  	s10 =	sld [smem:$0x3FBB]  }
0x39: {  	_ = 	snop;
	(pc) =	sbr.ind lr, $3  }
0x3a: {  	_ = 	snop  }
0x3b: {  	_ = 	snop  }
0x3c: {  	p2 =	seq.s32 s10, $0x1;
	s10 =	sld [smem:$0x3FBA]  }
0x3d: {  	_ =	shalt  }
0x3e: {  	_ =	shalt  }
0x3f: {  	_ =	shalt  }
0x40: {  	_ =	shalt  }
0x41: {  	_ =	shalt  }
0x42: {  	_ =	shalt  }
0x43: {  	_ =	shalt  }
0x44: {  	_ =	shalt  }
0x45: {  	_ =	shalt  }
0x46: {  	_ =	shalt  }
0x47: {  	_ =	shalt  }
0x48: {  	_ =	shalt  }
0x49: {  	_ =	shalt  }
0x4a: {  	_ =	shalt  }
0x4b: {  	_ =	shalt  }
0x4c: {  	_ =	shalt  }
0x4d: {  	_ =	shalt  }
0x4e: {  	_ =	shalt  }
0x4f: {  	_ =	shalt  }
0x50: {  	_ =	shalt  }
0x51: {  	_ =	shalt  }
0x52: {  	_ =	shalt  }
0x53: {  	_ =	shalt  }
0x54: {  	_ =	shalt  }
0x55: {  	_ =	shalt  }
0x56: {  	_ =	shalt  }
0x57: {  	_ =	shalt  }
0x58: {  	_ =	shalt  }
0x59: {  	_ =	shalt  }
0x5a: {  	_ =	shalt  }
0x5b: {  	_ =	shalt  }
0x5c: {  	_ =	shalt  }
0x5d: {  	_ =	shalt  }
0x5e: {  	_ =	shalt  }
0x5f: {  	_ =	shalt  }
0x60: {  	_ =	shalt  }
0x61: {  	_ =	shalt  }
0x62: {  	_ =	shalt  }
0x63: {  	_ =	shalt  }
0x64: {  	_ =	shalt  }
0x65: {  	_ =	shalt  }
0x66: {  	_ =	shalt  }
0x67: {  	_ =	shalt  }
0x68: {  	_ =	shalt  }
0x69: {  	_ =	shalt  }
0x6a: {  	_ =	shalt  }
0x6b: {  	_ =	shalt  }
0x6c: {  	_ =	shalt  }
0x6d: {  	_ =	shalt  }
0x6e: {  	_ =	shalt  }
0x6f: {  	_ =	shalt  }
0x70: {  	_ =	shalt  }
0x71: {  	_ =	shalt  }
0x72: {  	_ =	shalt  }
0x73: {  	_ =	shalt  }
0x74: {  	_ =	shalt  }
0x75: {  	_ =	shalt  }
0x76: {  	_ =	shalt  }
0x77: {  	_ =	shalt  }
0x78: {  	_ =	shalt  }
0x79: {  	_ =	shalt  }
0x7a: {  	_ =	shalt  }
0x7b: {  	_ =	shalt  }
0x7c: {  	_ =	shalt  }
0x7d: {  	_ =	shalt  }
0x7e: {  	_ =	shalt  }
0x7f: {  	_ =	shalt  }
0x80: {  	_ =	shalt  }
0x81: {  	_ =	shalt  }
0x82: {  	_ =	shalt  }
0x83: {  	_ =	shalt  }
0x84: {  	_ =	shalt  }
0x85: {  	_ =	shalt  }
0x86: {  	_ =	shalt  }
0x87: {  	_ =	shalt  }
.Lfunc_end0:
.L_simem_size_0:
called_computation_lowered:
.L_overlay_start_0:
0x88: {  	s2 =	sld [smem:$0x3FD9]  }
0x89: {  	s3 =	sld [smem:$0x3FFE];
	_ =	sdelay $0x1  }
0x8a: {  	s1 =	srdreg.scid  }
0x8b: {  	s0 =	sand.u32 $0x1, s1  }
0x8c: {  	s18 =	sshll.u32 s0, $0xA;
	s2 =	sadd.s32 s3, s2  }
0x8d: {  	s2 =	sadd.s32 s2, s18  }
0x8e: {  	[smem:$0x3FC6] =	sst s2  }
0x8f: {  	_ = 	snop  }
0x90: {  	s2 =	sld [smem:$0x3FC9]  }
0x91: {  	s19 =	sld [smem:$0x3FC8]  }
0x92: {  	s4 =	sld [smem:$0x3FD0];
	(tm) =	ssettm $0x1  }
0x93: {  	s5 =	sld [smem:$0x3FFB];
	_ =	sdelay $0x3  }
0x94: {  	_ =	strace s5  }
0x95: {  	s5 =	sld [smem:$0x3FFC];
	_ =	sdelay $0x3  }
0x96: {  	_ =	strace s5  }
0x97: {  	s5 =	sld [smem:$0x3FFD];
	_ =	sdelay $0x3  }
0x98: {  	_ =	strace s5  }
0x99: {  	_ =	strace $0x8FFFFFFF  }
0x9a: {  	s20 =	sld [smem:$0x3FDB];
	_ =	sdelay $0x1  }
0x9b: {  	s6 =	simm.s32 $_scs_section_size  }
0x9c: {  	s7 =	simm.s32 $_size__tile_overlayer_lowered;
	s8 =	simm.s32 $_tile_overlayer_lowered  }
0x9d: {  	s23 =	simm.s32 $0x1BFF;
	s22 =	sshll.u32 s8, $0x1;
	s5 =	sadd.s32 s6, s20  }
0x9e: {  	s9 =	simm.s32 $0x0;
	s21 =	sshll.u32 s7, $0x1;
	s7 =	sadd.s32 s22, s5  }
0x9f: {  	[timem:s9], [sflag:s23] =	dma.local [hbm:s7], s21  }
0xa0: {  	_ =	swait.ge [sflag:s23], s21  }
0xa1: {  	s6 =	ssub.s32 $0x0, s21;
	[sflag:s23] =	ssyncset.done $0x0  }
0xa2: {  	[sflag:s23] =	ssyncadd.s32 s6;
	_ =	sdelay $0x1  }
0xa3: {  	s24 =	simm.s32 $0x1B8B  }
0xa4: {  	_ =	swait.ge [sflag:s24], $0x1  }
0xa5: {  	[sflag:s24] =	ssyncset.done $0x0  }
0xa6: {  	s25 =	simm.s32 $0x1B8E;
	[sflag:s24] =	ssyncadd.s32 $0xFFFFFFFF  }
0xa7: {  	s26 =	simm.s32 $execute0_lowered;
	[smem:$0x3FD2] =	sst s25  }
0xa8: {  	s6 =	sshll.u32 s26, $0x1;
	_ =	strace $0x80000046;
	[dreg:$0x1] =	wrdreg $0xFFFFFFFF  }
0xa9: {  	s28 =	simm.s32 $_size_execute0_lowered;
	s5 =	sadd.s32 s5, s6;
	[dreg:$0x0] =	wrdreg $0x0  }
0xaa: {  	s6 =	sshll.u32 s28, $0x1;
	[dreg:$0x2] =	wrdreg s5  }
0xab: {  	[dreg:$0x3] =	wrdreg s6  }
0xac: {  	[dreg:$0x4] =	wrdreg $0xC0  }
0xad: {  	_ =	task [dreg:s9], $0x5FFFF  }
0xae: {  	[dreg:$0x1] =	wrdreg $0xFFFFFFFF  }
0xaf: {  	[dreg:$0x0] =	wrdreg $0x60  }
0xb0: {  	[dreg:$0x2] =	wrdreg s2  }
0xb1: {  	[dreg:$0x3] =	wrdreg s19  }
0xb2: {  	[dreg:$0x4] =	wrdreg s4  }
0xb3: {  	[dreg:$0x5] =	wrdreg $0x9  }
0xb4: {  	_ =	task.clear_ibuf [dreg:s9], $0x6FFFF;
	_ =	strace $0x90000046  }
0xb5: {  	s29 =	simm.s32 $0x9;
	_ =	strace $0x80000048  }
0xb6: {  	_ =	swait.ge [sflag:s29], $0x1  }
0xb7: {  	[sflag:s29] =	ssyncadd.s32 $0xFFFFFFFF  }
0xb8: {  	_ =	strace $0x90000048  }
0xb9: {  	_ =	sfence  }
0xba: {  	s30 =	sld [smem:$0x0];
	_ =	sdelay $0x2  }
0xbb: {  	s31 =	sshll.u32 s1, $0xD;
	s1 =	sshrl.u32 s1, $0x2  }
0xbc: {  	s3 =	sand.u32 $0x4000, s31;
	s1 =	sadd.s32 s1, s30  }
0xbd: {  	s0 =	sor.u32 s3, s0;
	s1 =	sshll.u32 s1, $0x11  }
0xbe: {  	s0 =	sor.u32 s1, s0  }
0xbf: {  	s0 =	sadd.s32 $0x8F2B, s0  }
0xc0: {  	[sflag:s0] =	ssyncadd.remote.s32 $0x1  }
0xc1: {  	_ =	sfence.sel $0xFFFF  }
0xc2: {  	[dreg:$0x0] =	wrdreg $0xFFFFFFFF;
	(pc) =	sbr.abs _section_cstart, $3  }
0xc3: {  	[dreg:$0x1] =	wrdreg $0xFFFFFFFF  }
0xc4: {  	_ =	task.clear_ibuf [dreg:s9], $0x2FFFF;
	_ =	strace $0x9FFFFFFF  }
0xc5: {  	(tm) =	ssettm $0x7FFFFFFF  }
tec
execute0_lowered:
.L_overlay_start_1:
0x0: {  	(tag) =	ssettag $0x1  }
0x1: {  	s0 =	srdreg.scid;
	s20 =	stileid.u32  }
0x2: {  	s1 =	sand.u32 $0x1, s0;
	s23 =	sshll.u32 s20, $0x1  }
0x3: {  	s0 =	sor.u32 s1, s23  }
0x4: {  	s4 =	rddreg [dreg:$0x0];
	s6 =	smul.u32 $0x320, s0  }
0x5: {  	s3 =	rddreg [dreg:$0x1];
	s2 =	simm.s32 $0x0;
	s7 =	smul.u32 $0xC8000, s0  }
0x6: {  	[smem:$0x7FF] =	sst s2;
	s0 =	smul.u32 $0x19000, s0  }
0x7: {  	s5 =	rddreg [dreg:$0x2];
	_ =	strace $0x80000047;
	s4 =	sadd.s32 s4, s6  }
0x8: {  	s24 =	sshrl.u32 s7, $0x3;
	s0 =	sadd.s32 s5, s0;
	[dreg:$0x4] =	wrdreg s4  }
0x9: {  	s4 =	sadd.s32 s5, s24;
	[dreg:$0x5] =	wrdreg s0  }
0xa: {  	s25 =	sadd.s32 $0x1000, s4;
	s0 =	rddreg [dreg:$0x4]  }
0xb: {  	s26 =	sadd.s32 $0x2000, s4;
	[dreg:$0x6] =	wrdreg s25  }
0xc: {  	s5 =	sadd.s32 $0x3000, s4;
	[dreg:$0x7] =	wrdreg s26  }
0xd: {  	s6 =	sadd.s32 $0x4000, s4;
	[dreg:$0x8] =	wrdreg s5  }
0xe: {  	s7 =	sadd.s32 $0x5000, s4;
	[dreg:$0x9] =	wrdreg s6  }
0xf: {  	s8 =	sadd.s32 $0x6000, s4;
	[dreg:$0xa] =	wrdreg s7  }
0x10: {  	s9 =	sadd.s32 $0x7000, s4;
	[dreg:$0xb] =	wrdreg s8  }
0x11: {  	s10 =	sadd.s32 $0x8000, s4;
	[dreg:$0xc] =	wrdreg s9  }
0x12: {  	s11 =	sadd.s32 $0x9000, s4;
	[dreg:$0xd] =	wrdreg s10  }
0x13: {  	s12 =	sadd.s32 $0xA000, s4;
	[dreg:$0xe] =	wrdreg s11  }
0x14: {  	s13 =	sadd.s32 $0xB000, s4;
	[dreg:$0xf] =	wrdreg s12  }
0x15: {  	s14 =	sadd.s32 $0xC000, s4;
	[dreg:$0x10] =	wrdreg s13  }
0x16: {  	s15 =	sadd.s32 $0xD000, s4;
	[dreg:$0x11] =	wrdreg s14  }
0x17: {  	s16 =	sadd.s32 $0xE000, s4;
	[dreg:$0x12] =	wrdreg s15  }
0x18: {  	s17 =	sadd.s32 $0xF000, s4;
	[dreg:$0x13] =	wrdreg s16  }
0x19: {  	s18 =	sadd.s32 $0x10000, s4;
	[dreg:$0x14] =	wrdreg s17  }
0x1a: {  	s19 =	sadd.s32 $0x11000, s4;
	[dreg:$0x15] =	wrdreg s18  }
0x1b: {  	s21 =	sadd.s32 $0x12000, s4;
	[dreg:$0x16] =	wrdreg s19  }
0x1c: {  	s22 =	sadd.s32 $0x13000, s4;
	[dreg:$0x17] =	wrdreg s21  }
0x1d: {  	s23 =	sadd.s32 $0x14000, s4;
	[dreg:$0x18] =	wrdreg s22  }
0x1e: {  	s24 =	sadd.s32 $0x15000, s4;
	[dreg:$0x19] =	wrdreg s23  }
0x1f: {  	[dreg:$0x1a] =	wrdreg s24;
	s25 =	sadd.s32 $0x16000, s4  }
0x20: {  	s26 =	sadd.s32 $0x17000, s4;
	[dreg:$0x1b] =	wrdreg s25  }
0x21: {  	s4 =	sadd.s32 $0x18000, s4;
	[dreg:$0x1c] =	wrdreg s26  }
0x22: {  	s5 =	simm.s32 $0x100;
	[dreg:$0x1d] =	wrdreg s4  }
0x23: {  	s6 =	simm.s32 $0x180;
	[dreg:$0x1e] =	wrdreg s5  }
0x24: {  	s7 =	simm.s32 $0x200;
	[dreg:$0x1f] =	wrdreg s6  }
0x25: {  	s8 =	simm.s32 $0x280;
	[smem:$0x7DA] =	sst s7  }
0x26: {  	s9 =	simm.s32 $0x300;
	[smem:$0x7DB] =	sst s8  }
0x27: {  	s10 =	simm.s32 $0x380;
	[smem:$0x7DC] =	sst s9  }
0x28: {  	s11 =	simm.s32 $0x400;
	[smem:$0x7DD] =	sst s10  }
0x29: {  	s12 =	simm.s32 $0x480;
	[smem:$0x7DE] =	sst s11  }
0x2a: {  	s13 =	simm.s32 $0x500;
	[smem:$0x7DF] =	sst s12  }
0x2b: {  	s14 =	simm.s32 $0x580;
	[smem:$0x7E0] =	sst s13  }
0x2c: {  	s15 =	simm.s32 $0x600;
	[smem:$0x7E1] =	sst s14  }
0x2d: {  	s16 =	simm.s32 $0x680;
	[smem:$0x7E2] =	sst s15  }
0x2e: {  	s31 =	simm.s32 $0xA;
	s17 =	simm.s32 $0x700;
	[smem:$0x7E3] =	sst s16  }
0x2f: {  	s30 =	simm.s32 $0x1400;
	s18 =	simm.s32 $0x780;
	[smem:$0x7E4] =	sst s17  }
0x30: {  	s28 =	simm.s32 $0x1480;
	s19 =	simm.s32 $0x800;
	[smem:$0x7E5] =	sst s18  }
0x31: {  	s29 =	simm.s32 $0x1580;
	s21 =	simm.s32 $0x880;
	[smem:$0x7E6] =	sst s19  }
0x32: {  	p0 =	por $0x0, $0x0;
	s22 =	simm.s32 $0x900;
	[smem:$0x7E7] =	sst s21  }
0x33: {  	s1 =	ssub.s32 $0x2, s1;
	s23 =	simm.s32 $0x980;
	[smem:$0x7E8] =	sst s22  }
0x34: {  	s24 =	sshrl.u32 s1, $0x1;
	[smem:$0x7E9] =	sst s23;
	s25 =	simm.s32 $0xA00  }
0x35: {  	s1 =	ssub.s32 s1, s24;
	s26 =	simm.s32 $0xA80;
	[smem:$0x7EA] =	sst s25  }
0x36: {  	s4 =	simm.s32 $0xB00;
	s5 =	simm.s32 $0xB80;
	[smem:$0x7EB] =	sst s26  }
0x37: {  	s7 =	simm.s32 $0x80;
	s6 =	simm.s32 $0xC00;
	[smem:$0x7EC] =	sst s4  }
0x38: {  	s8 =	simm.s32 $0xC80;
	s11 =	simm.s32 $0x5900;
	[smem:$0x7ED] =	sst s5  }
0x39: {  	s9 =	simm.s32 $0xD00;
	s10 =	simm.s32 $0xD80;
	[smem:$0x7EE] =	sst s6  }
0x3a: {  	s19 =	simm.s32 $0xD900;
	s12 =	simm.s32 $0xE00;
	[smem:$0x7EF] =	sst s8  }
0x3b: {  	s13 =	simm.s32 $0xE80;
	s18 =	simm.s32 $0x15900;
	[smem:$0x7F0] =	sst s9  }
0x3c: {  	s14 =	simm.s32 $0xF00;
	s15 =	simm.s32 $0xF80;
	[smem:$0x7F1] =	sst s10  }
0x3d: {  	s16 =	simm.s32 $0x1000;
	s17 =	simm.s32 $0x1080;
	[smem:$0x7F2] =	sst s12  }
0x3e: {  	s21 =	simm.s32 $0x1100;
	s22 =	simm.s32 $0x1180;
	[smem:$0x7F3] =	sst s13  }
0x3f: {  	s23 =	simm.s32 $0x1200;
	s24 =	simm.s32 $0x1280;
	[smem:$0x7F4] =	sst s14  }
0x40: {  	s1 =	smax.u32 s1, $0x1;
	s4 =	simm.s32 $0x1900;
	[smem:$0x7F5] =	sst s15  }
0x41: {  	s8 =	simm.s32 $0x9900;
	s6 =	simm.s32 $0x11900;
	[smem:$0x7F6] =	sst s16  }
0x42: {  	s10 =	simm.s32 $0x1;
	s9 =	simm.s32 $0x2;
	[smem:$0x7F7] =	sst s17  }
0x43: {  	s5 =	simm.s32 $0x7;
	s15 =	simm.s32 $0x3;
	[smem:$0x7F8] =	sst s21  }
0x44: {  	s14 =	simm.s32 $0x4;
	s12 =	simm.s32 $0x8;
	[smem:$0x7F9] =	sst s22  }
0x45: {  	s17 =	simm.s32 $0x5;
	[smem:$0x7FA] =	sst s23;
	p1 =	sne.s32 s1, $0x1  }
.Ltmp0:
0x46: {  	s16 =	simm.s32 $0x6;
	[smem:$0x7FB] =	sst s24;
	(pc) =	sbr.rel @!p1 .LBB2_1-.Ltmp0, $4  }
0x47: {  	s25 =	simm.s32 $0x1300;
	s13 =	simm.s32 $0x9;
	s26 =	simm.s32 $0x1380  }
0x48: {  	s23 =	simm.s32 $0x1700;
	s24 =	simm.s32 $0x1780;
	[smem:$0x7FC] =	sst s25  }
0x49: {  	s21 =	simm.s32 $0x1800;
	s22 =	simm.s32 $0x1880;
	[smem:$0x7FD] =	sst s26  }
0x4a: {  	s1 =	sadd.s32 $0xFFFFFFFF, s1;
	s25 =	simm.s32 $0x1600;
	s26 =	simm.s32 $0x1680  }
0x4b: {  	[tilespmem:s2], [sflag:$0xA] =	stream.linear.gather [hbm4b:s0+s2], $0x1900, $0x38;
	[tilespmem:$0x19900] =	vst v63  }
0x4c: {  	_ =	swait.ge [sflag:s31], $0x1900  }
0x4d: {  	[sflag:s31] =	ssyncset.done $0x0  }
0x4e: {  	[sflag:s31] =	ssyncadd.s32 $0xFFFFE700  }
0x4f: {  	[tilespmem:s4], [sflag:$0x1] =	stream.indirect.gather [hbm4b:s3+s7], $0x80, s2, s7, $0xb8;
	[tilespmem:$0x19900] =	vst v63  }
0x50: {  	s0 =	rddreg [dreg:$0x1e]  }
0x51: {  	[tilespmem:s11], [sflag:$0x2] =	stream.indirect.gather [hbm4b:s3+s7], $0x80, s7, s7, $0xb8;
	[tilespmem:$0x19900] =	vst v63  }
0x52: {  	s20 =	smov.u32 s1;
	s1 =	rddreg [dreg:$0x1f]  }
0x53: {  	[tilespmem:s8], [sflag:$0x3] =	stream.indirect.gather [hbm4b:s3+s7], $0x80, s0, s7, $0xb8;
	[tilespmem:$0x19900] =	vst v63  }
0x54: {  	s0 =	sld [smem:$0x7DA]  }
0x55: {  	[tilespmem:s19], [sflag:$0x4] =	stream.indirect.gather [hbm4b:s3+s7], $0x80, s1, s7, $0xb8;
	[tilespmem:$0x19900] =	vst v63  }
0x56: {  	s1 =	sld [smem:$0x7DB]  }
0x57: {  	[tilespmem:s6], [sflag:$0x5] =	stream.indirect.gather [hbm4b:s3+s7], $0x80, s0, s7, $0xb8;
	[tilespmem:$0x19900] =	vst v63  }
0x58: {  	_ = 	snop  }
0x59: {  	[tilespmem:s18], [sflag:$0x6] =	stream.indirect.gather [hbm4b:s3+s7], $0x80, s1, s7, $0xb8;
	[tilespmem:$0x19900] =	vst v63  }
0x5a: {  	_ =	swait.ge [sflag:s10], $0x4000  }
0x5b: {  	[sflag:s10] =	ssyncset.done $0x0  }
0x5c: {  	[sflag:s10] =	ssyncadd.s32 $0xFFFFC000  }
0x5d: {  	_ =	swait.ge [sflag:s9], $0x4000  }
0x5e: {  	[sflag:s9] =	ssyncset.done $0x0  }
0x5f: {  	s1 =	rddreg [dreg:$0x5];
	[sflag:s9] =	ssyncadd.s32 $0xFFFFC000  }
0x60: {  	[hbm4b:s1+s2] =	stream.linear.scatter [tilespmem:s4], [sflag:$0x7], $0x8000, $0x38;
	[tilespmem:$0x19900] =	vst v63  }
0x61: {  	_ =	swait.ge [sflag:s5], $0x8000  }
0x62: {  	s0 =	sld [smem:$0x7DC]  }
0x63: {  	[sflag:s5] =	ssyncset.done $0x0  }
0x64: {  	s1 =	sld [smem:$0x7DD];
	[sflag:s5] =	ssyncadd.s32 $0xFFFF8000  }
0x65: {  	[tilespmem:s4], [sflag:$0x1] =	stream.indirect.gather [hbm4b:s3+s7], $0x80, s0, s7, $0xb8;
	[tilespmem:$0x19900] =	vst v63  }
0x66: {  	_ = 	snop  }
0x67: {  	[tilespmem:s11], [sflag:$0x2] =	stream.indirect.gather [hbm4b:s3+s7], $0x80, s1, s7, $0xb8;
	[tilespmem:$0x19900] =	vst v63  }
0x68: {  	_ =	swait.ge [sflag:s15], $0x4000  }
0x69: {  	[sflag:s15] =	ssyncset.done $0x0  }
0x6a: {  	[sflag:s15] =	ssyncadd.s32 $0xFFFFC000  }
0x6b: {  	_ =	swait.ge [sflag:s14], $0x4000  }
0x6c: {  	[sflag:s14] =	ssyncset.done $0x0  }
0x6d: {  	s1 =	rddreg [dreg:$0x6];
	[sflag:s14] =	ssyncadd.s32 $0xFFFFC000  }
0x6e: {  	[hbm4b:s1+s2] =	stream.linear.scatter [tilespmem:s8], [sflag:$0x8], $0x8000, $0x38;
	[tilespmem:$0x19900] =	vst v63  }
0x6f: {  	_ =	swait.ge [sflag:s12], $0x8000  }
0x70: {  	s0 =	sld [smem:$0x7DE]  }
0x71: {  	[sflag:s12] =	ssyncset.done $0x0  }
0x72: {  	s1 =	sld [smem:$0x7DF];
	[sflag:s12] =	ssyncadd.s32 $0xFFFF8000  }
0x73: {  	[tilespmem:s8], [sflag:$0x3] =	stream.indirect.gather [hbm4b:s3+s7], $0x80, s0, s7, $0xb8;
	[tilespmem:$0x19900] =	vst v63  }
0x74: {  	_ = 	snop  }
0x75: {  	[tilespmem:s19], [sflag:$0x4] =	stream.indirect.gather [hbm4b:s3+s7], $0x80, s1, s7, $0xb8;
	[tilespmem:$0x19900] =	vst v63  }
0x76: {  	_ =	swait.ge [sflag:s17], $0x4000  }
0x77: {  	[sflag:s17] =	ssyncset.done $0x0  }
0x78: {  	[sflag:s17] =	ssyncadd.s32 $0xFFFFC000  }
0x79: {  	_ =	swait.ge [sflag:s16], $0x4000  }
0x7a: {  	[sflag:s16] =	ssyncset.done $0x0  }
0x7b: {  	s1 =	rddreg [dreg:$0x7];
	[sflag:s16] =	ssyncadd.s32 $0xFFFFC000  }
0x7c: {  	[hbm4b:s1+s2] =	stream.linear.scatter [tilespmem:s6], [sflag:$0x9], $0x8000, $0x38;
	[tilespmem:$0x19900] =	vst v63  }
0x7d: {  	_ =	swait.ge [sflag:s13], $0x8000  }
0x7e: {  	s0 =	sld [smem:$0x7E0]  }
0x7f: {  	[sflag:s13] =	ssyncset.done $0x0  }
0x80: {  	s1 =	sld [smem:$0x7E1];
	[sflag:s13] =	ssyncadd.s32 $0xFFFF8000  }
0x81: {  	[tilespmem:s6], [sflag:$0x5] =	stream.indirect.gather [hbm4b:s3+s7], $0x80, s0, s7, $0xb8;
	[tilespmem:$0x19900] =	vst v63  }
0x82: {  	_ = 	snop  }
0x83: {  	[tilespmem:s18], [sflag:$0x6] =	stream.indirect.gather [hbm4b:s3+s7], $0x80, s1, s7, $0xb8;
	[tilespmem:$0x19900] =	vst v63  }
0x84: {  	_ =	swait.ge [sflag:s10], $0x4000  }
0x85: {  	[sflag:s10] =	ssyncset.done $0x0  }
0x86: {  	[sflag:s10] =	ssyncadd.s32 $0xFFFFC000  }
0x87: {  	_ =	swait.ge [sflag:s9], $0x4000  }
0x88: {  	[sflag:s9] =	ssyncset.done $0x0  }
0x89: {  	s1 =	rddreg [dreg:$0x8];
	[sflag:s9] =	ssyncadd.s32 $0xFFFFC000  }
0x8a: {  	[hbm4b:s1+s2] =	stream.linear.scatter [tilespmem:s4], [sflag:$0x7], $0x8000, $0x38;
	[tilespmem:$0x19900] =	vst v63  }
0x8b: {  	_ =	swait.ge [sflag:s5], $0x8000  }
0x8c: {  	s0 =	sld [smem:$0x7E2]  }
0x8d: {  	[sflag:s5] =	ssyncset.done $0x0  }
0x8e: {  	s1 =	sld [smem:$0x7E3];
	[sflag:s5] =	ssyncadd.s32 $0xFFFF8000  }
0x8f: {  	[tilespmem:s4], [sflag:$0x1] =	stream.indirect.gather [hbm4b:s3+s7], $0x80, s0, s7, $0xb8;
	[tilespmem:$0x19900] =	vst v63  }
0x90: {  	_ = 	snop  }
0x91: {  	[tilespmem:s11], [sflag:$0x2] =	stream.indirect.gather [hbm4b:s3+s7], $0x80, s1, s7, $0xb8;
	[tilespmem:$0x19900] =	vst v63  }
0x92: {  	_ =	swait.ge [sflag:s15], $0x4000  }
0x93: {  	[sflag:s15] =	ssyncset.done $0x0  }
0x94: {  	[sflag:s15] =	ssyncadd.s32 $0xFFFFC000  }
0x95: {  	_ =	swait.ge [sflag:s14], $0x4000  }
0x96: {  	[sflag:s14] =	ssyncset.done $0x0  }
0x97: {  	s1 =	rddreg [dreg:$0x9];
	[sflag:s14] =	ssyncadd.s32 $0xFFFFC000  }
0x98: {  	[hbm4b:s1+s2] =	stream.linear.scatter [tilespmem:s8], [sflag:$0x8], $0x8000, $0x38;
	[tilespmem:$0x19900] =	vst v63  }
0x99: {  	_ =	swait.ge [sflag:s12], $0x8000  }
0x9a: {  	s0 =	sld [smem:$0x7E4]  }
0x9b: {  	[sflag:s12] =	ssyncset.done $0x0  }
0x9c: {  	s1 =	sld [smem:$0x7E5];
	[sflag:s12] =	ssyncadd.s32 $0xFFFF8000  }
0x9d: {  	[tilespmem:s8], [sflag:$0x3] =	stream.indirect.gather [hbm4b:s3+s7], $0x80, s0, s7, $0xb8;
	[tilespmem:$0x19900] =	vst v63  }
0x9e: {  	_ = 	snop  }
0x9f: {  	[tilespmem:s19], [sflag:$0x4] =	stream.indirect.gather [hbm4b:s3+s7], $0x80, s1, s7, $0xb8;
	[tilespmem:$0x19900] =	vst v63  }
0xa0: {  	_ =	swait.ge [sflag:s17], $0x4000  }
0xa1: {  	[sflag:s17] =	ssyncset.done $0x0  }
0xa2: {  	[sflag:s17] =	ssyncadd.s32 $0xFFFFC000  }
0xa3: {  	_ =	swait.ge [sflag:s16], $0x4000  }
0xa4: {  	[sflag:s16] =	ssyncset.done $0x0  }
0xa5: {  	s1 =	rddreg [dreg:$0xa];
	[sflag:s16] =	ssyncadd.s32 $0xFFFFC000  }
0xa6: {  	[hbm4b:s1+s2] =	stream.linear.scatter [tilespmem:s6], [sflag:$0x9], $0x8000, $0x38;
	[tilespmem:$0x19900] =	vst v63  }
0xa7: {  	_ =	swait.ge [sflag:s13], $0x8000  }
0xa8: {  	s0 =	sld [smem:$0x7E6]  }
0xa9: {  	[sflag:s13] =	ssyncset.done $0x0  }
0xaa: {  	s1 =	sld [smem:$0x7E7];
	[sflag:s13] =	ssyncadd.s32 $0xFFFF8000  }
0xab: {  	[tilespmem:s6], [sflag:$0x5] =	stream.indirect.gather [hbm4b:s3+s7], $0x80, s0, s7, $0xb8;
	[tilespmem:$0x19900] =	vst v63  }
0xac: {  	_ = 	snop  }
0xad: {  	[tilespmem:s18], [sflag:$0x6] =	stream.indirect.gather [hbm4b:s3+s7], $0x80, s1, s7, $0xb8;
	[tilespmem:$0x19900] =	vst v63  }
0xae: {  	_ =	swait.ge [sflag:s10], $0x4000  }
0xaf: {  	[sflag:s10] =	ssyncset.done $0x0  }
0xb0: {  	[sflag:s10] =	ssyncadd.s32 $0xFFFFC000  }
0xb1: {  	_ =	swait.ge [sflag:s9], $0x4000  }
0xb2: {  	[sflag:s9] =	ssyncset.done $0x0  }
0xb3: {  	s1 =	rddreg [dreg:$0xb];
	[sflag:s9] =	ssyncadd.s32 $0xFFFFC000  }
0xb4: {  	[hbm4b:s1+s2] =	stream.linear.scatter [tilespmem:s4], [sflag:$0x7], $0x8000, $0x38;
	[tilespmem:$0x19900] =	vst v63  }
0xb5: {  	_ =	swait.ge [sflag:s5], $0x8000  }
0xb6: {  	s0 =	sld [smem:$0x7E8]  }
0xb7: {  	[sflag:s5] =	ssyncset.done $0x0  }
0xb8: {  	s1 =	sld [smem:$0x7E9];
	[sflag:s5] =	ssyncadd.s32 $0xFFFF8000  }
0xb9: {  	[tilespmem:s4], [sflag:$0x1] =	stream.indirect.gather [hbm4b:s3+s7], $0x80, s0, s7, $0xb8;
	[tilespmem:$0x19900] =	vst v63  }
0xba: {  	_ = 	snop  }
0xbb: {  	[tilespmem:s11], [sflag:$0x2] =	stream.indirect.gather [hbm4b:s3+s7], $0x80, s1, s7, $0xb8;
	[tilespmem:$0x19900] =	vst v63  }
0xbc: {  	_ =	swait.ge [sflag:s15], $0x4000  }
0xbd: {  	[sflag:s15] =	ssyncset.done $0x0  }
0xbe: {  	[sflag:s15] =	ssyncadd.s32 $0xFFFFC000  }
0xbf: {  	_ =	swait.ge [sflag:s14], $0x4000  }
0xc0: {  	[sflag:s14] =	ssyncset.done $0x0  }
0xc1: {  	s1 =	rddreg [dreg:$0xc];
	[sflag:s14] =	ssyncadd.s32 $0xFFFFC000  }
0xc2: {  	[hbm4b:s1+s2] =	stream.linear.scatter [tilespmem:s8], [sflag:$0x8], $0x8000, $0x38;
	[tilespmem:$0x19900] =	vst v63  }
0xc3: {  	_ =	swait.ge [sflag:s12], $0x8000  }
0xc4: {  	s0 =	sld [smem:$0x7EA]  }
0xc5: {  	[sflag:s12] =	ssyncset.done $0x0  }
0xc6: {  	s1 =	sld [smem:$0x7EB];
	[sflag:s12] =	ssyncadd.s32 $0xFFFF8000  }
0xc7: {  	[tilespmem:s8], [sflag:$0x3] =	stream.indirect.gather [hbm4b:s3+s7], $0x80, s0, s7, $0xb8;
	[tilespmem:$0x19900] =	vst v63  }
0xc8: {  	_ = 	snop  }
0xc9: {  	[tilespmem:s19], [sflag:$0x4] =	stream.indirect.gather [hbm4b:s3+s7], $0x80, s1, s7, $0xb8;
	[tilespmem:$0x19900] =	vst v63  }
0xca: {  	_ =	swait.ge [sflag:s17], $0x4000  }
0xcb: {  	[sflag:s17] =	ssyncset.done $0x0  }
0xcc: {  	[sflag:s17] =	ssyncadd.s32 $0xFFFFC000  }
0xcd: {  	_ =	swait.ge [sflag:s16], $0x4000  }
0xce: {  	[sflag:s16] =	ssyncset.done $0x0  }
0xcf: {  	s1 =	rddreg [dreg:$0xd];
	[sflag:s16] =	ssyncadd.s32 $0xFFFFC000  }
0xd0: {  	[hbm4b:s1+s2] =	stream.linear.scatter [tilespmem:s6], [sflag:$0x9], $0x8000, $0x38;
	[tilespmem:$0x19900] =	vst v63  }
0xd1: {  	_ =	swait.ge [sflag:s13], $0x8000  }
0xd2: {  	s0 =	sld [smem:$0x7EC]  }
0xd3: {  	[sflag:s13] =	ssyncset.done $0x0  }
0xd4: {  	s1 =	sld [smem:$0x7ED];
	[sflag:s13] =	ssyncadd.s32 $0xFFFF8000  }
0xd5: {  	[tilespmem:s6], [sflag:$0x5] =	stream.indirect.gather [hbm4b:s3+s7], $0x80, s0, s7, $0xb8;
	[tilespmem:$0x19900] =	vst v63  }
0xd6: {  	_ = 	snop  }
0xd7: {  	[tilespmem:s18], [sflag:$0x6] =	stream.indirect.gather [hbm4b:s3+s7], $0x80, s1, s7, $0xb8;
	[tilespmem:$0x19900] =	vst v63  }
0xd8: {  	_ =	swait.ge [sflag:s10], $0x4000  }
0xd9: {  	[sflag:s10] =	ssyncset.done $0x0  }
0xda: {  	[sflag:s10] =	ssyncadd.s32 $0xFFFFC000  }
0xdb: {  	_ =	swait.ge [sflag:s9], $0x4000  }
0xdc: {  	[sflag:s9] =	ssyncset.done $0x0  }
0xdd: {  	s1 =	rddreg [dreg:$0xe];
	[sflag:s9] =	ssyncadd.s32 $0xFFFFC000  }
0xde: {  	[hbm4b:s1+s2] =	stream.linear.scatter [tilespmem:s4], [sflag:$0x7], $0x8000, $0x38;
	[tilespmem:$0x19900] =	vst v63  }
0xdf: {  	_ =	swait.ge [sflag:s5], $0x8000  }
0xe0: {  	s0 =	sld [smem:$0x7EE]  }
0xe1: {  	[sflag:s5] =	ssyncset.done $0x0  }
0xe2: {  	s1 =	sld [smem:$0x7EF];
	[sflag:s5] =	ssyncadd.s32 $0xFFFF8000  }
0xe3: {  	[tilespmem:s4], [sflag:$0x1] =	stream.indirect.gather [hbm4b:s3+s7], $0x80, s0, s7, $0xb8;
	[tilespmem:$0x19900] =	vst v63  }
0xe4: {  	_ = 	snop  }
0xe5: {  	[tilespmem:s11], [sflag:$0x2] =	stream.indirect.gather [hbm4b:s3+s7], $0x80, s1, s7, $0xb8;
	[tilespmem:$0x19900] =	vst v63  }
0xe6: {  	_ =	swait.ge [sflag:s15], $0x4000  }
0xe7: {  	[sflag:s15] =	ssyncset.done $0x0  }
0xe8: {  	[sflag:s15] =	ssyncadd.s32 $0xFFFFC000  }
0xe9: {  	_ =	swait.ge [sflag:s14], $0x4000  }
0xea: {  	[sflag:s14] =	ssyncset.done $0x0  }
0xeb: {  	s1 =	rddreg [dreg:$0xf];
	[sflag:s14] =	ssyncadd.s32 $0xFFFFC000  }
0xec: {  	[hbm4b:s1+s2] =	stream.linear.scatter [tilespmem:s8], [sflag:$0x8], $0x8000, $0x38;
	[tilespmem:$0x19900] =	vst v63  }
0xed: {  	_ =	swait.ge [sflag:s12], $0x8000  }
0xee: {  	s0 =	sld [smem:$0x7F0]  }
0xef: {  	[sflag:s12] =	ssyncset.done $0x0  }
0xf0: {  	s1 =	sld [smem:$0x7F1];
	[sflag:s12] =	ssyncadd.s32 $0xFFFF8000  }
0xf1: {  	[tilespmem:s8], [sflag:$0x3] =	stream.indirect.gather [hbm4b:s3+s7], $0x80, s0, s7, $0xb8;
	[tilespmem:$0x19900] =	vst v63  }
0xf2: {  	_ = 	snop  }
0xf3: {  	[tilespmem:s19], [sflag:$0x4] =	stream.indirect.gather [hbm4b:s3+s7], $0x80, s1, s7, $0xb8;
	[tilespmem:$0x19900] =	vst v63  }
0xf4: {  	_ =	swait.ge [sflag:s17], $0x4000  }
0xf5: {  	[sflag:s17] =	ssyncset.done $0x0  }
0xf6: {  	[sflag:s17] =	ssyncadd.s32 $0xFFFFC000  }
0xf7: {  	_ =	swait.ge [sflag:s16], $0x4000  }
0xf8: {  	[sflag:s16] =	ssyncset.done $0x0  }
0xf9: {  	s1 =	rddreg [dreg:$0x10];
	[sflag:s16] =	ssyncadd.s32 $0xFFFFC000  }
0xfa: {  	[hbm4b:s1+s2] =	stream.linear.scatter [tilespmem:s6], [sflag:$0x9], $0x8000, $0x38;
	[tilespmem:$0x19900] =	vst v63  }
0xfb: {  	_ =	swait.ge [sflag:s13], $0x8000  }
0xfc: {  	s0 =	sld [smem:$0x7F2]  }
0xfd: {  	[sflag:s13] =	ssyncset.done $0x0  }
0xfe: {  	s1 =	sld [smem:$0x7F3];
	[sflag:s13] =	ssyncadd.s32 $0xFFFF8000  }
0xff: {  	[tilespmem:s6], [sflag:$0x5] =	stream.indirect.gather [hbm4b:s3+s7], $0x80, s0, s7, $0xb8;
	[tilespmem:$0x19900] =	vst v63  }
0x100: {  	_ = 	snop  }
0x101: {  	[tilespmem:s18], [sflag:$0x6] =	stream.indirect.gather [hbm4b:s3+s7], $0x80, s1, s7, $0xb8;
	[tilespmem:$0x19900] =	vst v63  }
0x102: {  	_ =	swait.ge [sflag:s10], $0x4000  }
0x103: {  	[sflag:s10] =	ssyncset.done $0x0  }
0x104: {  	[sflag:s10] =	ssyncadd.s32 $0xFFFFC000  }
0x105: {  	_ =	swait.ge [sflag:s9], $0x4000  }
0x106: {  	[sflag:s9] =	ssyncset.done $0x0  }
0x107: {  	s1 =	rddreg [dreg:$0x11];
	[sflag:s9] =	ssyncadd.s32 $0xFFFFC000  }
0x108: {  	[hbm4b:s1+s2] =	stream.linear.scatter [tilespmem:s4], [sflag:$0x7], $0x8000, $0x38;
	[tilespmem:$0x19900] =	vst v63  }
0x109: {  	_ =	swait.ge [sflag:s5], $0x8000  }
0x10a: {  	s0 =	sld [smem:$0x7F4]  }
0x10b: {  	[sflag:s5] =	ssyncset.done $0x0  }
0x10c: {  	s1 =	sld [smem:$0x7F5];
	[sflag:s5] =	ssyncadd.s32 $0xFFFF8000  }
0x10d: {  	[tilespmem:s4], [sflag:$0x1] =	stream.indirect.gather [hbm4b:s3+s7], $0x80, s0, s7, $0xb8;
	[tilespmem:$0x19900] =	vst v63  }
0x10e: {  	_ = 	snop  }
0x10f: {  	[tilespmem:s11], [sflag:$0x2] =	stream.indirect.gather [hbm4b:s3+s7], $0x80, s1, s7, $0xb8;
	[tilespmem:$0x19900] =	vst v63  }
0x110: {  	_ =	swait.ge [sflag:s15], $0x4000  }
0x111: {  	[sflag:s15] =	ssyncset.done $0x0  }
0x112: {  	[sflag:s15] =	ssyncadd.s32 $0xFFFFC000  }
0x113: {  	_ =	swait.ge [sflag:s14], $0x4000  }
0x114: {  	[sflag:s14] =	ssyncset.done $0x0  }
0x115: {  	s1 =	rddreg [dreg:$0x12];
	[sflag:s14] =	ssyncadd.s32 $0xFFFFC000  }
0x116: {  	[hbm4b:s1+s2] =	stream.linear.scatter [tilespmem:s8], [sflag:$0x8], $0x8000, $0x38;
	[tilespmem:$0x19900] =	vst v63  }
0x117: {  	_ =	swait.ge [sflag:s12], $0x8000  }
0x118: {  	s0 =	sld [smem:$0x7F6]  }
0x119: {  	[sflag:s12] =	ssyncset.done $0x0  }
0x11a: {  	s1 =	sld [smem:$0x7F7];
	[sflag:s12] =	ssyncadd.s32 $0xFFFF8000  }
0x11b: {  	[tilespmem:s8], [sflag:$0x3] =	stream.indirect.gather [hbm4b:s3+s7], $0x80, s0, s7, $0xb8;
	[tilespmem:$0x19900] =	vst v63  }
0x11c: {  	_ = 	snop  }
0x11d: {  	[tilespmem:s19], [sflag:$0x4] =	stream.indirect.gather [hbm4b:s3+s7], $0x80, s1, s7, $0xb8;
	[tilespmem:$0x19900] =	vst v63  }
0x11e: {  	_ =	swait.ge [sflag:s17], $0x4000  }
0x11f: {  	[sflag:s17] =	ssyncset.done $0x0  }
0x120: {  	[sflag:s17] =	ssyncadd.s32 $0xFFFFC000  }
0x121: {  	_ =	swait.ge [sflag:s16], $0x4000  }
0x122: {  	[sflag:s16] =	ssyncset.done $0x0  }
0x123: {  	s1 =	rddreg [dreg:$0x13];
	[sflag:s16] =	ssyncadd.s32 $0xFFFFC000  }
0x124: {  	[hbm4b:s1+s2] =	stream.linear.scatter [tilespmem:s6], [sflag:$0x9], $0x8000, $0x38;
	[tilespmem:$0x19900] =	vst v63  }
0x125: {  	_ =	swait.ge [sflag:s13], $0x8000  }
0x126: {  	s0 =	sld [smem:$0x7F8]  }
0x127: {  	[sflag:s13] =	ssyncset.done $0x0  }
0x128: {  	s1 =	sld [smem:$0x7F9];
	[sflag:s13] =	ssyncadd.s32 $0xFFFF8000  }
0x129: {  	[tilespmem:s6], [sflag:$0x5] =	stream.indirect.gather [hbm4b:s3+s7], $0x80, s0, s7, $0xb8;
	[tilespmem:$0x19900] =	vst v63  }
0x12a: {  	_ = 	snop  }
0x12b: {  	[tilespmem:s18], [sflag:$0x6] =	stream.indirect.gather [hbm4b:s3+s7], $0x80, s1, s7, $0xb8;
	[tilespmem:$0x19900] =	vst v63  }
0x12c: {  	_ =	swait.ge [sflag:s10], $0x4000  }
0x12d: {  	[sflag:s10] =	ssyncset.done $0x0  }
0x12e: {  	[sflag:s10] =	ssyncadd.s32 $0xFFFFC000  }
0x12f: {  	_ =	swait.ge [sflag:s9], $0x4000  }
0x130: {  	[sflag:s9] =	ssyncset.done $0x0  }
0x131: {  	s1 =	rddreg [dreg:$0x14];
	[sflag:s9] =	ssyncadd.s32 $0xFFFFC000  }
0x132: {  	[hbm4b:s1+s2] =	stream.linear.scatter [tilespmem:s4], [sflag:$0x7], $0x8000, $0x38;
	[tilespmem:$0x19900] =	vst v63  }
0x133: {  	_ =	swait.ge [sflag:s5], $0x8000  }
0x134: {  	s0 =	sld [smem:$0x7FA]  }
0x135: {  	[sflag:s5] =	ssyncset.done $0x0  }
0x136: {  	s1 =	sld [smem:$0x7FB];
	[sflag:s5] =	ssyncadd.s32 $0xFFFF8000  }
0x137: {  	[tilespmem:s4], [sflag:$0x1] =	stream.indirect.gather [hbm4b:s3+s7], $0x80, s0, s7, $0xb8;
	[tilespmem:$0x19900] =	vst v63  }
0x138: {  	_ = 	snop  }
0x139: {  	[tilespmem:s11], [sflag:$0x2] =	stream.indirect.gather [hbm4b:s3+s7], $0x80, s1, s7, $0xb8;
	[tilespmem:$0x19900] =	vst v63  }
0x13a: {  	_ =	swait.ge [sflag:s15], $0x4000  }
0x13b: {  	[sflag:s15] =	ssyncset.done $0x0  }
0x13c: {  	[sflag:s15] =	ssyncadd.s32 $0xFFFFC000  }
0x13d: {  	_ =	swait.ge [sflag:s14], $0x4000  }
0x13e: {  	[sflag:s14] =	ssyncset.done $0x0  }
0x13f: {  	s1 =	rddreg [dreg:$0x15];
	[sflag:s14] =	ssyncadd.s32 $0xFFFFC000  }
0x140: {  	[hbm4b:s1+s2] =	stream.linear.scatter [tilespmem:s8], [sflag:$0x8], $0x8000, $0x38;
	[tilespmem:$0x19900] =	vst v63  }
0x141: {  	_ =	swait.ge [sflag:s12], $0x8000  }
0x142: {  	s0 =	sld [smem:$0x7FC]  }
0x143: {  	[sflag:s12] =	ssyncset.done $0x0  }
0x144: {  	s1 =	sld [smem:$0x7FD];
	[sflag:s12] =	ssyncadd.s32 $0xFFFF8000  }
0x145: {  	[tilespmem:s8], [sflag:$0x3] =	stream.indirect.gather [hbm4b:s3+s7], $0x80, s0, s7, $0xb8;
	[tilespmem:$0x19900] =	vst v63  }
0x146: {  	_ = 	snop  }
0x147: {  	[tilespmem:s19], [sflag:$0x4] =	stream.indirect.gather [hbm4b:s3+s7], $0x80, s1, s7, $0xb8;
	[tilespmem:$0x19900] =	vst v63  }
0x148: {  	_ =	swait.ge [sflag:s17], $0x4000  }
0x149: {  	[sflag:s17] =	ssyncset.done $0x0  }
0x14a: {  	[sflag:s17] =	ssyncadd.s32 $0xFFFFC000  }
0x14b: {  	_ =	swait.ge [sflag:s16], $0x4000  }
0x14c: {  	[sflag:s16] =	ssyncset.done $0x0  }
0x14d: {  	s1 =	rddreg [dreg:$0x16];
	[sflag:s16] =	ssyncadd.s32 $0xFFFFC000  }
0x14e: {  	[hbm4b:s1+s2] =	stream.linear.scatter [tilespmem:s6], [sflag:$0x9], $0x8000, $0x38;
	[tilespmem:$0x19900] =	vst v63  }
0x14f: {  	_ =	swait.ge [sflag:s13], $0x8000  }
0x150: {  	[sflag:s13] =	ssyncset.done $0x0  }
0x151: {  	[sflag:s13] =	ssyncadd.s32 $0xFFFF8000  }
0x152: {  	[tilespmem:s6], [sflag:$0x5] =	stream.indirect.gather [hbm4b:s3+s7], $0x80, s30, s7, $0xb8;
	[tilespmem:$0x19900] =	vst v63  }
0x153: {  	_ = 	snop  }
0x154: {  	[tilespmem:s18], [sflag:$0x6] =	stream.indirect.gather [hbm4b:s3+s7], $0x80, s28, s7, $0xb8;
	[tilespmem:$0x19900] =	vst v63  }
0x155: {  	_ =	swait.ge [sflag:s10], $0x4000  }
0x156: {  	[sflag:s10] =	ssyncset.done $0x0  }
0x157: {  	[sflag:s10] =	ssyncadd.s32 $0xFFFFC000  }
0x158: {  	_ =	swait.ge [sflag:s9], $0x4000  }
0x159: {  	[sflag:s9] =	ssyncset.done $0x0  }
0x15a: {  	s1 =	rddreg [dreg:$0x17];
	[sflag:s9] =	ssyncadd.s32 $0xFFFFC000  }
0x15b: {  	[hbm4b:s1+s2] =	stream.linear.scatter [tilespmem:s4], [sflag:$0x7], $0x8000, $0x38;
	[tilespmem:$0x19900] =	vst v63  }
0x15c: {  	_ =	swait.ge [sflag:s5], $0x8000  }
0x15d: {  	[sflag:s5] =	ssyncset.done $0x0  }
0x15e: {  	s1 =	simm.s32 $0x1500;
	[sflag:s5] =	ssyncadd.s32 $0xFFFF8000  }
0x15f: {  	[tilespmem:s4], [sflag:$0x1] =	stream.indirect.gather [hbm4b:s3+s7], $0x80, s1, s7, $0xb8;
	[tilespmem:$0x19900] =	vst v63  }
0x160: {  	_ = 	snop  }
0x161: {  	[tilespmem:s11], [sflag:$0x2] =	stream.indirect.gather [hbm4b:s3+s7], $0x80, s29, s7, $0xb8;
	[tilespmem:$0x19900] =	vst v63  }
0x162: {  	_ =	swait.ge [sflag:s15], $0x4000  }
0x163: {  	[sflag:s15] =	ssyncset.done $0x0  }
0x164: {  	[sflag:s15] =	ssyncadd.s32 $0xFFFFC000  }
0x165: {  	_ =	swait.ge [sflag:s14], $0x4000  }
0x166: {  	[sflag:s14] =	ssyncset.done $0x0  }
0x167: {  	s1 =	rddreg [dreg:$0x18];
	[sflag:s14] =	ssyncadd.s32 $0xFFFFC000  }
0x168: {  	[hbm4b:s1+s2] =	stream.linear.scatter [tilespmem:s8], [sflag:$0x8], $0x8000, $0x38;
	[tilespmem:$0x19900] =	vst v63  }
0x169: {  	_ =	swait.ge [sflag:s12], $0x8000  }
0x16a: {  	[sflag:s12] =	ssyncset.done $0x0  }
0x16b: {  	[sflag:s12] =	ssyncadd.s32 $0xFFFF8000  }
0x16c: {  	[tilespmem:s8], [sflag:$0x3] =	stream.indirect.gather [hbm4b:s3+s7], $0x80, s25, s7, $0xb8;
	[tilespmem:$0x19900] =	vst v63  }
0x16d: {  	_ = 	snop  }
0x16e: {  	[tilespmem:s19], [sflag:$0x4] =	stream.indirect.gather [hbm4b:s3+s7], $0x80, s26, s7, $0xb8;
	[tilespmem:$0x19900] =	vst v63  }
0x16f: {  	_ =	swait.ge [sflag:s17], $0x4000  }
0x170: {  	[sflag:s17] =	ssyncset.done $0x0  }
0x171: {  	[sflag:s17] =	ssyncadd.s32 $0xFFFFC000  }
0x172: {  	_ =	swait.ge [sflag:s16], $0x4000  }
0x173: {  	[sflag:s16] =	ssyncset.done $0x0  }
0x174: {  	s1 =	rddreg [dreg:$0x19];
	[sflag:s16] =	ssyncadd.s32 $0xFFFFC000  }
0x175: {  	[hbm4b:s1+s2] =	stream.linear.scatter [tilespmem:s6], [sflag:$0x9], $0x8000, $0x38;
	[tilespmem:$0x19900] =	vst v63  }
0x176: {  	_ =	swait.ge [sflag:s13], $0x8000  }
0x177: {  	[sflag:s13] =	ssyncset.done $0x0  }
0x178: {  	[sflag:s13] =	ssyncadd.s32 $0xFFFF8000  }
0x179: {  	[tilespmem:s6], [sflag:$0x5] =	stream.indirect.gather [hbm4b:s3+s7], $0x80, s23, s7, $0xb8;
	[tilespmem:$0x19900] =	vst v63  }
0x17a: {  	_ = 	snop  }
0x17b: {  	[tilespmem:s18], [sflag:$0x6] =	stream.indirect.gather [hbm4b:s3+s7], $0x80, s24, s7, $0xb8;
	[tilespmem:$0x19900] =	vst v63  }
0x17c: {  	_ =	swait.ge [sflag:s10], $0x4000  }
0x17d: {  	[sflag:s10] =	ssyncset.done $0x0  }
0x17e: {  	[sflag:s10] =	ssyncadd.s32 $0xFFFFC000  }
0x17f: {  	_ =	swait.ge [sflag:s9], $0x4000  }
0x180: {  	[sflag:s9] =	ssyncset.done $0x0  }
0x181: {  	s1 =	rddreg [dreg:$0x1a];
	[sflag:s9] =	ssyncadd.s32 $0xFFFFC000  }
0x182: {  	[hbm4b:s1+s2] =	stream.linear.scatter [tilespmem:s4], [sflag:$0x7], $0x8000, $0x38;
	[tilespmem:$0x19900] =	vst v63  }
0x183: {  	_ =	swait.ge [sflag:s5], $0x8000  }
0x184: {  	[sflag:s5] =	ssyncset.done $0x0  }
0x185: {  	[sflag:s5] =	ssyncadd.s32 $0xFFFF8000  }
0x186: {  	[tilespmem:s4], [sflag:$0x1] =	stream.indirect.gather [hbm4b:s3+s7], $0x80, s21, s7, $0xb8;
	[tilespmem:$0x19900] =	vst v63  }
0x187: {  	_ = 	snop  }
0x188: {  	[tilespmem:s11], [sflag:$0x2] =	stream.indirect.gather [hbm4b:s3+s7], $0x80, s22, s7, $0xb8;
	[tilespmem:$0x19900] =	vst v63  }
0x189: {  	_ =	swait.ge [sflag:s15], $0x4000  }
0x18a: {  	[sflag:s15] =	ssyncset.done $0x0  }
0x18b: {  	[sflag:s15] =	ssyncadd.s32 $0xFFFFC000  }
0x18c: {  	_ =	swait.ge [sflag:s14], $0x4000  }
0x18d: {  	[sflag:s14] =	ssyncset.done $0x0  }
0x18e: {  	s1 =	rddreg [dreg:$0x1b];
	[sflag:s14] =	ssyncadd.s32 $0xFFFFC000  }
0x18f: {  	[hbm4b:s1+s2] =	stream.linear.scatter [tilespmem:s8], [sflag:$0x8], $0x8000, $0x38;
	[tilespmem:$0x19900] =	vst v63  }
0x190: {  	_ =	swait.ge [sflag:s17], $0x4000  }
0x191: {  	[sflag:s17] =	ssyncset.done $0x0  }
0x192: {  	[sflag:s17] =	ssyncadd.s32 $0xFFFFC000  }
0x193: {  	_ =	swait.ge [sflag:s16], $0x4000  }
0x194: {  	[sflag:s16] =	ssyncset.done $0x0  }
0x195: {  	s1 =	rddreg [dreg:$0x1c];
	[sflag:s16] =	ssyncadd.s32 $0xFFFFC000  }
0x196: {  	[hbm4b:s1+s2] =	stream.linear.scatter [tilespmem:s6], [sflag:$0x9], $0x8000, $0x38;
	[tilespmem:$0x19900] =	vst v63  }
0x197: {  	_ =	swait.ge [sflag:s10], $0x4000  }
0x198: {  	[sflag:s10] =	ssyncset.done $0x0  }
0x199: {  	[sflag:s10] =	ssyncadd.s32 $0xFFFFC000  }
0x19a: {  	_ =	swait.ge [sflag:s9], $0x4000  }
0x19b: {  	[sflag:s9] =	ssyncset.done $0x0  }
0x19c: {  	s1 =	rddreg [dreg:$0x1d];
	[sflag:s9] =	ssyncadd.s32 $0xFFFFC000  }
0x19d: {  	[hbm4b:s1+s2] =	stream.linear.scatter [tilespmem:s4], [sflag:$0x7], $0x8000, $0x38;
	[tilespmem:$0x19900] =	vst v63  }
0x19e: {  	_ =	swait.ge [sflag:s12], $0x8000  }
0x19f: {  	[sflag:s12] =	ssyncset.done $0x0  }
0x1a0: {  	p1 =	sne.s32 s20, $0x1;
	[sflag:s12] =	ssyncadd.s32 $0xFFFF8000  }
.Ltmp1:
0x1a1: {  	_ =	swait.ge [sflag:s13], $0x8000;
	(pc) =	sbr.rel @!p1 .LBB2_3-.Ltmp1, $4  }
0x1a2: {  	[sflag:s13] =	ssyncset.done $0x0  }
0x1a3: {  	[sflag:s13] =	ssyncadd.s32 $0xFFFF8000  }
0x1a4: {  	p0 =	por $0x1, $0x1;
	_ =	swait.ge [sflag:s5], $0x8000  }
0x1a5: {  	s1 =	sadd.s32 $0xFFFFFFFF, s20;
	s0 =	rddreg [dreg:$0x4];
	[sflag:s5] =	ssyncset.done $0x0  }
.LBB2_4:
0x1a6: {  	[sflag:s5] =	ssyncadd.s32 $0xFFFF8000  }
0x1a7: {  	[tilespmem:s2], [sflag:$0xA] =	stream.linear.gather [hbm4b:s0+s2], $0x1900, $0x38;
	[tilespmem:$0x19900] =	vst v63  }
0x1a8: {  	_ =	swait.ge [sflag:s31], $0x1900  }
0x1a9: {  	[sflag:s31] =	ssyncset.done $0x0  }
0x1aa: {  	[sflag:s31] =	ssyncadd.s32 $0xFFFFE700  }
0x1ab: {  	[tilespmem:s4], [sflag:$0x1] =	stream.indirect.gather [hbm4b:s3+s7], $0x80, s2, s7, $0xb8;
	[tilespmem:$0x19900] =	vst v63  }
0x1ac: {  	s0 =	rddreg [dreg:$0x1e]  }
0x1ad: {  	[tilespmem:s11], [sflag:$0x2] =	stream.indirect.gather [hbm4b:s3+s7], $0x80, s7, s7, $0xb8;
	[tilespmem:$0x19900] =	vst v63  }
0x1ae: {  	s20 =	rddreg [dreg:$0x1f]  }
0x1af: {  	[tilespmem:s8], [sflag:$0x3] =	stream.indirect.gather [hbm4b:s3+s7], $0x80, s0, s7, $0xb8;
	[tilespmem:$0x19900] =	vst v63  }
0x1b0: {  	s0 =	sld [smem:$0x7DA]  }
0x1b1: {  	[tilespmem:s19], [sflag:$0x4] =	stream.indirect.gather [hbm4b:s3+s7], $0x80, s20, s7, $0xb8;
	[tilespmem:$0x19900] =	vst v63  }
0x1b2: {  	s20 =	sld [smem:$0x7DB]  }
0x1b3: {  	[tilespmem:s6], [sflag:$0x5] =	stream.indirect.gather [hbm4b:s3+s7], $0x80, s0, s7, $0xb8;
	[tilespmem:$0x19900] =	vst v63  }
0x1b4: {  	_ = 	snop  }
0x1b5: {  	[tilespmem:s18], [sflag:$0x6] =	stream.indirect.gather [hbm4b:s3+s7], $0x80, s20, s7, $0xb8;
	[tilespmem:$0x19900] =	vst v63  }
0x1b6: {  	_ =	swait.ge [sflag:s10], $0x4000  }
0x1b7: {  	[sflag:s10] =	ssyncset.done $0x0  }
0x1b8: {  	[sflag:s10] =	ssyncadd.s32 $0xFFFFC000  }
0x1b9: {  	_ =	swait.ge [sflag:s9], $0x4000  }
0x1ba: {  	[sflag:s9] =	ssyncset.done $0x0  }
0x1bb: {  	s20 =	rddreg [dreg:$0x5];
	[sflag:s9] =	ssyncadd.s32 $0xFFFFC000  }
0x1bc: {  	[hbm4b:s20+s2] =	stream.linear.scatter [tilespmem:s4], [sflag:$0x7], $0x8000, $0x38;
	[tilespmem:$0x19900] =	vst v63  }
0x1bd: {  	_ =	swait.ge [sflag:s5], $0x8000  }
0x1be: {  	s0 =	sld [smem:$0x7DC]  }
0x1bf: {  	[sflag:s5] =	ssyncset.done $0x0  }
0x1c0: {  	s20 =	sld [smem:$0x7DD];
	[sflag:s5] =	ssyncadd.s32 $0xFFFF8000  }
0x1c1: {  	[tilespmem:s4], [sflag:$0x1] =	stream.indirect.gather [hbm4b:s3+s7], $0x80, s0, s7, $0xb8;
	[tilespmem:$0x19900] =	vst v63  }
0x1c2: {  	_ = 	snop  }
0x1c3: {  	[tilespmem:s11], [sflag:$0x2] =	stream.indirect.gather [hbm4b:s3+s7], $0x80, s20, s7, $0xb8;
	[tilespmem:$0x19900] =	vst v63  }
0x1c4: {  	_ =	swait.ge [sflag:s15], $0x4000  }
0x1c5: {  	[sflag:s15] =	ssyncset.done $0x0  }
0x1c6: {  	[sflag:s15] =	ssyncadd.s32 $0xFFFFC000  }
0x1c7: {  	_ =	swait.ge [sflag:s14], $0x4000  }
0x1c8: {  	[sflag:s14] =	ssyncset.done $0x0  }
0x1c9: {  	s20 =	rddreg [dreg:$0x6];
	[sflag:s14] =	ssyncadd.s32 $0xFFFFC000  }
0x1ca: {  	[hbm4b:s20+s2] =	stream.linear.scatter [tilespmem:s8], [sflag:$0x8], $0x8000, $0x38;
	[tilespmem:$0x19900] =	vst v63  }
0x1cb: {  	_ =	swait.ge [sflag:s12], $0x8000  }
0x1cc: {  	s0 =	sld [smem:$0x7DE]  }
0x1cd: {  	[sflag:s12] =	ssyncset.done $0x0  }
0x1ce: {  	s20 =	sld [smem:$0x7DF];
	[sflag:s12] =	ssyncadd.s32 $0xFFFF8000  }
0x1cf: {  	[tilespmem:s8], [sflag:$0x3] =	stream.indirect.gather [hbm4b:s3+s7], $0x80, s0, s7, $0xb8;
	[tilespmem:$0x19900] =	vst v63  }
0x1d0: {  	_ = 	snop  }
0x1d1: {  	[tilespmem:s19], [sflag:$0x4] =	stream.indirect.gather [hbm4b:s3+s7], $0x80, s20, s7, $0xb8;
	[tilespmem:$0x19900] =	vst v63  }
0x1d2: {  	_ =	swait.ge [sflag:s17], $0x4000  }
0x1d3: {  	[sflag:s17] =	ssyncset.done $0x0  }
0x1d4: {  	[sflag:s17] =	ssyncadd.s32 $0xFFFFC000  }
0x1d5: {  	_ =	swait.ge [sflag:s16], $0x4000  }
0x1d6: {  	[sflag:s16] =	ssyncset.done $0x0  }
0x1d7: {  	s20 =	rddreg [dreg:$0x7];
	[sflag:s16] =	ssyncadd.s32 $0xFFFFC000  }
0x1d8: {  	[hbm4b:s20+s2] =	stream.linear.scatter [tilespmem:s6], [sflag:$0x9], $0x8000, $0x38;
	[tilespmem:$0x19900] =	vst v63  }
0x1d9: {  	_ =	swait.ge [sflag:s13], $0x8000  }
0x1da: {  	s0 =	sld [smem:$0x7E0]  }
0x1db: {  	[sflag:s13] =	ssyncset.done $0x0  }
0x1dc: {  	s20 =	sld [smem:$0x7E1];
	[sflag:s13] =	ssyncadd.s32 $0xFFFF8000  }
0x1dd: {  	[tilespmem:s6], [sflag:$0x5] =	stream.indirect.gather [hbm4b:s3+s7], $0x80, s0, s7, $0xb8;
	[tilespmem:$0x19900] =	vst v63  }
0x1de: {  	_ = 	snop  }
0x1df: {  	[tilespmem:s18], [sflag:$0x6] =	stream.indirect.gather [hbm4b:s3+s7], $0x80, s20, s7, $0xb8;
	[tilespmem:$0x19900] =	vst v63  }
0x1e0: {  	_ =	swait.ge [sflag:s10], $0x4000  }
0x1e1: {  	[sflag:s10] =	ssyncset.done $0x0  }
0x1e2: {  	[sflag:s10] =	ssyncadd.s32 $0xFFFFC000  }
0x1e3: {  	_ =	swait.ge [sflag:s9], $0x4000  }
0x1e4: {  	[sflag:s9] =	ssyncset.done $0x0  }
0x1e5: {  	s20 =	rddreg [dreg:$0x8];
	[sflag:s9] =	ssyncadd.s32 $0xFFFFC000  }
0x1e6: {  	[hbm4b:s20+s2] =	stream.linear.scatter [tilespmem:s4], [sflag:$0x7], $0x8000, $0x38;
	[tilespmem:$0x19900] =	vst v63  }
0x1e7: {  	_ =	swait.ge [sflag:s5], $0x8000  }
0x1e8: {  	s0 =	sld [smem:$0x7E2]  }
0x1e9: {  	[sflag:s5] =	ssyncset.done $0x0  }
0x1ea: {  	s20 =	sld [smem:$0x7E3];
	[sflag:s5] =	ssyncadd.s32 $0xFFFF8000  }
0x1eb: {  	[tilespmem:s4], [sflag:$0x1] =	stream.indirect.gather [hbm4b:s3+s7], $0x80, s0, s7, $0xb8;
	[tilespmem:$0x19900] =	vst v63  }
0x1ec: {  	_ = 	snop  }
0x1ed: {  	[tilespmem:s11], [sflag:$0x2] =	stream.indirect.gather [hbm4b:s3+s7], $0x80, s20, s7, $0xb8;
	[tilespmem:$0x19900] =	vst v63  }
0x1ee: {  	_ =	swait.ge [sflag:s15], $0x4000  }
0x1ef: {  	[sflag:s15] =	ssyncset.done $0x0  }
0x1f0: {  	[sflag:s15] =	ssyncadd.s32 $0xFFFFC000  }
0x1f1: {  	_ =	swait.ge [sflag:s14], $0x4000  }
0x1f2: {  	[sflag:s14] =	ssyncset.done $0x0  }
0x1f3: {  	s20 =	rddreg [dreg:$0x9];
	[sflag:s14] =	ssyncadd.s32 $0xFFFFC000  }
0x1f4: {  	[hbm4b:s20+s2] =	stream.linear.scatter [tilespmem:s8], [sflag:$0x8], $0x8000, $0x38;
	[tilespmem:$0x19900] =	vst v63  }
0x1f5: {  	_ =	swait.ge [sflag:s12], $0x8000  }
0x1f6: {  	s0 =	sld [smem:$0x7E4]  }
0x1f7: {  	[sflag:s12] =	ssyncset.done $0x0  }
0x1f8: {  	s20 =	sld [smem:$0x7E5];
	[sflag:s12] =	ssyncadd.s32 $0xFFFF8000  }
0x1f9: {  	[tilespmem:s8], [sflag:$0x3] =	stream.indirect.gather [hbm4b:s3+s7], $0x80, s0, s7, $0xb8;
	[tilespmem:$0x19900] =	vst v63  }
0x1fa: {  	_ = 	snop  }
0x1fb: {  	[tilespmem:s19], [sflag:$0x4] =	stream.indirect.gather [hbm4b:s3+s7], $0x80, s20, s7, $0xb8;
	[tilespmem:$0x19900] =	vst v63  }
0x1fc: {  	_ =	swait.ge [sflag:s17], $0x4000  }
0x1fd: {  	[sflag:s17] =	ssyncset.done $0x0  }
0x1fe: {  	[sflag:s17] =	ssyncadd.s32 $0xFFFFC000  }
0x1ff: {  	_ =	swait.ge [sflag:s16], $0x4000  }
0x200: {  	[sflag:s16] =	ssyncset.done $0x0  }
0x201: {  	s20 =	rddreg [dreg:$0xa];
	[sflag:s16] =	ssyncadd.s32 $0xFFFFC000  }
0x202: {  	[hbm4b:s20+s2] =	stream.linear.scatter [tilespmem:s6], [sflag:$0x9], $0x8000, $0x38;
	[tilespmem:$0x19900] =	vst v63  }
0x203: {  	_ =	swait.ge [sflag:s13], $0x8000  }
0x204: {  	s0 =	sld [smem:$0x7E6]  }
0x205: {  	[sflag:s13] =	ssyncset.done $0x0  }
0x206: {  	s20 =	sld [smem:$0x7E7];
	[sflag:s13] =	ssyncadd.s32 $0xFFFF8000  }
0x207: {  	[tilespmem:s6], [sflag:$0x5] =	stream.indirect.gather [hbm4b:s3+s7], $0x80, s0, s7, $0xb8;
	[tilespmem:$0x19900] =	vst v63  }
0x208: {  	_ = 	snop  }
0x209: {  	[tilespmem:s18], [sflag:$0x6] =	stream.indirect.gather [hbm4b:s3+s7], $0x80, s20, s7, $0xb8;
	[tilespmem:$0x19900] =	vst v63  }
0x20a: {  	_ =	swait.ge [sflag:s10], $0x4000  }
0x20b: {  	[sflag:s10] =	ssyncset.done $0x0  }
0x20c: {  	[sflag:s10] =	ssyncadd.s32 $0xFFFFC000  }
0x20d: {  	_ =	swait.ge [sflag:s9], $0x4000  }
0x20e: {  	[sflag:s9] =	ssyncset.done $0x0  }
0x20f: {  	s20 =	rddreg [dreg:$0xb];
	[sflag:s9] =	ssyncadd.s32 $0xFFFFC000  }
0x210: {  	[hbm4b:s20+s2] =	stream.linear.scatter [tilespmem:s4], [sflag:$0x7], $0x8000, $0x38;
	[tilespmem:$0x19900] =	vst v63  }
0x211: {  	_ =	swait.ge [sflag:s5], $0x8000  }
0x212: {  	s0 =	sld [smem:$0x7E8]  }
0x213: {  	[sflag:s5] =	ssyncset.done $0x0  }
0x214: {  	s20 =	sld [smem:$0x7E9];
	[sflag:s5] =	ssyncadd.s32 $0xFFFF8000  }
0x215: {  	[tilespmem:s4], [sflag:$0x1] =	stream.indirect.gather [hbm4b:s3+s7], $0x80, s0, s7, $0xb8;
	[tilespmem:$0x19900] =	vst v63  }
0x216: {  	_ = 	snop  }
0x217: {  	[tilespmem:s11], [sflag:$0x2] =	stream.indirect.gather [hbm4b:s3+s7], $0x80, s20, s7, $0xb8;
	[tilespmem:$0x19900] =	vst v63  }
0x218: {  	_ =	swait.ge [sflag:s15], $0x4000  }
0x219: {  	[sflag:s15] =	ssyncset.done $0x0  }
0x21a: {  	[sflag:s15] =	ssyncadd.s32 $0xFFFFC000  }
0x21b: {  	_ =	swait.ge [sflag:s14], $0x4000  }
0x21c: {  	[sflag:s14] =	ssyncset.done $0x0  }
0x21d: {  	s20 =	rddreg [dreg:$0xc];
	[sflag:s14] =	ssyncadd.s32 $0xFFFFC000  }
0x21e: {  	[hbm4b:s20+s2] =	stream.linear.scatter [tilespmem:s8], [sflag:$0x8], $0x8000, $0x38;
	[tilespmem:$0x19900] =	vst v63  }
0x21f: {  	_ =	swait.ge [sflag:s12], $0x8000  }
0x220: {  	s0 =	sld [smem:$0x7EA]  }
0x221: {  	[sflag:s12] =	ssyncset.done $0x0  }
0x222: {  	s20 =	sld [smem:$0x7EB];
	[sflag:s12] =	ssyncadd.s32 $0xFFFF8000  }
0x223: {  	[tilespmem:s8], [sflag:$0x3] =	stream.indirect.gather [hbm4b:s3+s7], $0x80, s0, s7, $0xb8;
	[tilespmem:$0x19900] =	vst v63  }
0x224: {  	_ = 	snop  }
0x225: {  	[tilespmem:s19], [sflag:$0x4] =	stream.indirect.gather [hbm4b:s3+s7], $0x80, s20, s7, $0xb8;
	[tilespmem:$0x19900] =	vst v63  }
0x226: {  	_ =	swait.ge [sflag:s17], $0x4000  }
0x227: {  	[sflag:s17] =	ssyncset.done $0x0  }
0x228: {  	[sflag:s17] =	ssyncadd.s32 $0xFFFFC000  }
0x229: {  	_ =	swait.ge [sflag:s16], $0x4000  }
0x22a: {  	[sflag:s16] =	ssyncset.done $0x0  }
0x22b: {  	s20 =	rddreg [dreg:$0xd];
	[sflag:s16] =	ssyncadd.s32 $0xFFFFC000  }
0x22c: {  	[hbm4b:s20+s2] =	stream.linear.scatter [tilespmem:s6], [sflag:$0x9], $0x8000, $0x38;
	[tilespmem:$0x19900] =	vst v63  }
0x22d: {  	_ =	swait.ge [sflag:s13], $0x8000  }
0x22e: {  	s0 =	sld [smem:$0x7EC]  }
0x22f: {  	[sflag:s13] =	ssyncset.done $0x0  }
0x230: {  	s20 =	sld [smem:$0x7ED];
	[sflag:s13] =	ssyncadd.s32 $0xFFFF8000  }
0x231: {  	[tilespmem:s6], [sflag:$0x5] =	stream.indirect.gather [hbm4b:s3+s7], $0x80, s0, s7, $0xb8;
	[tilespmem:$0x19900] =	vst v63  }
0x232: {  	_ = 	snop  }
0x233: {  	[tilespmem:s18], [sflag:$0x6] =	stream.indirect.gather [hbm4b:s3+s7], $0x80, s20, s7, $0xb8;
	[tilespmem:$0x19900] =	vst v63  }
0x234: {  	_ =	swait.ge [sflag:s10], $0x4000  }
0x235: {  	[sflag:s10] =	ssyncset.done $0x0  }
0x236: {  	[sflag:s10] =	ssyncadd.s32 $0xFFFFC000  }
0x237: {  	_ =	swait.ge [sflag:s9], $0x4000  }
0x238: {  	[sflag:s9] =	ssyncset.done $0x0  }
0x239: {  	s20 =	rddreg [dreg:$0xe];
	[sflag:s9] =	ssyncadd.s32 $0xFFFFC000  }
0x23a: {  	[hbm4b:s20+s2] =	stream.linear.scatter [tilespmem:s4], [sflag:$0x7], $0x8000, $0x38;
	[tilespmem:$0x19900] =	vst v63  }
0x23b: {  	_ =	swait.ge [sflag:s5], $0x8000  }
0x23c: {  	s0 =	sld [smem:$0x7EE]  }
0x23d: {  	[sflag:s5] =	ssyncset.done $0x0  }
0x23e: {  	s20 =	sld [smem:$0x7EF];
	[sflag:s5] =	ssyncadd.s32 $0xFFFF8000  }
0x23f: {  	[tilespmem:s4], [sflag:$0x1] =	stream.indirect.gather [hbm4b:s3+s7], $0x80, s0, s7, $0xb8;
	[tilespmem:$0x19900] =	vst v63  }
0x240: {  	_ = 	snop  }
0x241: {  	[tilespmem:s11], [sflag:$0x2] =	stream.indirect.gather [hbm4b:s3+s7], $0x80, s20, s7, $0xb8;
	[tilespmem:$0x19900] =	vst v63  }
0x242: {  	_ =	swait.ge [sflag:s15], $0x4000  }
0x243: {  	[sflag:s15] =	ssyncset.done $0x0  }
0x244: {  	[sflag:s15] =	ssyncadd.s32 $0xFFFFC000  }
0x245: {  	_ =	swait.ge [sflag:s14], $0x4000  }
0x246: {  	[sflag:s14] =	ssyncset.done $0x0  }
0x247: {  	s20 =	rddreg [dreg:$0xf];
	[sflag:s14] =	ssyncadd.s32 $0xFFFFC000  }
0x248: {  	[hbm4b:s20+s2] =	stream.linear.scatter [tilespmem:s8], [sflag:$0x8], $0x8000, $0x38;
	[tilespmem:$0x19900] =	vst v63  }
0x249: {  	_ =	swait.ge [sflag:s12], $0x8000  }
0x24a: {  	s0 =	sld [smem:$0x7F0]  }
0x24b: {  	[sflag:s12] =	ssyncset.done $0x0  }
0x24c: {  	s20 =	sld [smem:$0x7F1];
	[sflag:s12] =	ssyncadd.s32 $0xFFFF8000  }
0x24d: {  	[tilespmem:s8], [sflag:$0x3] =	stream.indirect.gather [hbm4b:s3+s7], $0x80, s0, s7, $0xb8;
	[tilespmem:$0x19900] =	vst v63  }
0x24e: {  	_ = 	snop  }
0x24f: {  	[tilespmem:s19], [sflag:$0x4] =	stream.indirect.gather [hbm4b:s3+s7], $0x80, s20, s7, $0xb8;
	[tilespmem:$0x19900] =	vst v63  }
0x250: {  	_ =	swait.ge [sflag:s17], $0x4000  }
0x251: {  	[sflag:s17] =	ssyncset.done $0x0  }
0x252: {  	[sflag:s17] =	ssyncadd.s32 $0xFFFFC000  }
0x253: {  	_ =	swait.ge [sflag:s16], $0x4000  }
0x254: {  	[sflag:s16] =	ssyncset.done $0x0  }
0x255: {  	s20 =	rddreg [dreg:$0x10];
	[sflag:s16] =	ssyncadd.s32 $0xFFFFC000  }
0x256: {  	[hbm4b:s20+s2] =	stream.linear.scatter [tilespmem:s6], [sflag:$0x9], $0x8000, $0x38;
	[tilespmem:$0x19900] =	vst v63  }
0x257: {  	_ =	swait.ge [sflag:s13], $0x8000  }
0x258: {  	s0 =	sld [smem:$0x7F2]  }
0x259: {  	[sflag:s13] =	ssyncset.done $0x0  }
0x25a: {  	s20 =	sld [smem:$0x7F3];
	[sflag:s13] =	ssyncadd.s32 $0xFFFF8000  }
0x25b: {  	[tilespmem:s6], [sflag:$0x5] =	stream.indirect.gather [hbm4b:s3+s7], $0x80, s0, s7, $0xb8;
	[tilespmem:$0x19900] =	vst v63  }
0x25c: {  	_ = 	snop  }
0x25d: {  	[tilespmem:s18], [sflag:$0x6] =	stream.indirect.gather [hbm4b:s3+s7], $0x80, s20, s7, $0xb8;
	[tilespmem:$0x19900] =	vst v63  }
0x25e: {  	_ =	swait.ge [sflag:s10], $0x4000  }
0x25f: {  	[sflag:s10] =	ssyncset.done $0x0  }
0x260: {  	[sflag:s10] =	ssyncadd.s32 $0xFFFFC000  }
0x261: {  	_ =	swait.ge [sflag:s9], $0x4000  }
0x262: {  	[sflag:s9] =	ssyncset.done $0x0  }
0x263: {  	s20 =	rddreg [dreg:$0x11];
	[sflag:s9] =	ssyncadd.s32 $0xFFFFC000  }
0x264: {  	[hbm4b:s20+s2] =	stream.linear.scatter [tilespmem:s4], [sflag:$0x7], $0x8000, $0x38;
	[tilespmem:$0x19900] =	vst v63  }
0x265: {  	_ =	swait.ge [sflag:s5], $0x8000  }
0x266: {  	s0 =	sld [smem:$0x7F4]  }
0x267: {  	[sflag:s5] =	ssyncset.done $0x0  }
0x268: {  	s20 =	sld [smem:$0x7F5];
	[sflag:s5] =	ssyncadd.s32 $0xFFFF8000  }
0x269: {  	[tilespmem:s4], [sflag:$0x1] =	stream.indirect.gather [hbm4b:s3+s7], $0x80, s0, s7, $0xb8;
	[tilespmem:$0x19900] =	vst v63  }
0x26a: {  	_ = 	snop  }
0x26b: {  	[tilespmem:s11], [sflag:$0x2] =	stream.indirect.gather [hbm4b:s3+s7], $0x80, s20, s7, $0xb8;
	[tilespmem:$0x19900] =	vst v63  }
0x26c: {  	_ =	swait.ge [sflag:s15], $0x4000  }
0x26d: {  	[sflag:s15] =	ssyncset.done $0x0  }
0x26e: {  	[sflag:s15] =	ssyncadd.s32 $0xFFFFC000  }
0x26f: {  	_ =	swait.ge [sflag:s14], $0x4000  }
0x270: {  	[sflag:s14] =	ssyncset.done $0x0  }
0x271: {  	s20 =	rddreg [dreg:$0x12];
	[sflag:s14] =	ssyncadd.s32 $0xFFFFC000  }
0x272: {  	[hbm4b:s20+s2] =	stream.linear.scatter [tilespmem:s8], [sflag:$0x8], $0x8000, $0x38;
	[tilespmem:$0x19900] =	vst v63  }
0x273: {  	_ =	swait.ge [sflag:s12], $0x8000  }
0x274: {  	s0 =	sld [smem:$0x7F6]  }
0x275: {  	[sflag:s12] =	ssyncset.done $0x0  }
0x276: {  	s20 =	sld [smem:$0x7F7];
	[sflag:s12] =	ssyncadd.s32 $0xFFFF8000  }
0x277: {  	[tilespmem:s8], [sflag:$0x3] =	stream.indirect.gather [hbm4b:s3+s7], $0x80, s0, s7, $0xb8;
	[tilespmem:$0x19900] =	vst v63  }
0x278: {  	_ = 	snop  }
0x279: {  	[tilespmem:s19], [sflag:$0x4] =	stream.indirect.gather [hbm4b:s3+s7], $0x80, s20, s7, $0xb8;
	[tilespmem:$0x19900] =	vst v63  }
0x27a: {  	_ =	swait.ge [sflag:s17], $0x4000  }
0x27b: {  	[sflag:s17] =	ssyncset.done $0x0  }
0x27c: {  	[sflag:s17] =	ssyncadd.s32 $0xFFFFC000  }
0x27d: {  	_ =	swait.ge [sflag:s16], $0x4000  }
0x27e: {  	[sflag:s16] =	ssyncset.done $0x0  }
0x27f: {  	s20 =	rddreg [dreg:$0x13];
	[sflag:s16] =	ssyncadd.s32 $0xFFFFC000  }
0x280: {  	[hbm4b:s20+s2] =	stream.linear.scatter [tilespmem:s6], [sflag:$0x9], $0x8000, $0x38;
	[tilespmem:$0x19900] =	vst v63  }
0x281: {  	_ =	swait.ge [sflag:s13], $0x8000  }
0x282: {  	s0 =	sld [smem:$0x7F8]  }
0x283: {  	[sflag:s13] =	ssyncset.done $0x0  }
0x284: {  	s20 =	sld [smem:$0x7F9];
	[sflag:s13] =	ssyncadd.s32 $0xFFFF8000  }
0x285: {  	[tilespmem:s6], [sflag:$0x5] =	stream.indirect.gather [hbm4b:s3+s7], $0x80, s0, s7, $0xb8;
	[tilespmem:$0x19900] =	vst v63  }
0x286: {  	_ = 	snop  }
0x287: {  	[tilespmem:s18], [sflag:$0x6] =	stream.indirect.gather [hbm4b:s3+s7], $0x80, s20, s7, $0xb8;
	[tilespmem:$0x19900] =	vst v63  }
0x288: {  	_ =	swait.ge [sflag:s10], $0x4000  }
0x289: {  	[sflag:s10] =	ssyncset.done $0x0  }
0x28a: {  	[sflag:s10] =	ssyncadd.s32 $0xFFFFC000  }
0x28b: {  	_ =	swait.ge [sflag:s9], $0x4000  }
0x28c: {  	[sflag:s9] =	ssyncset.done $0x0  }
0x28d: {  	s20 =	rddreg [dreg:$0x14];
	[sflag:s9] =	ssyncadd.s32 $0xFFFFC000  }
0x28e: {  	[hbm4b:s20+s2] =	stream.linear.scatter [tilespmem:s4], [sflag:$0x7], $0x8000, $0x38;
	[tilespmem:$0x19900] =	vst v63  }
0x28f: {  	_ =	swait.ge [sflag:s5], $0x8000  }
0x290: {  	s0 =	sld [smem:$0x7FA]  }
0x291: {  	[sflag:s5] =	ssyncset.done $0x0  }
0x292: {  	s20 =	sld [smem:$0x7FB];
	[sflag:s5] =	ssyncadd.s32 $0xFFFF8000  }
0x293: {  	[tilespmem:s4], [sflag:$0x1] =	stream.indirect.gather [hbm4b:s3+s7], $0x80, s0, s7, $0xb8;
	[tilespmem:$0x19900] =	vst v63  }
0x294: {  	_ = 	snop  }
0x295: {  	[tilespmem:s11], [sflag:$0x2] =	stream.indirect.gather [hbm4b:s3+s7], $0x80, s20, s7, $0xb8;
	[tilespmem:$0x19900] =	vst v63  }
0x296: {  	_ =	swait.ge [sflag:s15], $0x4000  }
0x297: {  	[sflag:s15] =	ssyncset.done $0x0  }
0x298: {  	[sflag:s15] =	ssyncadd.s32 $0xFFFFC000  }
0x299: {  	_ =	swait.ge [sflag:s14], $0x4000  }
0x29a: {  	[sflag:s14] =	ssyncset.done $0x0  }
0x29b: {  	s20 =	rddreg [dreg:$0x15];
	[sflag:s14] =	ssyncadd.s32 $0xFFFFC000  }
0x29c: {  	[hbm4b:s20+s2] =	stream.linear.scatter [tilespmem:s8], [sflag:$0x8], $0x8000, $0x38;
	[tilespmem:$0x19900] =	vst v63  }
0x29d: {  	_ =	swait.ge [sflag:s12], $0x8000  }
0x29e: {  	s0 =	sld [smem:$0x7FC]  }
0x29f: {  	[sflag:s12] =	ssyncset.done $0x0  }
0x2a0: {  	s20 =	sld [smem:$0x7FD];
	[sflag:s12] =	ssyncadd.s32 $0xFFFF8000  }
0x2a1: {  	[tilespmem:s8], [sflag:$0x3] =	stream.indirect.gather [hbm4b:s3+s7], $0x80, s0, s7, $0xb8;
	[tilespmem:$0x19900] =	vst v63  }
0x2a2: {  	_ = 	snop  }
0x2a3: {  	[tilespmem:s19], [sflag:$0x4] =	stream.indirect.gather [hbm4b:s3+s7], $0x80, s20, s7, $0xb8;
	[tilespmem:$0x19900] =	vst v63  }
0x2a4: {  	_ =	swait.ge [sflag:s17], $0x4000  }
0x2a5: {  	[sflag:s17] =	ssyncset.done $0x0  }
0x2a6: {  	[sflag:s17] =	ssyncadd.s32 $0xFFFFC000  }
0x2a7: {  	_ =	swait.ge [sflag:s16], $0x4000  }
0x2a8: {  	[sflag:s16] =	ssyncset.done $0x0  }
0x2a9: {  	s20 =	rddreg [dreg:$0x16];
	[sflag:s16] =	ssyncadd.s32 $0xFFFFC000  }
0x2aa: {  	[hbm4b:s20+s2] =	stream.linear.scatter [tilespmem:s6], [sflag:$0x9], $0x8000, $0x38;
	[tilespmem:$0x19900] =	vst v63  }
0x2ab: {  	_ =	swait.ge [sflag:s13], $0x8000  }
0x2ac: {  	[sflag:s13] =	ssyncset.done $0x0  }
0x2ad: {  	[sflag:s13] =	ssyncadd.s32 $0xFFFF8000  }
0x2ae: {  	[tilespmem:s6], [sflag:$0x5] =	stream.indirect.gather [hbm4b:s3+s7], $0x80, s30, s7, $0xb8;
	[tilespmem:$0x19900] =	vst v63  }
0x2af: {  	_ = 	snop  }
0x2b0: {  	[tilespmem:s18], [sflag:$0x6] =	stream.indirect.gather [hbm4b:s3+s7], $0x80, s28, s7, $0xb8;
	[tilespmem:$0x19900] =	vst v63  }
0x2b1: {  	_ =	swait.ge [sflag:s10], $0x4000  }
0x2b2: {  	[sflag:s10] =	ssyncset.done $0x0  }
0x2b3: {  	[sflag:s10] =	ssyncadd.s32 $0xFFFFC000  }
0x2b4: {  	_ =	swait.ge [sflag:s9], $0x4000  }
0x2b5: {  	[sflag:s9] =	ssyncset.done $0x0  }
0x2b6: {  	s20 =	rddreg [dreg:$0x17];
	[sflag:s9] =	ssyncadd.s32 $0xFFFFC000  }
0x2b7: {  	[hbm4b:s20+s2] =	stream.linear.scatter [tilespmem:s4], [sflag:$0x7], $0x8000, $0x38;
	[tilespmem:$0x19900] =	vst v63  }
0x2b8: {  	_ =	swait.ge [sflag:s5], $0x8000  }
0x2b9: {  	[sflag:s5] =	ssyncset.done $0x0  }
0x2ba: {  	s20 =	simm.s32 $0x1500;
	[sflag:s5] =	ssyncadd.s32 $0xFFFF8000  }
0x2bb: {  	[tilespmem:s4], [sflag:$0x1] =	stream.indirect.gather [hbm4b:s3+s7], $0x80, s20, s7, $0xb8;
	[tilespmem:$0x19900] =	vst v63  }
0x2bc: {  	_ = 	snop  }
0x2bd: {  	[tilespmem:s11], [sflag:$0x2] =	stream.indirect.gather [hbm4b:s3+s7], $0x80, s29, s7, $0xb8;
	[tilespmem:$0x19900] =	vst v63  }
0x2be: {  	_ =	swait.ge [sflag:s15], $0x4000  }
0x2bf: {  	[sflag:s15] =	ssyncset.done $0x0  }
0x2c0: {  	[sflag:s15] =	ssyncadd.s32 $0xFFFFC000  }
0x2c1: {  	_ =	swait.ge [sflag:s14], $0x4000  }
0x2c2: {  	[sflag:s14] =	ssyncset.done $0x0  }
0x2c3: {  	s20 =	rddreg [dreg:$0x18];
	[sflag:s14] =	ssyncadd.s32 $0xFFFFC000  }
0x2c4: {  	[hbm4b:s20+s2] =	stream.linear.scatter [tilespmem:s8], [sflag:$0x8], $0x8000, $0x38;
	[tilespmem:$0x19900] =	vst v63  }
0x2c5: {  	_ =	swait.ge [sflag:s12], $0x8000  }
0x2c6: {  	[sflag:s12] =	ssyncset.done $0x0  }
0x2c7: {  	[sflag:s12] =	ssyncadd.s32 $0xFFFF8000  }
0x2c8: {  	[tilespmem:s8], [sflag:$0x3] =	stream.indirect.gather [hbm4b:s3+s7], $0x80, s25, s7, $0xb8;
	[tilespmem:$0x19900] =	vst v63  }
0x2c9: {  	_ = 	snop  }
0x2ca: {  	[tilespmem:s19], [sflag:$0x4] =	stream.indirect.gather [hbm4b:s3+s7], $0x80, s26, s7, $0xb8;
	[tilespmem:$0x19900] =	vst v63  }
0x2cb: {  	_ =	swait.ge [sflag:s17], $0x4000  }
0x2cc: {  	[sflag:s17] =	ssyncset.done $0x0  }
0x2cd: {  	[sflag:s17] =	ssyncadd.s32 $0xFFFFC000  }
0x2ce: {  	_ =	swait.ge [sflag:s16], $0x4000  }
0x2cf: {  	[sflag:s16] =	ssyncset.done $0x0  }
0x2d0: {  	s20 =	rddreg [dreg:$0x19];
	[sflag:s16] =	ssyncadd.s32 $0xFFFFC000  }
0x2d1: {  	[hbm4b:s20+s2] =	stream.linear.scatter [tilespmem:s6], [sflag:$0x9], $0x8000, $0x38;
	[tilespmem:$0x19900] =	vst v63  }
0x2d2: {  	_ =	swait.ge [sflag:s13], $0x8000  }
0x2d3: {  	[sflag:s13] =	ssyncset.done $0x0  }
0x2d4: {  	[sflag:s13] =	ssyncadd.s32 $0xFFFF8000  }
0x2d5: {  	[tilespmem:s6], [sflag:$0x5] =	stream.indirect.gather [hbm4b:s3+s7], $0x80, s23, s7, $0xb8;
	[tilespmem:$0x19900] =	vst v63  }
0x2d6: {  	_ = 	snop  }
0x2d7: {  	[tilespmem:s18], [sflag:$0x6] =	stream.indirect.gather [hbm4b:s3+s7], $0x80, s24, s7, $0xb8;
	[tilespmem:$0x19900] =	vst v63  }
0x2d8: {  	_ =	swait.ge [sflag:s10], $0x4000  }
0x2d9: {  	[sflag:s10] =	ssyncset.done $0x0  }
0x2da: {  	[sflag:s10] =	ssyncadd.s32 $0xFFFFC000  }
0x2db: {  	_ =	swait.ge [sflag:s9], $0x4000  }
0x2dc: {  	[sflag:s9] =	ssyncset.done $0x0  }
0x2dd: {  	s20 =	rddreg [dreg:$0x1a];
	[sflag:s9] =	ssyncadd.s32 $0xFFFFC000  }
0x2de: {  	[hbm4b:s20+s2] =	stream.linear.scatter [tilespmem:s4], [sflag:$0x7], $0x8000, $0x38;
	[tilespmem:$0x19900] =	vst v63  }
0x2df: {  	_ =	swait.ge [sflag:s5], $0x8000  }
0x2e0: {  	[sflag:s5] =	ssyncset.done $0x0  }
0x2e1: {  	[sflag:s5] =	ssyncadd.s32 $0xFFFF8000  }
0x2e2: {  	[tilespmem:s4], [sflag:$0x1] =	stream.indirect.gather [hbm4b:s3+s7], $0x80, s21, s7, $0xb8;
	[tilespmem:$0x19900] =	vst v63  }
0x2e3: {  	_ = 	snop  }
0x2e4: {  	[tilespmem:s11], [sflag:$0x2] =	stream.indirect.gather [hbm4b:s3+s7], $0x80, s22, s7, $0xb8;
	[tilespmem:$0x19900] =	vst v63  }
0x2e5: {  	_ =	swait.ge [sflag:s15], $0x4000  }
0x2e6: {  	[sflag:s15] =	ssyncset.done $0x0  }
0x2e7: {  	[sflag:s15] =	ssyncadd.s32 $0xFFFFC000  }
0x2e8: {  	_ =	swait.ge [sflag:s14], $0x4000  }
0x2e9: {  	[sflag:s14] =	ssyncset.done $0x0  }
0x2ea: {  	s20 =	rddreg [dreg:$0x1b];
	[sflag:s14] =	ssyncadd.s32 $0xFFFFC000  }
0x2eb: {  	[hbm4b:s20+s2] =	stream.linear.scatter [tilespmem:s8], [sflag:$0x8], $0x8000, $0x38;
	[tilespmem:$0x19900] =	vst v63  }
0x2ec: {  	_ =	swait.ge [sflag:s17], $0x4000  }
0x2ed: {  	[sflag:s17] =	ssyncset.done $0x0  }
0x2ee: {  	[sflag:s17] =	ssyncadd.s32 $0xFFFFC000  }
0x2ef: {  	_ =	swait.ge [sflag:s16], $0x4000  }
0x2f0: {  	[sflag:s16] =	ssyncset.done $0x0  }
0x2f1: {  	s20 =	rddreg [dreg:$0x1c];
	[sflag:s16] =	ssyncadd.s32 $0xFFFFC000  }
0x2f2: {  	[hbm4b:s20+s2] =	stream.linear.scatter [tilespmem:s6], [sflag:$0x9], $0x8000, $0x38;
	[tilespmem:$0x19900] =	vst v63  }
0x2f3: {  	_ =	swait.ge [sflag:s10], $0x4000  }
0x2f4: {  	[sflag:s10] =	ssyncset.done $0x0  }
0x2f5: {  	[sflag:s10] =	ssyncadd.s32 $0xFFFFC000  }
0x2f6: {  	_ =	swait.ge [sflag:s9], $0x4000  }
0x2f7: {  	[sflag:s9] =	ssyncset.done $0x0  }
0x2f8: {  	s20 =	rddreg [dreg:$0x1d];
	[sflag:s9] =	ssyncadd.s32 $0xFFFFC000  }
0x2f9: {  	[hbm4b:s20+s2] =	stream.linear.scatter [tilespmem:s4], [sflag:$0x7], $0x8000, $0x38;
	[tilespmem:$0x19900] =	vst v63  }
0x2fa: {  	_ =	swait.ge [sflag:s12], $0x8000  }
0x2fb: {  	[sflag:s12] =	ssyncset.done $0x0  }
0x2fc: {  	p1 =	sne.s32 s1, $0x1;
	[sflag:s12] =	ssyncadd.s32 $0xFFFF8000  }
.Ltmp2:
0x2fd: {  	_ =	swait.ge [sflag:s13], $0x8000;
	(pc) =	sbr.rel @p1 .LBB2_4-.Ltmp2, $4  }
0x2fe: {  	[sflag:s13] =	ssyncset.done $0x0  }
0x2ff: {  	[sflag:s13] =	ssyncadd.s32 $0xFFFF8000  }
0x300: {  	_ =	swait.ge [sflag:s5], $0x8000  }
0x301: {  	s1 =	sadd.s32 $0xFFFFFFFF, s1;
	s0 =	rddreg [dreg:$0x4];
	[sflag:s5] =	ssyncset.done $0x0  }
0x302: {  	s22 =	simm.s32 $0x1480  }
0x303: {  	s30 =	simm.s32 $0x1400;
	s29 =	simm.s32 $0x1580;
	s28 =	simm.s32 $0x1500  }
0x304: {  	s26 =	simm.s32 $0x1680;
	s25 =	simm.s32 $0x1600;
	s24 =	simm.s32 $0x1780  }
0x305: {  	s23 =	simm.s32 $0x1700;
	s21 =	simm.s32 $0x1800;
	s20 =	stileid.u32  }
.LBB2_6:
0x306: {  	[sflag:s5] =	ssyncadd.s32 @p0 $0xFFFF8000  }
0x307: {  	[tilespmem:s2], [sflag:$0xA] =	stream.linear.gather [hbm4b:s0+s2], $0x1900, $0x38;
	[tilespmem:$0x19900] =	vst v63  }
0x308: {  	_ =	swait.ge [sflag:s31], $0x1900  }
0x309: {  	[sflag:s31] =	ssyncset.done $0x0  }
0x30a: {  	[sflag:s31] =	ssyncadd.s32 $0xFFFFE700  }
0x30b: {  	[tilespmem:s4], [sflag:$0x1] =	stream.indirect.gather [hbm4b:s3+s7], $0x80, s2, s7, $0xb8;
	[tilespmem:$0x19900] =	vst v63  }
0x30c: {  	s1 =	rddreg [dreg:$0x1f]  }
0x30d: {  	[tilespmem:s11], [sflag:$0x2] =	stream.indirect.gather [hbm4b:s3+s7], $0x80, s7, s7, $0xb8;
	[tilespmem:$0x19900] =	vst v63  }
0x30e: {  	s31 =	rddreg [dreg:$0x1e]  }
0x30f: {  	[tilespmem:s8], [sflag:$0x3] =	stream.indirect.gather [hbm4b:s3+s7], $0x80, s31, s7, $0xb8;
	[tilespmem:$0x19900] =	vst v63  }
0x310: {  	s0 =	sld [smem:$0x7DA]  }
0x311: {  	[tilespmem:s19], [sflag:$0x4] =	stream.indirect.gather [hbm4b:s3+s7], $0x80, s1, s7, $0xb8;
	[tilespmem:$0x19900] =	vst v63  }
0x312: {  	s31 =	sld [smem:$0x7DB]  }
0x313: {  	[tilespmem:s6], [sflag:$0x5] =	stream.indirect.gather [hbm4b:s3+s7], $0x80, s0, s7, $0xb8;
	[tilespmem:$0x19900] =	vst v63  }
0x314: {  	_ = 	snop  }
0x315: {  	[tilespmem:s18], [sflag:$0x6] =	stream.indirect.gather [hbm4b:s3+s7], $0x80, s31, s7, $0xb8;
	[tilespmem:$0x19900] =	vst v63  }
0x316: {  	_ =	swait.ge [sflag:s10], $0x4000  }
0x317: {  	[sflag:s10] =	ssyncset.done $0x0  }
0x318: {  	[sflag:s10] =	ssyncadd.s32 $0xFFFFC000  }
0x319: {  	_ =	swait.ge [sflag:s9], $0x4000  }
0x31a: {  	[sflag:s9] =	ssyncset.done $0x0  }
0x31b: {  	s31 =	rddreg [dreg:$0x5];
	[sflag:s9] =	ssyncadd.s32 $0xFFFFC000  }
0x31c: {  	[hbm4b:s31+s2] =	stream.linear.scatter [tilespmem:s4], [sflag:$0x7], $0x8000, $0x38;
	[tilespmem:$0x19900] =	vst v63  }
0x31d: {  	_ =	swait.ge [sflag:s5], $0x8000  }
0x31e: {  	s1 =	sld [smem:$0x7DC]  }
0x31f: {  	[sflag:s5] =	ssyncset.done $0x0  }
0x320: {  	s31 =	sld [smem:$0x7DD];
	[sflag:s5] =	ssyncadd.s32 $0xFFFF8000  }
0x321: {  	[tilespmem:s4], [sflag:$0x1] =	stream.indirect.gather [hbm4b:s3+s7], $0x80, s1, s7, $0xb8;
	[tilespmem:$0x19900] =	vst v63  }
0x322: {  	_ = 	snop  }
0x323: {  	[tilespmem:s11], [sflag:$0x2] =	stream.indirect.gather [hbm4b:s3+s7], $0x80, s31, s7, $0xb8;
	[tilespmem:$0x19900] =	vst v63  }
0x324: {  	_ =	swait.ge [sflag:s15], $0x4000  }
0x325: {  	[sflag:s15] =	ssyncset.done $0x0  }
0x326: {  	[sflag:s15] =	ssyncadd.s32 $0xFFFFC000  }
0x327: {  	_ =	swait.ge [sflag:s14], $0x4000  }
0x328: {  	[sflag:s14] =	ssyncset.done $0x0  }
0x329: {  	s31 =	rddreg [dreg:$0x6];
	[sflag:s14] =	ssyncadd.s32 $0xFFFFC000  }
0x32a: {  	[hbm4b:s31+s2] =	stream.linear.scatter [tilespmem:s8], [sflag:$0x8], $0x8000, $0x38;
	[tilespmem:$0x19900] =	vst v63  }
0x32b: {  	_ =	swait.ge [sflag:s12], $0x8000  }
0x32c: {  	s1 =	sld [smem:$0x7DE]  }
0x32d: {  	[sflag:s12] =	ssyncset.done $0x0  }
0x32e: {  	s31 =	sld [smem:$0x7DF];
	[sflag:s12] =	ssyncadd.s32 $0xFFFF8000  }
0x32f: {  	[tilespmem:s8], [sflag:$0x3] =	stream.indirect.gather [hbm4b:s3+s7], $0x80, s1, s7, $0xb8;
	[tilespmem:$0x19900] =	vst v63  }
0x330: {  	_ = 	snop  }
0x331: {  	[tilespmem:s19], [sflag:$0x4] =	stream.indirect.gather [hbm4b:s3+s7], $0x80, s31, s7, $0xb8;
	[tilespmem:$0x19900] =	vst v63  }
0x332: {  	_ =	swait.ge [sflag:s17], $0x4000  }
0x333: {  	[sflag:s17] =	ssyncset.done $0x0  }
0x334: {  	[sflag:s17] =	ssyncadd.s32 $0xFFFFC000  }
0x335: {  	_ =	swait.ge [sflag:s16], $0x4000  }
0x336: {  	[sflag:s16] =	ssyncset.done $0x0  }
0x337: {  	s31 =	rddreg [dreg:$0x7];
	[sflag:s16] =	ssyncadd.s32 $0xFFFFC000  }
0x338: {  	[hbm4b:s31+s2] =	stream.linear.scatter [tilespmem:s6], [sflag:$0x9], $0x8000, $0x38;
	[tilespmem:$0x19900] =	vst v63  }
0x339: {  	_ =	swait.ge [sflag:s13], $0x8000  }
0x33a: {  	s1 =	sld [smem:$0x7E0]  }
0x33b: {  	[sflag:s13] =	ssyncset.done $0x0  }
0x33c: {  	s31 =	sld [smem:$0x7E1];
	[sflag:s13] =	ssyncadd.s32 $0xFFFF8000  }
0x33d: {  	[tilespmem:s6], [sflag:$0x5] =	stream.indirect.gather [hbm4b:s3+s7], $0x80, s1, s7, $0xb8;
	[tilespmem:$0x19900] =	vst v63  }
0x33e: {  	_ = 	snop  }
0x33f: {  	[tilespmem:s18], [sflag:$0x6] =	stream.indirect.gather [hbm4b:s3+s7], $0x80, s31, s7, $0xb8;
	[tilespmem:$0x19900] =	vst v63  }
0x340: {  	_ =	swait.ge [sflag:s10], $0x4000  }
0x341: {  	[sflag:s10] =	ssyncset.done $0x0  }
0x342: {  	[sflag:s10] =	ssyncadd.s32 $0xFFFFC000  }
0x343: {  	_ =	swait.ge [sflag:s9], $0x4000  }
0x344: {  	[sflag:s9] =	ssyncset.done $0x0  }
0x345: {  	s31 =	rddreg [dreg:$0x8];
	[sflag:s9] =	ssyncadd.s32 $0xFFFFC000  }
0x346: {  	[hbm4b:s31+s2] =	stream.linear.scatter [tilespmem:s4], [sflag:$0x7], $0x8000, $0x38;
	[tilespmem:$0x19900] =	vst v63  }
0x347: {  	_ =	swait.ge [sflag:s5], $0x8000  }
0x348: {  	s1 =	sld [smem:$0x7E2]  }
0x349: {  	[sflag:s5] =	ssyncset.done $0x0  }
0x34a: {  	s31 =	sld [smem:$0x7E3];
	[sflag:s5] =	ssyncadd.s32 $0xFFFF8000  }
0x34b: {  	[tilespmem:s4], [sflag:$0x1] =	stream.indirect.gather [hbm4b:s3+s7], $0x80, s1, s7, $0xb8;
	[tilespmem:$0x19900] =	vst v63  }
0x34c: {  	_ = 	snop  }
0x34d: {  	[tilespmem:s11], [sflag:$0x2] =	stream.indirect.gather [hbm4b:s3+s7], $0x80, s31, s7, $0xb8;
	[tilespmem:$0x19900] =	vst v63  }
0x34e: {  	_ =	swait.ge [sflag:s15], $0x4000  }
0x34f: {  	[sflag:s15] =	ssyncset.done $0x0  }
0x350: {  	[sflag:s15] =	ssyncadd.s32 $0xFFFFC000  }
0x351: {  	_ =	swait.ge [sflag:s14], $0x4000  }
0x352: {  	[sflag:s14] =	ssyncset.done $0x0  }
0x353: {  	s31 =	rddreg [dreg:$0x9];
	[sflag:s14] =	ssyncadd.s32 $0xFFFFC000  }
0x354: {  	[hbm4b:s31+s2] =	stream.linear.scatter [tilespmem:s8], [sflag:$0x8], $0x8000, $0x38;
	[tilespmem:$0x19900] =	vst v63  }
0x355: {  	_ =	swait.ge [sflag:s12], $0x8000  }
0x356: {  	s1 =	sld [smem:$0x7E4]  }
0x357: {  	[sflag:s12] =	ssyncset.done $0x0  }
0x358: {  	s31 =	sld [smem:$0x7E5];
	[sflag:s12] =	ssyncadd.s32 $0xFFFF8000  }
0x359: {  	[tilespmem:s8], [sflag:$0x3] =	stream.indirect.gather [hbm4b:s3+s7], $0x80, s1, s7, $0xb8;
	[tilespmem:$0x19900] =	vst v63  }
0x35a: {  	_ = 	snop  }
0x35b: {  	[tilespmem:s19], [sflag:$0x4] =	stream.indirect.gather [hbm4b:s3+s7], $0x80, s31, s7, $0xb8;
	[tilespmem:$0x19900] =	vst v63  }
0x35c: {  	_ =	swait.ge [sflag:s17], $0x4000  }
0x35d: {  	[sflag:s17] =	ssyncset.done $0x0  }
0x35e: {  	[sflag:s17] =	ssyncadd.s32 $0xFFFFC000  }
0x35f: {  	_ =	swait.ge [sflag:s16], $0x4000  }
0x360: {  	[sflag:s16] =	ssyncset.done $0x0  }
0x361: {  	s31 =	rddreg [dreg:$0xa];
	[sflag:s16] =	ssyncadd.s32 $0xFFFFC000  }
0x362: {  	[hbm4b:s31+s2] =	stream.linear.scatter [tilespmem:s6], [sflag:$0x9], $0x8000, $0x38;
	[tilespmem:$0x19900] =	vst v63  }
0x363: {  	_ =	swait.ge [sflag:s13], $0x8000  }
0x364: {  	s1 =	sld [smem:$0x7E6]  }
0x365: {  	[sflag:s13] =	ssyncset.done $0x0  }
0x366: {  	s31 =	sld [smem:$0x7E7];
	[sflag:s13] =	ssyncadd.s32 $0xFFFF8000  }
0x367: {  	[tilespmem:s6], [sflag:$0x5] =	stream.indirect.gather [hbm4b:s3+s7], $0x80, s1, s7, $0xb8;
	[tilespmem:$0x19900] =	vst v63  }
0x368: {  	_ = 	snop  }
0x369: {  	[tilespmem:s18], [sflag:$0x6] =	stream.indirect.gather [hbm4b:s3+s7], $0x80, s31, s7, $0xb8;
	[tilespmem:$0x19900] =	vst v63  }
0x36a: {  	_ =	swait.ge [sflag:s10], $0x4000  }
0x36b: {  	[sflag:s10] =	ssyncset.done $0x0  }
0x36c: {  	[sflag:s10] =	ssyncadd.s32 $0xFFFFC000  }
0x36d: {  	_ =	swait.ge [sflag:s9], $0x4000  }
0x36e: {  	[sflag:s9] =	ssyncset.done $0x0  }
0x36f: {  	s31 =	rddreg [dreg:$0xb];
	[sflag:s9] =	ssyncadd.s32 $0xFFFFC000  }
0x370: {  	[hbm4b:s31+s2] =	stream.linear.scatter [tilespmem:s4], [sflag:$0x7], $0x8000, $0x38;
	[tilespmem:$0x19900] =	vst v63  }
0x371: {  	_ =	swait.ge [sflag:s5], $0x8000  }
0x372: {  	s1 =	sld [smem:$0x7E8]  }
0x373: {  	[sflag:s5] =	ssyncset.done $0x0  }
0x374: {  	s31 =	sld [smem:$0x7E9];
	[sflag:s5] =	ssyncadd.s32 $0xFFFF8000  }
0x375: {  	[tilespmem:s4], [sflag:$0x1] =	stream.indirect.gather [hbm4b:s3+s7], $0x80, s1, s7, $0xb8;
	[tilespmem:$0x19900] =	vst v63  }
0x376: {  	_ = 	snop  }
0x377: {  	[tilespmem:s11], [sflag:$0x2] =	stream.indirect.gather [hbm4b:s3+s7], $0x80, s31, s7, $0xb8;
	[tilespmem:$0x19900] =	vst v63  }
0x378: {  	_ =	swait.ge [sflag:s15], $0x4000  }
0x379: {  	[sflag:s15] =	ssyncset.done $0x0  }
0x37a: {  	[sflag:s15] =	ssyncadd.s32 $0xFFFFC000  }
0x37b: {  	_ =	swait.ge [sflag:s14], $0x4000  }
0x37c: {  	[sflag:s14] =	ssyncset.done $0x0  }
0x37d: {  	s31 =	rddreg [dreg:$0xc];
	[sflag:s14] =	ssyncadd.s32 $0xFFFFC000  }
0x37e: {  	[hbm4b:s31+s2] =	stream.linear.scatter [tilespmem:s8], [sflag:$0x8], $0x8000, $0x38;
	[tilespmem:$0x19900] =	vst v63  }
0x37f: {  	_ =	swait.ge [sflag:s12], $0x8000  }
0x380: {  	s1 =	sld [smem:$0x7EA]  }
0x381: {  	[sflag:s12] =	ssyncset.done $0x0  }
0x382: {  	s31 =	sld [smem:$0x7EB];
	[sflag:s12] =	ssyncadd.s32 $0xFFFF8000  }
0x383: {  	[tilespmem:s8], [sflag:$0x3] =	stream.indirect.gather [hbm4b:s3+s7], $0x80, s1, s7, $0xb8;
	[tilespmem:$0x19900] =	vst v63  }
0x384: {  	_ = 	snop  }
0x385: {  	[tilespmem:s19], [sflag:$0x4] =	stream.indirect.gather [hbm4b:s3+s7], $0x80, s31, s7, $0xb8;
	[tilespmem:$0x19900] =	vst v63  }
0x386: {  	_ =	swait.ge [sflag:s17], $0x4000  }
0x387: {  	[sflag:s17] =	ssyncset.done $0x0  }
0x388: {  	[sflag:s17] =	ssyncadd.s32 $0xFFFFC000  }
0x389: {  	_ =	swait.ge [sflag:s16], $0x4000  }
0x38a: {  	[sflag:s16] =	ssyncset.done $0x0  }
0x38b: {  	s31 =	rddreg [dreg:$0xd];
	[sflag:s16] =	ssyncadd.s32 $0xFFFFC000  }
0x38c: {  	[hbm4b:s31+s2] =	stream.linear.scatter [tilespmem:s6], [sflag:$0x9], $0x8000, $0x38;
	[tilespmem:$0x19900] =	vst v63  }
0x38d: {  	_ =	swait.ge [sflag:s13], $0x8000  }
0x38e: {  	s1 =	sld [smem:$0x7EC]  }
0x38f: {  	[sflag:s13] =	ssyncset.done $0x0  }
0x390: {  	s31 =	sld [smem:$0x7ED];
	[sflag:s13] =	ssyncadd.s32 $0xFFFF8000  }
0x391: {  	[tilespmem:s6], [sflag:$0x5] =	stream.indirect.gather [hbm4b:s3+s7], $0x80, s1, s7, $0xb8;
	[tilespmem:$0x19900] =	vst v63  }
0x392: {  	_ = 	snop  }
0x393: {  	[tilespmem:s18], [sflag:$0x6] =	stream.indirect.gather [hbm4b:s3+s7], $0x80, s31, s7, $0xb8;
	[tilespmem:$0x19900] =	vst v63  }
0x394: {  	_ =	swait.ge [sflag:s10], $0x4000  }
0x395: {  	[sflag:s10] =	ssyncset.done $0x0  }
0x396: {  	[sflag:s10] =	ssyncadd.s32 $0xFFFFC000  }
0x397: {  	_ =	swait.ge [sflag:s9], $0x4000  }
0x398: {  	[sflag:s9] =	ssyncset.done $0x0  }
0x399: {  	s31 =	rddreg [dreg:$0xe];
	[sflag:s9] =	ssyncadd.s32 $0xFFFFC000  }
0x39a: {  	[hbm4b:s31+s2] =	stream.linear.scatter [tilespmem:s4], [sflag:$0x7], $0x8000, $0x38;
	[tilespmem:$0x19900] =	vst v63  }
0x39b: {  	_ =	swait.ge [sflag:s5], $0x8000  }
0x39c: {  	s1 =	sld [smem:$0x7EE]  }
0x39d: {  	[sflag:s5] =	ssyncset.done $0x0  }
0x39e: {  	s31 =	sld [smem:$0x7EF];
	[sflag:s5] =	ssyncadd.s32 $0xFFFF8000  }
0x39f: {  	[tilespmem:s4], [sflag:$0x1] =	stream.indirect.gather [hbm4b:s3+s7], $0x80, s1, s7, $0xb8;
	[tilespmem:$0x19900] =	vst v63  }
0x3a0: {  	_ = 	snop  }
0x3a1: {  	[tilespmem:s11], [sflag:$0x2] =	stream.indirect.gather [hbm4b:s3+s7], $0x80, s31, s7, $0xb8;
	[tilespmem:$0x19900] =	vst v63  }
0x3a2: {  	_ =	swait.ge [sflag:s15], $0x4000  }
0x3a3: {  	[sflag:s15] =	ssyncset.done $0x0  }
0x3a4: {  	[sflag:s15] =	ssyncadd.s32 $0xFFFFC000  }
0x3a5: {  	_ =	swait.ge [sflag:s14], $0x4000  }
0x3a6: {  	[sflag:s14] =	ssyncset.done $0x0  }
0x3a7: {  	s31 =	rddreg [dreg:$0xf];
	[sflag:s14] =	ssyncadd.s32 $0xFFFFC000  }
0x3a8: {  	[hbm4b:s31+s2] =	stream.linear.scatter [tilespmem:s8], [sflag:$0x8], $0x8000, $0x38;
	[tilespmem:$0x19900] =	vst v63  }
0x3a9: {  	_ =	swait.ge [sflag:s12], $0x8000  }
0x3aa: {  	s1 =	sld [smem:$0x7F0]  }
0x3ab: {  	[sflag:s12] =	ssyncset.done $0x0  }
0x3ac: {  	s31 =	sld [smem:$0x7F1];
	[sflag:s12] =	ssyncadd.s32 $0xFFFF8000  }
0x3ad: {  	[tilespmem:s8], [sflag:$0x3] =	stream.indirect.gather [hbm4b:s3+s7], $0x80, s1, s7, $0xb8;
	[tilespmem:$0x19900] =	vst v63  }
0x3ae: {  	_ = 	snop  }
0x3af: {  	[tilespmem:s19], [sflag:$0x4] =	stream.indirect.gather [hbm4b:s3+s7], $0x80, s31, s7, $0xb8;
	[tilespmem:$0x19900] =	vst v63  }
0x3b0: {  	_ =	swait.ge [sflag:s17], $0x4000  }
0x3b1: {  	[sflag:s17] =	ssyncset.done $0x0  }
0x3b2: {  	[sflag:s17] =	ssyncadd.s32 $0xFFFFC000  }
0x3b3: {  	_ =	swait.ge [sflag:s16], $0x4000  }
0x3b4: {  	[sflag:s16] =	ssyncset.done $0x0  }
0x3b5: {  	s31 =	rddreg [dreg:$0x10];
	[sflag:s16] =	ssyncadd.s32 $0xFFFFC000  }
0x3b6: {  	[hbm4b:s31+s2] =	stream.linear.scatter [tilespmem:s6], [sflag:$0x9], $0x8000, $0x38;
	[tilespmem:$0x19900] =	vst v63  }
0x3b7: {  	_ =	swait.ge [sflag:s13], $0x8000  }
0x3b8: {  	s1 =	sld [smem:$0x7F2]  }
0x3b9: {  	[sflag:s13] =	ssyncset.done $0x0  }
0x3ba: {  	s31 =	sld [smem:$0x7F3];
	[sflag:s13] =	ssyncadd.s32 $0xFFFF8000  }
0x3bb: {  	[tilespmem:s6], [sflag:$0x5] =	stream.indirect.gather [hbm4b:s3+s7], $0x80, s1, s7, $0xb8;
	[tilespmem:$0x19900] =	vst v63  }
0x3bc: {  	_ = 	snop  }
0x3bd: {  	[tilespmem:s18], [sflag:$0x6] =	stream.indirect.gather [hbm4b:s3+s7], $0x80, s31, s7, $0xb8;
	[tilespmem:$0x19900] =	vst v63  }
0x3be: {  	_ =	swait.ge [sflag:s10], $0x4000  }
0x3bf: {  	[sflag:s10] =	ssyncset.done $0x0  }
0x3c0: {  	[sflag:s10] =	ssyncadd.s32 $0xFFFFC000  }
0x3c1: {  	_ =	swait.ge [sflag:s9], $0x4000  }
0x3c2: {  	[sflag:s9] =	ssyncset.done $0x0  }
0x3c3: {  	s31 =	rddreg [dreg:$0x11];
	[sflag:s9] =	ssyncadd.s32 $0xFFFFC000  }
0x3c4: {  	[hbm4b:s31+s2] =	stream.linear.scatter [tilespmem:s4], [sflag:$0x7], $0x8000, $0x38;
	[tilespmem:$0x19900] =	vst v63  }
0x3c5: {  	_ =	swait.ge [sflag:s5], $0x8000  }
0x3c6: {  	s1 =	sld [smem:$0x7F4]  }
0x3c7: {  	[sflag:s5] =	ssyncset.done $0x0  }
0x3c8: {  	s31 =	sld [smem:$0x7F5];
	[sflag:s5] =	ssyncadd.s32 $0xFFFF8000  }
0x3c9: {  	[tilespmem:s4], [sflag:$0x1] =	stream.indirect.gather [hbm4b:s3+s7], $0x80, s1, s7, $0xb8;
	[tilespmem:$0x19900] =	vst v63  }
0x3ca: {  	_ = 	snop  }
0x3cb: {  	[tilespmem:s11], [sflag:$0x2] =	stream.indirect.gather [hbm4b:s3+s7], $0x80, s31, s7, $0xb8;
	[tilespmem:$0x19900] =	vst v63  }
0x3cc: {  	_ =	swait.ge [sflag:s15], $0x4000  }
0x3cd: {  	[sflag:s15] =	ssyncset.done $0x0  }
0x3ce: {  	[sflag:s15] =	ssyncadd.s32 $0xFFFFC000  }
0x3cf: {  	_ =	swait.ge [sflag:s14], $0x4000  }
0x3d0: {  	[sflag:s14] =	ssyncset.done $0x0  }
0x3d1: {  	s31 =	rddreg [dreg:$0x12];
	[sflag:s14] =	ssyncadd.s32 $0xFFFFC000  }
0x3d2: {  	[hbm4b:s31+s2] =	stream.linear.scatter [tilespmem:s8], [sflag:$0x8], $0x8000, $0x38;
	[tilespmem:$0x19900] =	vst v63  }
0x3d3: {  	_ =	swait.ge [sflag:s12], $0x8000  }
0x3d4: {  	s1 =	sld [smem:$0x7F6]  }
0x3d5: {  	[sflag:s12] =	ssyncset.done $0x0  }
0x3d6: {  	s31 =	sld [smem:$0x7F7];
	[sflag:s12] =	ssyncadd.s32 $0xFFFF8000  }
0x3d7: {  	[tilespmem:s8], [sflag:$0x3] =	stream.indirect.gather [hbm4b:s3+s7], $0x80, s1, s7, $0xb8;
	[tilespmem:$0x19900] =	vst v63  }
0x3d8: {  	_ = 	snop  }
0x3d9: {  	[tilespmem:s19], [sflag:$0x4] =	stream.indirect.gather [hbm4b:s3+s7], $0x80, s31, s7, $0xb8;
	[tilespmem:$0x19900] =	vst v63  }
0x3da: {  	_ =	swait.ge [sflag:s17], $0x4000  }
0x3db: {  	[sflag:s17] =	ssyncset.done $0x0  }
0x3dc: {  	[sflag:s17] =	ssyncadd.s32 $0xFFFFC000  }
0x3dd: {  	_ =	swait.ge [sflag:s16], $0x4000  }
0x3de: {  	[sflag:s16] =	ssyncset.done $0x0  }
0x3df: {  	s31 =	rddreg [dreg:$0x13];
	[sflag:s16] =	ssyncadd.s32 $0xFFFFC000  }
0x3e0: {  	[hbm4b:s31+s2] =	stream.linear.scatter [tilespmem:s6], [sflag:$0x9], $0x8000, $0x38;
	[tilespmem:$0x19900] =	vst v63  }
0x3e1: {  	_ =	swait.ge [sflag:s13], $0x8000  }
0x3e2: {  	s1 =	sld [smem:$0x7F8]  }
0x3e3: {  	[sflag:s13] =	ssyncset.done $0x0  }
0x3e4: {  	s31 =	sld [smem:$0x7F9];
	[sflag:s13] =	ssyncadd.s32 $0xFFFF8000  }
0x3e5: {  	[tilespmem:s6], [sflag:$0x5] =	stream.indirect.gather [hbm4b:s3+s7], $0x80, s1, s7, $0xb8;
	[tilespmem:$0x19900] =	vst v63  }
0x3e6: {  	_ = 	snop  }
0x3e7: {  	[tilespmem:s18], [sflag:$0x6] =	stream.indirect.gather [hbm4b:s3+s7], $0x80, s31, s7, $0xb8;
	[tilespmem:$0x19900] =	vst v63  }
0x3e8: {  	_ =	swait.ge [sflag:s10], $0x4000  }
0x3e9: {  	[sflag:s10] =	ssyncset.done $0x0  }
0x3ea: {  	[sflag:s10] =	ssyncadd.s32 $0xFFFFC000  }
0x3eb: {  	_ =	swait.ge [sflag:s9], $0x4000  }
0x3ec: {  	[sflag:s9] =	ssyncset.done $0x0  }
0x3ed: {  	s31 =	rddreg [dreg:$0x14];
	[sflag:s9] =	ssyncadd.s32 $0xFFFFC000  }
0x3ee: {  	[hbm4b:s31+s2] =	stream.linear.scatter [tilespmem:s4], [sflag:$0x7], $0x8000, $0x38;
	[tilespmem:$0x19900] =	vst v63  }
0x3ef: {  	_ =	swait.ge [sflag:s5], $0x8000  }
0x3f0: {  	s1 =	sld [smem:$0x7FA]  }
0x3f1: {  	[sflag:s5] =	ssyncset.done $0x0  }
0x3f2: {  	s31 =	sld [smem:$0x7FB];
	[sflag:s5] =	ssyncadd.s32 $0xFFFF8000  }
0x3f3: {  	[tilespmem:s4], [sflag:$0x1] =	stream.indirect.gather [hbm4b:s3+s7], $0x80, s1, s7, $0xb8;
	[tilespmem:$0x19900] =	vst v63  }
0x3f4: {  	_ = 	snop  }
0x3f5: {  	[tilespmem:s11], [sflag:$0x2] =	stream.indirect.gather [hbm4b:s3+s7], $0x80, s31, s7, $0xb8;
	[tilespmem:$0x19900] =	vst v63  }
0x3f6: {  	_ =	swait.ge [sflag:s15], $0x4000  }
0x3f7: {  	[sflag:s15] =	ssyncset.done $0x0  }
0x3f8: {  	[sflag:s15] =	ssyncadd.s32 $0xFFFFC000  }
0x3f9: {  	_ =	swait.ge [sflag:s14], $0x4000  }
0x3fa: {  	[sflag:s14] =	ssyncset.done $0x0  }
0x3fb: {  	s31 =	rddreg [dreg:$0x15];
	[sflag:s14] =	ssyncadd.s32 $0xFFFFC000  }
0x3fc: {  	[hbm4b:s31+s2] =	stream.linear.scatter [tilespmem:s8], [sflag:$0x8], $0x8000, $0x38;
	[tilespmem:$0x19900] =	vst v63  }
0x3fd: {  	_ =	swait.ge [sflag:s12], $0x8000  }
0x3fe: {  	s1 =	sld [smem:$0x7FC]  }
0x3ff: {  	[sflag:s12] =	ssyncset.done $0x0  }
0x400: {  	s31 =	sld [smem:$0x7FD];
	[sflag:s12] =	ssyncadd.s32 $0xFFFF8000  }
0x401: {  	[tilespmem:s8], [sflag:$0x3] =	stream.indirect.gather [hbm4b:s3+s7], $0x80, s1, s7, $0xb8;
	[tilespmem:$0x19900] =	vst v63  }
0x402: {  	_ = 	snop  }
0x403: {  	[tilespmem:s19], [sflag:$0x4] =	stream.indirect.gather [hbm4b:s3+s7], $0x80, s31, s7, $0xb8;
	[tilespmem:$0x19900] =	vst v63  }
0x404: {  	_ =	swait.ge [sflag:s17], $0x4000  }
0x405: {  	[sflag:s17] =	ssyncset.done $0x0  }
0x406: {  	[sflag:s17] =	ssyncadd.s32 $0xFFFFC000  }
0x407: {  	_ =	swait.ge [sflag:s16], $0x4000  }
0x408: {  	[sflag:s16] =	ssyncset.done $0x0  }
0x409: {  	s31 =	rddreg [dreg:$0x16];
	[sflag:s16] =	ssyncadd.s32 $0xFFFFC000  }
0x40a: {  	[hbm4b:s31+s2] =	stream.linear.scatter [tilespmem:s6], [sflag:$0x9], $0x8000, $0x38;
	[tilespmem:$0x19900] =	vst v63  }
0x40b: {  	_ =	swait.ge [sflag:s13], $0x8000  }
0x40c: {  	[sflag:s13] =	ssyncset.done $0x0  }
0x40d: {  	[sflag:s13] =	ssyncadd.s32 $0xFFFF8000  }
0x40e: {  	[tilespmem:s6], [sflag:$0x5] =	stream.indirect.gather [hbm4b:s3+s7], $0x80, s30, s7, $0xb8;
	[tilespmem:$0x19900] =	vst v63  }
0x40f: {  	_ = 	snop  }
0x410: {  	[tilespmem:s18], [sflag:$0x6] =	stream.indirect.gather [hbm4b:s3+s7], $0x80, s22, s7, $0xb8;
	[tilespmem:$0x19900] =	vst v63  }
0x411: {  	_ =	swait.ge [sflag:s10], $0x4000  }
0x412: {  	[sflag:s10] =	ssyncset.done $0x0  }
0x413: {  	[sflag:s10] =	ssyncadd.s32 $0xFFFFC000  }
0x414: {  	_ =	swait.ge [sflag:s9], $0x4000  }
0x415: {  	[sflag:s9] =	ssyncset.done $0x0  }
0x416: {  	s1 =	rddreg [dreg:$0x17];
	[sflag:s9] =	ssyncadd.s32 $0xFFFFC000  }
0x417: {  	[hbm4b:s1+s2] =	stream.linear.scatter [tilespmem:s4], [sflag:$0x7], $0x8000, $0x38;
	[tilespmem:$0x19900] =	vst v63  }
0x418: {  	_ =	swait.ge [sflag:s5], $0x8000  }
0x419: {  	[sflag:s5] =	ssyncset.done $0x0  }
0x41a: {  	[sflag:s5] =	ssyncadd.s32 $0xFFFF8000  }
0x41b: {  	[tilespmem:s4], [sflag:$0x1] =	stream.indirect.gather [hbm4b:s3+s7], $0x80, s28, s7, $0xb8;
	[tilespmem:$0x19900] =	vst v63  }
0x41c: {  	_ = 	snop  }
0x41d: {  	[tilespmem:s11], [sflag:$0x2] =	stream.indirect.gather [hbm4b:s3+s7], $0x80, s29, s7, $0xb8;
	[tilespmem:$0x19900] =	vst v63  }
0x41e: {  	_ =	swait.ge [sflag:s15], $0x4000  }
0x41f: {  	[sflag:s15] =	ssyncset.done $0x0  }
0x420: {  	[sflag:s15] =	ssyncadd.s32 $0xFFFFC000  }
0x421: {  	_ =	swait.ge [sflag:s14], $0x4000  }
0x422: {  	[sflag:s14] =	ssyncset.done $0x0  }
0x423: {  	s22 =	rddreg [dreg:$0x18];
	[sflag:s14] =	ssyncadd.s32 $0xFFFFC000  }
0x424: {  	[hbm4b:s22+s2] =	stream.linear.scatter [tilespmem:s8], [sflag:$0x8], $0x8000, $0x38;
	[tilespmem:$0x19900] =	vst v63  }
0x425: {  	_ =	swait.ge [sflag:s12], $0x8000  }
0x426: {  	[sflag:s12] =	ssyncset.done $0x0  }
0x427: {  	[sflag:s12] =	ssyncadd.s32 $0xFFFF8000  }
0x428: {  	[tilespmem:s8], [sflag:$0x3] =	stream.indirect.gather [hbm4b:s3+s7], $0x80, s25, s7, $0xb8;
	[tilespmem:$0x19900] =	vst v63  }
0x429: {  	_ = 	snop  }
0x42a: {  	[tilespmem:s19], [sflag:$0x4] =	stream.indirect.gather [hbm4b:s3+s7], $0x80, s26, s7, $0xb8;
	[tilespmem:$0x19900] =	vst v63  }
0x42b: {  	_ =	swait.ge [sflag:s17], $0x4000  }
0x42c: {  	[sflag:s17] =	ssyncset.done $0x0  }
0x42d: {  	[sflag:s17] =	ssyncadd.s32 $0xFFFFC000  }
0x42e: {  	_ =	swait.ge [sflag:s16], $0x4000  }
0x42f: {  	[sflag:s16] =	ssyncset.done $0x0  }
0x430: {  	s25 =	rddreg [dreg:$0x19];
	[sflag:s16] =	ssyncadd.s32 $0xFFFFC000  }
0x431: {  	[hbm4b:s25+s2] =	stream.linear.scatter [tilespmem:s6], [sflag:$0x9], $0x8000, $0x38;
	[tilespmem:$0x19900] =	vst v63  }
0x432: {  	_ =	swait.ge [sflag:s13], $0x8000  }
0x433: {  	[sflag:s13] =	ssyncset.done $0x0  }
0x434: {  	[sflag:s13] =	ssyncadd.s32 $0xFFFF8000  }
0x435: {  	[tilespmem:s6], [sflag:$0x5] =	stream.indirect.gather [hbm4b:s3+s7], $0x80, s23, s7, $0xb8;
	[tilespmem:$0x19900] =	vst v63  }
0x436: {  	_ = 	snop  }
0x437: {  	[tilespmem:s18], [sflag:$0x6] =	stream.indirect.gather [hbm4b:s3+s7], $0x80, s24, s7, $0xb8;
	[tilespmem:$0x19900] =	vst v63  }
0x438: {  	_ =	swait.ge [sflag:s10], $0x4000  }
0x439: {  	[sflag:s10] =	ssyncset.done $0x0  }
0x43a: {  	[sflag:s10] =	ssyncadd.s32 $0xFFFFC000  }
0x43b: {  	_ =	swait.ge [sflag:s9], $0x4000  }
0x43c: {  	[sflag:s9] =	ssyncset.done $0x0  }
0x43d: {  	s26 =	rddreg [dreg:$0x1a];
	[sflag:s9] =	ssyncadd.s32 $0xFFFFC000  }
0x43e: {  	[hbm4b:s26+s2] =	stream.linear.scatter [tilespmem:s4], [sflag:$0x7], $0x8000, $0x38;
	[tilespmem:$0x19900] =	vst v63  }
0x43f: {  	_ =	swait.ge [sflag:s5], $0x8000  }
0x440: {  	[sflag:s5] =	ssyncset.done $0x0  }
0x441: {  	[sflag:s5] =	ssyncadd.s32 $0xFFFF8000  }
0x442: {  	[tilespmem:s4], [sflag:$0x1] =	stream.indirect.gather [hbm4b:s3+s7], $0x80, s21, s7, $0xb8;
	[tilespmem:$0x19900] =	vst v63  }
0x443: {  	s28 =	simm.s32 $0x1880  }
0x444: {  	[tilespmem:s11], [sflag:$0x2] =	stream.indirect.gather [hbm4b:s3+s7], $0x80, s28, s7, $0xb8;
	[tilespmem:$0x19900] =	vst v63  }
0x445: {  	_ =	swait.ge [sflag:s15], $0x4000  }
0x446: {  	[sflag:s15] =	ssyncset.done $0x0  }
0x447: {  	[sflag:s15] =	ssyncadd.s32 $0xFFFFC000  }
0x448: {  	_ =	swait.ge [sflag:s14], $0x4000  }
0x449: {  	[sflag:s14] =	ssyncset.done $0x0  }
0x44a: {  	s29 =	rddreg [dreg:$0x1b];
	[sflag:s14] =	ssyncadd.s32 $0xFFFFC000  }
0x44b: {  	[hbm4b:s29+s2] =	stream.linear.scatter [tilespmem:s8], [sflag:$0x8], $0x8000, $0x38;
	[tilespmem:$0x19900] =	vst v63  }
0x44c: {  	_ =	swait.ge [sflag:s17], $0x4000  }
0x44d: {  	[sflag:s17] =	ssyncset.done $0x0  }
0x44e: {  	[sflag:s17] =	ssyncadd.s32 $0xFFFFC000  }
0x44f: {  	_ =	swait.ge [sflag:s16], $0x4000  }
0x450: {  	[sflag:s16] =	ssyncset.done $0x0  }
0x451: {  	s30 =	rddreg [dreg:$0x1c];
	[sflag:s16] =	ssyncadd.s32 $0xFFFFC000  }
0x452: {  	[hbm4b:s30+s2] =	stream.linear.scatter [tilespmem:s6], [sflag:$0x9], $0x8000, $0x38;
	[tilespmem:$0x19900] =	vst v63  }
0x453: {  	_ =	swait.ge [sflag:s10], $0x4000  }
0x454: {  	[sflag:s10] =	ssyncset.done $0x0  }
0x455: {  	[sflag:s10] =	ssyncadd.s32 $0xFFFFC000  }
0x456: {  	_ =	swait.ge [sflag:s9], $0x4000  }
0x457: {  	[sflag:s9] =	ssyncset.done $0x0  }
0x458: {  	s31 =	rddreg [dreg:$0x1d];
	[sflag:s9] =	ssyncadd.s32 $0xFFFFC000  }
0x459: {  	[hbm4b:s31+s2] =	stream.linear.scatter [tilespmem:s4], [sflag:$0x7], $0x8000, $0x38;
	[tilespmem:$0x19900] =	vst v63  }
0x45a: {  	_ =	swait.ge [sflag:s12], $0x8000  }
0x45b: {  	[sflag:s12] =	ssyncset.done $0x0  }
0x45c: {  	[sflag:s12] =	ssyncadd.s32 $0xFFFF8000  }
0x45d: {  	_ =	swait.ge [sflag:s13], $0x8000  }
0x45e: {  	[sflag:s13] =	ssyncset.done $0x0  }
0x45f: {  	[sflag:s13] =	ssyncadd.s32 $0xFFFF8000  }
0x460: {  	_ =	swait.ge [sflag:s5], $0x8000  }
0x461: {  	[sflag:s5] =	ssyncset.done $0x0  }
0x462: {  	[sflag:s5] =	ssyncadd.s32 $0xFFFF8000  }
0x463: {  	_ =	sfence.sel $0x180000  }
0x464: {  	[bflag:$0x0] =	sbarrier.arrive $0xFFFF  }
0x465: {  	_ =	strace $0x90000047  }
0x466: {  	[bflag:$0x2] =	sbarrier.arrive $0xFFFF  }
0x467: {  	p0 =	sne.s32 s20, $0x0;
	s0 =	rddreg [dreg:$0x3]  }
0x468: {  	s0 =	sadd.s32 @!p0 $0x100000, s0  }
0x469: {  	[sflag:s0] =	ssyncadd.tile.s32 @!p0 $0x1;
	_ =	shalt  }
.LBB2_1:
.Ltmp3:
0x46a: {  	(pc) =	sbr.rel .LBB2_6-.Ltmp3, $4  }
0x46b: {  	_ = 	snop  }
0x46c: {  	s22 =	simm.s32 $0x1480;
	s30 =	simm.s32 $0x1400;
	s29 =	simm.s32 $0x1580  }
0x46d: {  	s28 =	simm.s32 $0x1500;
	s26 =	simm.s32 $0x1680;
	s25 =	simm.s32 $0x1600  }
0x46e: {  	s24 =	simm.s32 $0x1780;
	s23 =	simm.s32 $0x1700;
	s21 =	simm.s32 $0x1800  }
.LBB2_3:
.Ltmp4:
0x46f: {  	(pc) =	sbr.rel .LBB2_6-.Ltmp4, $4  }
0x470: {  	s22 =	simm.s32 $0x1480  }
0x471: {  	s30 =	simm.s32 $0x1400;
	s29 =	simm.s32 $0x1580;
	s28 =	simm.s32 $0x1500  }
0x472: {  	s26 =	simm.s32 $0x1680;
	s25 =	simm.s32 $0x1600;
	s24 =	simm.s32 $0x1780  }
0x473: {  	s23 =	simm.s32 $0x1700;
	s21 =	simm.s32 $0x1800;
	s20 =	stileid.u32  }
.Lfunc_end2:
_tile_overlayer_lowered:
.L_overlay_start_2:
0x474: {  	(tag) =	ssettag $0x2  }
0x475: {  	s0 =	rddreg [dreg:$0x0];
	s2 =	stileid.u32  }
0x476: {  	s1 =	rddreg [dreg:$0x1];
	p0 =	sne.s32 s2, $0x0  }
0x477: {  	s3 =	rddreg [dreg:$0x2];
	[bflag:$0x3] =	sbarrier.arrive $0xFFFF;
	s2 =	simm.s32 @!p0 $0x1C0A  }
0x478: {  	[timem:s3], [sflag:s2] =	dma.local @!p0 [hbm:s0], s1  }
0x479: {  	s0 =	simm.s32 @!p0 $0xA  }
0x47a: {  	_ =	swait.ge @!p0 [sflag:s0], s1  }
0x47b: {  	s1 =	ssub.s32 @!p0 $0x0, s1;
	[sflag:s0] =	ssyncset.done @!p0 $0x0  }
0x47c: {  	[sflag:s0] =	ssyncadd.s32 @!p0 s1  }
0x47d: {  	[bflag:$0x3] =	sbarrier.arrive $0xFFFF  }
0x47e: {  	_ =	shalt  }

</sc_bundles>
